<compile_context>
chip_gen: v7x
topology: tpu7x:2x2x1
jax: 0.10.2.dev20260603
libtpu: 0.0.44.dev20260713+nightly
codegen_flags: <defaults>
</compile_context>

<pallas_src>
import functools

import jax
import jax.numpy as jnp
from jax import lax
from jax.experimental import pallas as pl
from jax.experimental.pallas import tpu as pltpu
from jax.experimental.pallas import tpu_sc as plsc

BATCH = 16384
NUM_FEAT = 32
L = 16
PACK = 128 // NUM_FEAT

_info = plsc.get_sparse_core_info()
NC, NS = _info.num_cores, _info.num_subcores
NW = NC * NS
B_PER_W = BATCH // NW
CHUNK = 128
NCHUNK = B_PER_W // CHUNK
PASS_ELEMS = 256
NPASS = B_PER_W // PASS_ELEMS
CPP = PASS_ELEMS // CHUNK


def _body(uidx_hbm, iidx_hbm, wU_hbm, wI_hbm, out_hbm,
          uraw_v, iraw_v, ushift_v, ishift_v, urows_v, irows_v, out_v, sem):
    wid = lax.axis_index("s") * NC + lax.axis_index("c")
    base = wid * B_PER_W

    pltpu.sync_copy(uidx_hbm.at[pl.ds(base, B_PER_W)], uraw_v)
    pltpu.sync_copy(iidx_hbm.at[pl.ds(base, B_PER_W)], iraw_v)

    for k in range(NCHUNK):
        for t in range(CHUNK // L):
            o = k * CHUNK + t * L
            u = uraw_v[pl.ds(o, L)]
            i = iraw_v[pl.ds(o, L)]
            ushift_v[k, pl.ds(t * L, L)] = (
                ((u >> LOG_BC) << LOG_SUB) + (u & (SUB - 1)))
            ishift_v[k, pl.ds(t * L, L)] = (
                ((i >> LOG_BC) << LOG_SUB) + (i & (SUB - 1)))

    for p in range(NPASS):
        copies = []
        for c in range(CPP):
            k = p * CPP + c
            copies.append(pltpu.async_copy(
                wU_hbm.at[ushift_v.at[k]],
                urows_v.at[pl.ds(c * CHUNK, CHUNK)], sem))
            copies.append(pltpu.async_copy(
                wI_hbm.at[ishift_v.at[k]],
                irows_v.at[pl.ds(c * CHUNK, CHUNK)], sem))
        for c in copies:
            c.wait()

        def group(g, _):
            row_ids = g * L + lax.iota(jnp.int32, L)
            u16 = uraw_v[pl.ds(p * PASS_ELEMS + g * L, L)]
            i16 = iraw_v[pl.ds(p * PASS_ELEMS + g * L, L)]
            uq = ((u16 >> LOG_SUB) & (PACK - 1)) * NUM_FEAT
            iq = ((i16 >> LOG_SUB) & (PACK - 1)) * NUM_FEAT
            acc = jnp.zeros((L,), jnp.float32)
            for j in range(NUM_FEAT):
                u = plsc.load_gather(urows_v, [row_ids, uq + j])
                v = plsc.load_gather(irows_v, [row_ids, iq + j])
                acc = acc + u * v
            pr = 1.0 / (1.0 + jnp.exp(-acc))
            plsc.store_scatter(
                out_v, [p * PASS_ELEMS + g * L + lax.iota(jnp.int32, L)], pr)
            return 0

        lax.fori_loop(0, PASS_ELEMS // L, group, 0)

    pltpu.sync_copy(out_v, out_hbm.at[pl.ds(base, B_PER_W)])


@functools.cache
def _build():
    mesh = plsc.VectorSubcoreMesh(core_axis_name="c", subcore_axis_name="s")
    return pl.kernel(
        _body,
        mesh=mesh,
        compiler_params=pltpu.CompilerParams(use_tc_tiling_on_sc=False,
                                             needs_layout_passes=False),
        out_type=jax.ShapeDtypeStruct((BATCH,), jnp.float32),
        scratch_types=[
            pltpu.VMEM((B_PER_W,), jnp.int32),
            pltpu.VMEM((B_PER_W,), jnp.int32),
            pltpu.VMEM((NCHUNK, CHUNK), jnp.int32),
            pltpu.VMEM((NCHUNK, CHUNK), jnp.int32),
            pltpu.VMEM((PASS_ELEMS, 4 * NUM_FEAT), jnp.float32),
            pltpu.VMEM((PASS_ELEMS, 4 * NUM_FEAT), jnp.float32),
            pltpu.VMEM((B_PER_W,), jnp.float32),
            pltpu.SemaphoreType.DMA,
        ],
    )


BC = 65536
SUB = BC // PACK
LOG_BC = BC.bit_length() - 1
LOG_SUB = SUB.bit_length() - 1


def _detile_body(in_ref, out_ref):
    x = in_ref[...]
    z = x.reshape(NUM_FEAT, PACK, SUB)
    stacked = z.transpose(1, 0, 2).reshape(PACK * NUM_FEAT, SUB)
    out_ref[...] = jnp.transpose(stacked)


@functools.cache
def _build_detile(n_rows):
    grid = (n_rows + BC - 1) // BC
    return pl.pallas_call(
        _detile_body,
        grid=(grid,),
        in_specs=[pl.BlockSpec((NUM_FEAT, BC), lambda k: (0, k))],
        out_specs=pl.BlockSpec((SUB, PACK * NUM_FEAT), lambda k: (k, 0)),
        out_shape=jax.ShapeDtypeStruct(
            (grid * SUB, PACK * NUM_FEAT), jnp.float32),
    )


def kernel(user_indices, item_indices, w_User, w_Item):
    wU2 = _build_detile(w_User.shape[0])(w_User.T)
    wI2 = _build_detile(w_Item.shape[0])(w_Item.T)
    return _build()(user_indices.astype(jnp.int32),
                    item_indices.astype(jnp.int32),
                    wU2, wI2)

# --- scband reference (transcript-rebuilt; emitter-appended) ---
"""Pipeline reference for scband-pmf-32684701123398 (READ-ONLY COPY).

The authoritative reference and input builder live on the scoring server;
editing this copy changes nothing except your own understanding.
"""

import jax, jax.numpy as jnp
import numpy as np

USER_NUM = 1000000
ITEM_NUM = 100000
NUM_FEAT = 32
BATCH = 16384


def setup_inputs(seed: int = 0) -> dict:
    key = jax.random.key(seed)
    k1, k2, k3, k4 = jax.random.split(key, 4)
    user_indices = jax.random.randint(k1, (BATCH,), 0, USER_NUM, dtype=jnp.int64 if jax.config.jax_enable_x64 else jnp.int32)
    item_indices = jax.random.randint(k2, (BATCH,), 0, ITEM_NUM, dtype=jnp.int64 if jax.config.jax_enable_x64 else jnp.int32)
    w_User = 0.1 * jax.random.normal(k3, (USER_NUM, NUM_FEAT), dtype=jnp.float32)
    w_Item = 0.1 * jax.random.normal(k4, (ITEM_NUM, NUM_FEAT), dtype=jnp.float32)
    return {"user_indices": user_indices, "item_indices": item_indices, "w_User": w_User, "w_Item": w_Item}


def reference(user_indices, item_indices, w_User, w_Item):
    # gather embeddings
    user_vec = jnp.take(w_User, user_indices, axis=0)
    item_vec = jnp.take(w_Item, item_indices, axis=0)
    pred_scores = jnp.sum(user_vec * item_vec, axis=1)
    pred_scores = jax.nn.sigmoid(pred_scores)
    return pred_scores

if __name__ == "__main__":
    import jax
    _d = setup_inputs()
    print(jax.jit(kernel)(*tuple(_d.values())))

</pallas_src>

<mosaic_0001>
#map = affine_map<(d0, d1) -> (0)>
#map1 = affine_map<(d0, d1) -> (0, 0)>
module attributes {stable_mosaic.version = 14 : i64} {
  func.func @_body(%arg0: i32, %arg1: i32, %arg2: memref<16384xi32, #tpu.memory_space<hbm>>, %arg3: memref<16384xi32, #tpu.memory_space<hbm>>, %arg4: memref<262144x128xf32, #tpu.memory_space<hbm>>, %arg5: memref<32768x128xf32, #tpu.memory_space<hbm>>, %arg6: memref<16384xf32, #tpu.memory_space<hbm>>, %arg7: memref<512xi32, #tpu.memory_space<vmem>>, %arg8: memref<512xi32, #tpu.memory_space<vmem>>, %arg9: memref<4x128xi32, #tpu.memory_space<vmem>>, %arg10: memref<4x128xi32, #tpu.memory_space<vmem>>, %arg11: memref<256x128xf32, #tpu.memory_space<vmem>>, %arg12: memref<256x128xf32, #tpu.memory_space<vmem>>, %arg13: memref<512xf32, #tpu.memory_space<vmem>>, %arg14: memref<!tpu.dma_semaphore, #tpu.memory_space<semaphore_mem>>) attributes {dimension_semantics = [#tpu.dimension_semantics<core_parallel>, #tpu.dimension_semantics<subcore_parallel>], iteration_bounds = array<i64: 2, 16>, scalar_prefetch = 0 : i64, scratch_operands = 8 : i64, tpu.core_type = #tpu.core_type<sc_vector_subcore>, window_params = [{transform_indices = #map}, {transform_indices = #map}, {transform_indices = #map1}, {transform_indices = #map1}, {transform_indices = #map}]} {
    %mul3A = arith.constant 2 : i32
    %mul3A_0 = arith.muli %arg1, %mul3A : i32
    %add3A = arith.addi %mul3A_0, %arg0 : i32
    %mul3A_1 = arith.constant 512 : i32
    %mul3A_2 = arith.muli %add3A, %mul3A_1 : i32
    "tpu.region"() ({
      %run_scoped3A = tpu.sem_alloc : memref<!tpu.dma_semaphore, #tpu.memory_space<semaphore_mem>>
      %dma_start3A_1193 = tpu.memref_slice %arg2[%mul3A_2] : memref<16384xi32, #tpu.memory_space<hbm>> -> memref<512xi32, #tpu.memory_space<hbm>>
      %dma_start3A_1194 = tpu.memref_slice %arg2[%mul3A_2] : memref<16384xi32, #tpu.memory_space<hbm>> -> memref<512xi32, #tpu.memory_space<hbm>>
      tpu.enqueue_dma source(%dma_start3A_1194 : memref<512xi32, #tpu.memory_space<hbm>>) target(%arg7 : memref<512xi32, #tpu.memory_space<vmem>>) target_semaphore(%run_scoped3A : memref<!tpu.dma_semaphore, #tpu.memory_space<semaphore_mem>>)
      %dma_wait3A_1195 = tpu.memref_slice %arg2[%mul3A_2] : memref<16384xi32, #tpu.memory_space<hbm>> -> memref<512xi32, #tpu.memory_space<hbm>>
      %dma_wait3A_1196 = tpu.memref_slice %arg2[%mul3A_2] : memref<16384xi32, #tpu.memory_space<hbm>> -> memref<512xi32, #tpu.memory_space<hbm>>
      tpu.wait_dma2 semaphore(%run_scoped3A : memref<!tpu.dma_semaphore, #tpu.memory_space<semaphore_mem>>) src(%dma_wait3A_1196 : memref<512xi32, #tpu.memory_space<hbm>>) dst(%arg7 : memref<512xi32, #tpu.memory_space<vmem>>)
      tpu.yield
    }) : () -> ()
    "tpu.region"() ({
      %run_scoped3A = tpu.sem_alloc : memref<!tpu.dma_semaphore, #tpu.memory_space<semaphore_mem>>
      %dma_start3A_1193 = tpu.memref_slice %arg3[%mul3A_2] : memref<16384xi32, #tpu.memory_space<hbm>> -> memref<512xi32, #tpu.memory_space<hbm>>
      %dma_start3A_1194 = tpu.memref_slice %arg3[%mul3A_2] : memref<16384xi32, #tpu.memory_space<hbm>> -> memref<512xi32, #tpu.memory_space<hbm>>
      tpu.enqueue_dma source(%dma_start3A_1194 : memref<512xi32, #tpu.memory_space<hbm>>) target(%arg8 : memref<512xi32, #tpu.memory_space<vmem>>) target_semaphore(%run_scoped3A : memref<!tpu.dma_semaphore, #tpu.memory_space<semaphore_mem>>)
      %dma_wait3A_1195 = tpu.memref_slice %arg3[%mul3A_2] : memref<16384xi32, #tpu.memory_space<hbm>> -> memref<512xi32, #tpu.memory_space<hbm>>
      %dma_wait3A_1196 = tpu.memref_slice %arg3[%mul3A_2] : memref<16384xi32, #tpu.memory_space<hbm>> -> memref<512xi32, #tpu.memory_space<hbm>>
      tpu.wait_dma2 semaphore(%run_scoped3A : memref<!tpu.dma_semaphore, #tpu.memory_space<semaphore_mem>>) src(%dma_wait3A_1196 : memref<512xi32, #tpu.memory_space<hbm>>) dst(%arg8 : memref<512xi32, #tpu.memory_space<vmem>>)
      tpu.yield
    }) : () -> ()
    %get3A = arith.constant 0 : index
    %get3A_3 = tpu.vector_load %arg7[%get3A] {strides = array<i32>} : memref<512xi32, #tpu.memory_space<vmem>>, vector<16xi32>,
    %get3A_4 = arith.constant 0 : index
    %get3A_5 = tpu.vector_load %arg8[%get3A_4] {strides = array<i32>} : memref<512xi32, #tpu.memory_space<vmem>>, vector<16xi32>,
    %shift_right_arithmetic3A = arith.constant 16 : i32
    %shift_right_arithmetic3A_6 = vector.broadcast %shift_right_arithmetic3A : i32 to vector<16xi32>
    %shift_right_arithmetic3A_7 = arith.shrsi %get3A_3, %shift_right_arithmetic3A_6 : vector<16xi32>
    %shift_left3A = arith.constant 14 : i32
    %shift_left3A_8 = vector.broadcast %shift_left3A : i32 to vector<16xi32>
    %shift_left3A_9 = arith.shli %shift_right_arithmetic3A_7, %shift_left3A_8 : vector<16xi32>
    %and3A = arith.constant 16383 : i32
    %and3A_10 = vector.broadcast %and3A : i32 to vector<16xi32>
    %and3A_11 = arith.andi %get3A_3, %and3A_10 : vector<16xi32>
    %add3A_12 = arith.addi %shift_left3A_9, %and3A_11 : vector<16xi32>
    %swap3A = arith.constant 0 : i32
    %swap3A_13 = arith.index_cast %swap3A : i32 to index
    %swap3A_14 = arith.constant 0 : index
    %swap3A_15 = tpu.vector_load %arg9[%swap3A_13, %swap3A_14] {strides = array<i32>} : memref<4x128xi32, #tpu.memory_space<vmem>>, vector<16xi32>,
    tpu.vector_store %arg9[%swap3A_13, %swap3A_14], %add3A_12 {strides = array<i32>} : memref<4x128xi32, #tpu.memory_space<vmem>>, vector<16xi32>,
    %shift_right_arithmetic3A_16 = arith.constant 16 : i32
    %shift_right_arithmetic3A_17 = vector.broadcast %shift_right_arithmetic3A_16 : i32 to vector<16xi32>
    %shift_right_arithmetic3A_18 = arith.shrsi %get3A_5, %shift_right_arithmetic3A_17 : vector<16xi32>
    %shift_left3A_19 = arith.constant 14 : i32
    %shift_left3A_20 = vector.broadcast %shift_left3A_19 : i32 to vector<16xi32>
    %shift_left3A_21 = arith.shli %shift_right_arithmetic3A_18, %shift_left3A_20 : vector<16xi32>
    %and3A_22 = arith.constant 16383 : i32
    %and3A_23 = vector.broadcast %and3A_22 : i32 to vector<16xi32>
    %and3A_24 = arith.andi %get3A_5, %and3A_23 : vector<16xi32>
    %add3A_25 = arith.addi %shift_left3A_21, %and3A_24 : vector<16xi32>
    %swap3A_26 = arith.constant 0 : i32
    %swap3A_27 = arith.index_cast %swap3A_26 : i32 to index
    %swap3A_28 = arith.constant 0 : index
    %swap3A_29 = tpu.vector_load %arg10[%swap3A_27, %swap3A_28] {strides = array<i32>} : memref<4x128xi32, #tpu.memory_space<vmem>>, vector<16xi32>,
    tpu.vector_store %arg10[%swap3A_27, %swap3A_28], %add3A_25 {strides = array<i32>} : memref<4x128xi32, #tpu.memory_space<vmem>>, vector<16xi32>,
    %get3A_30 = arith.constant 16 : index
    %get3A_31 = tpu.vector_load %arg7[%get3A_30] {strides = array<i32>} : memref<512xi32, #tpu.memory_space<vmem>>, vector<16xi32>,
    %get3A_32 = arith.constant 16 : index
    %get3A_33 = tpu.vector_load %arg8[%get3A_32] {strides = array<i32>} : memref<512xi32, #tpu.memory_space<vmem>>, vector<16xi32>,
    %shift_right_arithmetic3A_34 = arith.constant 16 : i32
    %shift_right_arithmetic3A_35 = vector.broadcast %shift_right_arithmetic3A_34 : i32 to vector<16xi32>
    %shift_right_arithmetic3A_36 = arith.shrsi %get3A_31, %shift_right_arithmetic3A_35 : vector<16xi32>
    %shift_left3A_37 = arith.constant 14 : i32
    %shift_left3A_38 = vector.broadcast %shift_left3A_37 : i32 to vector<16xi32>
    %shift_left3A_39 = arith.shli %shift_right_arithmetic3A_36, %shift_left3A_38 : vector<16xi32>
    %and3A_40 = arith.constant 16383 : i32
    %and3A_41 = vector.broadcast %and3A_40 : i32 to vector<16xi32>
    %and3A_42 = arith.andi %get3A_31, %and3A_41 : vector<16xi32>
    %add3A_43 = arith.addi %shift_left3A_39, %and3A_42 : vector<16xi32>
    %swap3A_44 = arith.constant 0 : i32
    %swap3A_45 = arith.index_cast %swap3A_44 : i32 to index
    %swap3A_46 = arith.constant 16 : index
    %swap3A_47 = tpu.vector_load %arg9[%swap3A_45, %swap3A_46] {strides = array<i32>} : memref<4x128xi32, #tpu.memory_space<vmem>>, vector<16xi32>,
    tpu.vector_store %arg9[%swap3A_45, %swap3A_46], %add3A_43 {strides = array<i32>} : memref<4x128xi32, #tpu.memory_space<vmem>>, vector<16xi32>,
    %shift_right_arithmetic3A_48 = arith.constant 16 : i32
    %shift_right_arithmetic3A_49 = vector.broadcast %shift_right_arithmetic3A_48 : i32 to vector<16xi32>
    %shift_right_arithmetic3A_50 = arith.shrsi %get3A_33, %shift_right_arithmetic3A_49 : vector<16xi32>
    %shift_left3A_51 = arith.constant 14 : i32
    %shift_left3A_52 = vector.broadcast %shift_left3A_51 : i32 to vector<16xi32>
    %shift_left3A_53 = arith.shli %shift_right_arithmetic3A_50, %shift_left3A_52 : vector<16xi32>
    %and3A_54 = arith.constant 16383 : i32
    %and3A_55 = vector.broadcast %and3A_54 : i32 to vector<16xi32>
    %and3A_56 = arith.andi %get3A_33, %and3A_55 : vector<16xi32>
    %add3A_57 = arith.addi %shift_left3A_53, %and3A_56 : vector<16xi32>
    %swap3A_58 = arith.constant 0 : i32
    %swap3A_59 = arith.index_cast %swap3A_58 : i32 to index
    %swap3A_60 = arith.constant 16 : index
    %swap3A_61 = tpu.vector_load %arg10[%swap3A_59, %swap3A_60] {strides = array<i32>} : memref<4x128xi32, #tpu.memory_space<vmem>>, vector<16xi32>,
    tpu.vector_store %arg10[%swap3A_59, %swap3A_60], %add3A_57 {strides = array<i32>} : memref<4x128xi32, #tpu.memory_space<vmem>>, vector<16xi32>,
    %get3A_62 = arith.constant 32 : index
    %get3A_63 = tpu.vector_load %arg7[%get3A_62] {strides = array<i32>} : memref<512xi32, #tpu.memory_space<vmem>>, vector<16xi32>,
    %get3A_64 = arith.constant 32 : index
    %get3A_65 = tpu.vector_load %arg8[%get3A_64] {strides = array<i32>} : memref<512xi32, #tpu.memory_space<vmem>>, vector<16xi32>,
    %shift_right_arithmetic3A_66 = arith.constant 16 : i32
    %shift_right_arithmetic3A_67 = vector.broadcast %shift_right_arithmetic3A_66 : i32 to vector<16xi32>
    %shift_right_arithmetic3A_68 = arith.shrsi %get3A_63, %shift_right_arithmetic3A_67 : vector<16xi32>
    %shift_left3A_69 = arith.constant 14 : i32
    %shift_left3A_70 = vector.broadcast %shift_left3A_69 : i32 to vector<16xi32>
    %shift_left3A_71 = arith.shli %shift_right_arithmetic3A_68, %shift_left3A_70 : vector<16xi32>
    %and3A_72 = arith.constant 16383 : i32
    %and3A_73 = vector.broadcast %and3A_72 : i32 to vector<16xi32>
    %and3A_74 = arith.andi %get3A_63, %and3A_73 : vector<16xi32>
    %add3A_75 = arith.addi %shift_left3A_71, %and3A_74 : vector<16xi32>
    %swap3A_76 = arith.constant 0 : i32
    %swap3A_77 = arith.index_cast %swap3A_76 : i32 to index
    %swap3A_78 = arith.constant 32 : index
    %swap3A_79 = tpu.vector_load %arg9[%swap3A_77, %swap3A_78] {strides = array<i32>} : memref<4x128xi32, #tpu.memory_space<vmem>>, vector<16xi32>,
    tpu.vector_store %arg9[%swap3A_77, %swap3A_78], %add3A_75 {strides = array<i32>} : memref<4x128xi32, #tpu.memory_space<vmem>>, vector<16xi32>,
    %shift_right_arithmetic3A_80 = arith.constant 16 : i32
    %shift_right_arithmetic3A_81 = vector.broadcast %shift_right_arithmetic3A_80 : i32 to vector<16xi32>
    %shift_right_arithmetic3A_82 = arith.shrsi %get3A_65, %shift_right_arithmetic3A_81 : vector<16xi32>
    %shift_left3A_83 = arith.constant 14 : i32
    %shift_left3A_84 = vector.broadcast %shift_left3A_83 : i32 to vector<16xi32>
    %shift_left3A_85 = arith.shli %shift_right_arithmetic3A_82, %shift_left3A_84 : vector<16xi32>
    %and3A_86 = arith.constant 16383 : i32
    %and3A_87 = vector.broadcast %and3A_86 : i32 to vector<16xi32>
    %and3A_88 = arith.andi %get3A_65, %and3A_87 : vector<16xi32>
    %add3A_89 = arith.addi %shift_left3A_85, %and3A_88 : vector<16xi32>
    %swap3A_90 = arith.constant 0 : i32
    %swap3A_91 = arith.index_cast %swap3A_90 : i32 to index
    %swap3A_92 = arith.constant 32 : index
    %swap3A_93 = tpu.vector_load %arg10[%swap3A_91, %swap3A_92] {strides = array<i32>} : memref<4x128xi32, #tpu.memory_space<vmem>>, vector<16xi32>,
    tpu.vector_store %arg10[%swap3A_91, %swap3A_92], %add3A_89 {strides = array<i32>} : memref<4x128xi32, #tpu.memory_space<vmem>>, vector<16xi32>,
    %get3A_94 = arith.constant 48 : index
    %get3A_95 = tpu.vector_load %arg7[%get3A_94] {strides = array<i32>} : memref<512xi32, #tpu.memory_space<vmem>>, vector<16xi32>,
    %get3A_96 = arith.constant 48 : index
    %get3A_97 = tpu.vector_load %arg8[%get3A_96] {strides = array<i32>} : memref<512xi32, #tpu.memory_space<vmem>>, vector<16xi32>,
    %shift_right_arithmetic3A_98 = arith.constant 16 : i32
    %shift_right_arithmetic3A_99 = vector.broadcast %shift_right_arithmetic3A_98 : i32 to vector<16xi32>
    %shift_right_arithmetic3A_100 = arith.shrsi %get3A_95, %shift_right_arithmetic3A_99 : vector<16xi32>
    %shift_left3A_101 = arith.constant 14 : i32
    %shift_left3A_102 = vector.broadcast %shift_left3A_101 : i32 to vector<16xi32>
    %shift_left3A_103 = arith.shli %shift_right_arithmetic3A_100, %shift_left3A_102 : vector<16xi32>
    %and3A_104 = arith.constant 16383 : i32
    %and3A_105 = vector.broadcast %and3A_104 : i32 to vector<16xi32>
    %and3A_106 = arith.andi %get3A_95, %and3A_105 : vector<16xi32>
    %add3A_107 = arith.addi %shift_left3A_103, %and3A_106 : vector<16xi32>
    %swap3A_108 = arith.constant 0 : i32
    %swap3A_109 = arith.index_cast %swap3A_108 : i32 to index
    %swap3A_110 = arith.constant 48 : index
    %swap3A_111 = tpu.vector_load %arg9[%swap3A_109, %swap3A_110] {strides = array<i32>} : memref<4x128xi32, #tpu.memory_space<vmem>>, vector<16xi32>,
    tpu.vector_store %arg9[%swap3A_109, %swap3A_110], %add3A_107 {strides = array<i32>} : memref<4x128xi32, #tpu.memory_space<vmem>>, vector<16xi32>,
    %shift_right_arithmetic3A_112 = arith.constant 16 : i32
    %shift_right_arithmetic3A_113 = vector.broadcast %shift_right_arithmetic3A_112 : i32 to vector<16xi32>
    %shift_right_arithmetic3A_114 = arith.shrsi %get3A_97, %shift_right_arithmetic3A_113 : vector<16xi32>
    %shift_left3A_115 = arith.constant 14 : i32
    %shift_left3A_116 = vector.broadcast %shift_left3A_115 : i32 to vector<16xi32>
    %shift_left3A_117 = arith.shli %shift_right_arithmetic3A_114, %shift_left3A_116 : vector<16xi32>
    %and3A_118 = arith.constant 16383 : i32
    %and3A_119 = vector.broadcast %and3A_118 : i32 to vector<16xi32>
    %and3A_120 = arith.andi %get3A_97, %and3A_119 : vector<16xi32>
    %add3A_121 = arith.addi %shift_left3A_117, %and3A_120 : vector<16xi32>
    %swap3A_122 = arith.constant 0 : i32
    %swap3A_123 = arith.index_cast %swap3A_122 : i32 to index
    %swap3A_124 = arith.constant 48 : index
    %swap3A_125 = tpu.vector_load %arg10[%swap3A_123, %swap3A_124] {strides = array<i32>} : memref<4x128xi32, #tpu.memory_space<vmem>>, vector<16xi32>,
    tpu.vector_store %arg10[%swap3A_123, %swap3A_124], %add3A_121 {strides = array<i32>} : memref<4x128xi32, #tpu.memory_space<vmem>>, vector<16xi32>,
    %get3A_126 = arith.constant 64 : index
    %get3A_127 = tpu.vector_load %arg7[%get3A_126] {strides = array<i32>} : memref<512xi32, #tpu.memory_space<vmem>>, vector<16xi32>,
    %get3A_128 = arith.constant 64 : index
    %get3A_129 = tpu.vector_load %arg8[%get3A_128] {strides = array<i32>} : memref<512xi32, #tpu.memory_space<vmem>>, vector<16xi32>,
    %shift_right_arithmetic3A_130 = arith.constant 16 : i32
    %shift_right_arithmetic3A_131 = vector.broadcast %shift_right_arithmetic3A_130 : i32 to vector<16xi32>
    %shift_right_arithmetic3A_132 = arith.shrsi %get3A_127, %shift_right_arithmetic3A_131 : vector<16xi32>
    %shift_left3A_133 = arith.constant 14 : i32
    %shift_left3A_134 = vector.broadcast %shift_left3A_133 : i32 to vector<16xi32>
    %shift_left3A_135 = arith.shli %shift_right_arithmetic3A_132, %shift_left3A_134 : vector<16xi32>
    %and3A_136 = arith.constant 16383 : i32
    %and3A_137 = vector.broadcast %and3A_136 : i32 to vector<16xi32>
    %and3A_138 = arith.andi %get3A_127, %and3A_137 : vector<16xi32>
    %add3A_139 = arith.addi %shift_left3A_135, %and3A_138 : vector<16xi32>
    %swap3A_140 = arith.constant 0 : i32
    %swap3A_141 = arith.index_cast %swap3A_140 : i32 to index
    %swap3A_142 = arith.constant 64 : index
    %swap3A_143 = tpu.vector_load %arg9[%swap3A_141, %swap3A_142] {strides = array<i32>} : memref<4x128xi32, #tpu.memory_space<vmem>>, vector<16xi32>,
    tpu.vector_store %arg9[%swap3A_141, %swap3A_142], %add3A_139 {strides = array<i32>} : memref<4x128xi32, #tpu.memory_space<vmem>>, vector<16xi32>,
    %shift_right_arithmetic3A_144 = arith.constant 16 : i32
    %shift_right_arithmetic3A_145 = vector.broadcast %shift_right_arithmetic3A_144 : i32 to vector<16xi32>
    %shift_right_arithmetic3A_146 = arith.shrsi %get3A_129, %shift_right_arithmetic3A_145 : vector<16xi32>
    %shift_left3A_147 = arith.constant 14 : i32
    %shift_left3A_148 = vector.broadcast %shift_left3A_147 : i32 to vector<16xi32>
    %shift_left3A_149 = arith.shli %shift_right_arithmetic3A_146, %shift_left3A_148 : vector<16xi32>
    %and3A_150 = arith.constant 16383 : i32
    %and3A_151 = vector.broadcast %and3A_150 : i32 to vector<16xi32>
    %and3A_152 = arith.andi %get3A_129, %and3A_151 : vector<16xi32>
    %add3A_153 = arith.addi %shift_left3A_149, %and3A_152 : vector<16xi32>
    %swap3A_154 = arith.constant 0 : i32
    %swap3A_155 = arith.index_cast %swap3A_154 : i32 to index
    %swap3A_156 = arith.constant 64 : index
    %swap3A_157 = tpu.vector_load %arg10[%swap3A_155, %swap3A_156] {strides = array<i32>} : memref<4x128xi32, #tpu.memory_space<vmem>>, vector<16xi32>,
    tpu.vector_store %arg10[%swap3A_155, %swap3A_156], %add3A_153 {strides = array<i32>} : memref<4x128xi32, #tpu.memory_space<vmem>>, vector<16xi32>,
    %get3A_158 = arith.constant 80 : index
    %get3A_159 = tpu.vector_load %arg7[%get3A_158] {strides = array<i32>} : memref<512xi32, #tpu.memory_space<vmem>>, vector<16xi32>,
    %get3A_160 = arith.constant 80 : index
    %get3A_161 = tpu.vector_load %arg8[%get3A_160] {strides = array<i32>} : memref<512xi32, #tpu.memory_space<vmem>>, vector<16xi32>,
    %shift_right_arithmetic3A_162 = arith.constant 16 : i32
    %shift_right_arithmetic3A_163 = vector.broadcast %shift_right_arithmetic3A_162 : i32 to vector<16xi32>
    %shift_right_arithmetic3A_164 = arith.shrsi %get3A_159, %shift_right_arithmetic3A_163 : vector<16xi32>
    %shift_left3A_165 = arith.constant 14 : i32
    %shift_left3A_166 = vector.broadcast %shift_left3A_165 : i32 to vector<16xi32>
    %shift_left3A_167 = arith.shli %shift_right_arithmetic3A_164, %shift_left3A_166 : vector<16xi32>
    %and3A_168 = arith.constant 16383 : i32
    %and3A_169 = vector.broadcast %and3A_168 : i32 to vector<16xi32>
    %and3A_170 = arith.andi %get3A_159, %and3A_169 : vector<16xi32>
    %add3A_171 = arith.addi %shift_left3A_167, %and3A_170 : vector<16xi32>
    %swap3A_172 = arith.constant 0 : i32
    %swap3A_173 = arith.index_cast %swap3A_172 : i32 to index
    %swap3A_174 = arith.constant 80 : index
    %swap3A_175 = tpu.vector_load %arg9[%swap3A_173, %swap3A_174] {strides = array<i32>} : memref<4x128xi32, #tpu.memory_space<vmem>>, vector<16xi32>,
    tpu.vector_store %arg9[%swap3A_173, %swap3A_174], %add3A_171 {strides = array<i32>} : memref<4x128xi32, #tpu.memory_space<vmem>>, vector<16xi32>,
    %shift_right_arithmetic3A_176 = arith.constant 16 : i32
    %shift_right_arithmetic3A_177 = vector.broadcast %shift_right_arithmetic3A_176 : i32 to vector<16xi32>
    %shift_right_arithmetic3A_178 = arith.shrsi %get3A_161, %shift_right_arithmetic3A_177 : vector<16xi32>
    %shift_left3A_179 = arith.constant 14 : i32
    %shift_left3A_180 = vector.broadcast %shift_left3A_179 : i32 to vector<16xi32>
    %shift_left3A_181 = arith.shli %shift_right_arithmetic3A_178, %shift_left3A_180 : vector<16xi32>
    %and3A_182 = arith.constant 16383 : i32
    %and3A_183 = vector.broadcast %and3A_182 : i32 to vector<16xi32>
    %and3A_184 = arith.andi %get3A_161, %and3A_183 : vector<16xi32>
    %add3A_185 = arith.addi %shift_left3A_181, %and3A_184 : vector<16xi32>
    %swap3A_186 = arith.constant 0 : i32
    %swap3A_187 = arith.index_cast %swap3A_186 : i32 to index
    %swap3A_188 = arith.constant 80 : index
    %swap3A_189 = tpu.vector_load %arg10[%swap3A_187, %swap3A_188] {strides = array<i32>} : memref<4x128xi32, #tpu.memory_space<vmem>>, vector<16xi32>,
    tpu.vector_store %arg10[%swap3A_187, %swap3A_188], %add3A_185 {strides = array<i32>} : memref<4x128xi32, #tpu.memory_space<vmem>>, vector<16xi32>,
    %get3A_190 = arith.constant 96 : index
    %get3A_191 = tpu.vector_load %arg7[%get3A_190] {strides = array<i32>} : memref<512xi32, #tpu.memory_space<vmem>>, vector<16xi32>,
    %get3A_192 = arith.constant 96 : index
    %get3A_193 = tpu.vector_load %arg8[%get3A_192] {strides = array<i32>} : memref<512xi32, #tpu.memory_space<vmem>>, vector<16xi32>,
    %shift_right_arithmetic3A_194 = arith.constant 16 : i32
    %shift_right_arithmetic3A_195 = vector.broadcast %shift_right_arithmetic3A_194 : i32 to vector<16xi32>
    %shift_right_arithmetic3A_196 = arith.shrsi %get3A_191, %shift_right_arithmetic3A_195 : vector<16xi32>
    %shift_left3A_197 = arith.constant 14 : i32
    %shift_left3A_198 = vector.broadcast %shift_left3A_197 : i32 to vector<16xi32>
    %shift_left3A_199 = arith.shli %shift_right_arithmetic3A_196, %shift_left3A_198 : vector<16xi32>
    %and3A_200 = arith.constant 16383 : i32
    %and3A_201 = vector.broadcast %and3A_200 : i32 to vector<16xi32>
    %and3A_202 = arith.andi %get3A_191, %and3A_201 : vector<16xi32>
    %add3A_203 = arith.addi %shift_left3A_199, %and3A_202 : vector<16xi32>
    %swap3A_204 = arith.constant 0 : i32
    %swap3A_205 = arith.index_cast %swap3A_204 : i32 to index
    %swap3A_206 = arith.constant 96 : index
    %swap3A_207 = tpu.vector_load %arg9[%swap3A_205, %swap3A_206] {strides = array<i32>} : memref<4x128xi32, #tpu.memory_space<vmem>>, vector<16xi32>,
    tpu.vector_store %arg9[%swap3A_205, %swap3A_206], %add3A_203 {strides = array<i32>} : memref<4x128xi32, #tpu.memory_space<vmem>>, vector<16xi32>,
    %shift_right_arithmetic3A_208 = arith.constant 16 : i32
    %shift_right_arithmetic3A_209 = vector.broadcast %shift_right_arithmetic3A_208 : i32 to vector<16xi32>
    %shift_right_arithmetic3A_210 = arith.shrsi %get3A_193, %shift_right_arithmetic3A_209 : vector<16xi32>
    %shift_left3A_211 = arith.constant 14 : i32
    %shift_left3A_212 = vector.broadcast %shift_left3A_211 : i32 to vector<16xi32>
    %shift_left3A_213 = arith.shli %shift_right_arithmetic3A_210, %shift_left3A_212 : vector<16xi32>
    %and3A_214 = arith.constant 16383 : i32
    %and3A_215 = vector.broadcast %and3A_214 : i32 to vector<16xi32>
    %and3A_216 = arith.andi %get3A_193, %and3A_215 : vector<16xi32>
    %add3A_217 = arith.addi %shift_left3A_213, %and3A_216 : vector<16xi32>
    %swap3A_218 = arith.constant 0 : i32
    %swap3A_219 = arith.index_cast %swap3A_218 : i32 to index
    %swap3A_220 = arith.constant 96 : index
    %swap3A_221 = tpu.vector_load %arg10[%swap3A_219, %swap3A_220] {strides = array<i32>} : memref<4x128xi32, #tpu.memory_space<vmem>>, vector<16xi32>,
    tpu.vector_store %arg10[%swap3A_219, %swap3A_220], %add3A_217 {strides = array<i32>} : memref<4x128xi32, #tpu.memory_space<vmem>>, vector<16xi32>,
    %get3A_222 = arith.constant 112 : index
    %get3A_223 = tpu.vector_load %arg7[%get3A_222] {strides = array<i32>} : memref<512xi32, #tpu.memory_space<vmem>>, vector<16xi32>,
    %get3A_224 = arith.constant 112 : index
    %get3A_225 = tpu.vector_load %arg8[%get3A_224] {strides = array<i32>} : memref<512xi32, #tpu.memory_space<vmem>>, vector<16xi32>,
    %shift_right_arithmetic3A_226 = arith.constant 16 : i32
    %shift_right_arithmetic3A_227 = vector.broadcast %shift_right_arithmetic3A_226 : i32 to vector<16xi32>
    %shift_right_arithmetic3A_228 = arith.shrsi %get3A_223, %shift_right_arithmetic3A_227 : vector<16xi32>
    %shift_left3A_229 = arith.constant 14 : i32
    %shift_left3A_230 = vector.broadcast %shift_left3A_229 : i32 to vector<16xi32>
    %shift_left3A_231 = arith.shli %shift_right_arithmetic3A_228, %shift_left3A_230 : vector<16xi32>
    %and3A_232 = arith.constant 16383 : i32
    %and3A_233 = vector.broadcast %and3A_232 : i32 to vector<16xi32>
    %and3A_234 = arith.andi %get3A_223, %and3A_233 : vector<16xi32>
    %add3A_235 = arith.addi %shift_left3A_231, %and3A_234 : vector<16xi32>
    %swap3A_236 = arith.constant 0 : i32
    %swap3A_237 = arith.index_cast %swap3A_236 : i32 to index
    %swap3A_238 = arith.constant 112 : index
    %swap3A_239 = tpu.vector_load %arg9[%swap3A_237, %swap3A_238] {strides = array<i32>} : memref<4x128xi32, #tpu.memory_space<vmem>>, vector<16xi32>,
    tpu.vector_store %arg9[%swap3A_237, %swap3A_238], %add3A_235 {strides = array<i32>} : memref<4x128xi32, #tpu.memory_space<vmem>>, vector<16xi32>,
    %shift_right_arithmetic3A_240 = arith.constant 16 : i32
    %shift_right_arithmetic3A_241 = vector.broadcast %shift_right_arithmetic3A_240 : i32 to vector<16xi32>
    %shift_right_arithmetic3A_242 = arith.shrsi %get3A_225, %shift_right_arithmetic3A_241 : vector<16xi32>
    %shift_left3A_243 = arith.constant 14 : i32
    %shift_left3A_244 = vector.broadcast %shift_left3A_243 : i32 to vector<16xi32>
    %shift_left3A_245 = arith.shli %shift_right_arithmetic3A_242, %shift_left3A_244 : vector<16xi32>
    %and3A_246 = arith.constant 16383 : i32
    %and3A_247 = vector.broadcast %and3A_246 : i32 to vector<16xi32>
    %and3A_248 = arith.andi %get3A_225, %and3A_247 : vector<16xi32>
    %add3A_249 = arith.addi %shift_left3A_245, %and3A_248 : vector<16xi32>
    %swap3A_250 = arith.constant 0 : i32
    %swap3A_251 = arith.index_cast %swap3A_250 : i32 to index
    %swap3A_252 = arith.constant 112 : index
    %swap3A_253 = tpu.vector_load %arg10[%swap3A_251, %swap3A_252] {strides = array<i32>} : memref<4x128xi32, #tpu.memory_space<vmem>>, vector<16xi32>,
    tpu.vector_store %arg10[%swap3A_251, %swap3A_252], %add3A_249 {strides = array<i32>} : memref<4x128xi32, #tpu.memory_space<vmem>>, vector<16xi32>,
    %get3A_254 = arith.constant 128 : index
    %get3A_255 = tpu.vector_load %arg7[%get3A_254] {strides = array<i32>} : memref<512xi32, #tpu.memory_space<vmem>>, vector<16xi32>,
    %get3A_256 = arith.constant 128 : index
    %get3A_257 = tpu.vector_load %arg8[%get3A_256] {strides = array<i32>} : memref<512xi32, #tpu.memory_space<vmem>>, vector<16xi32>,
    %shift_right_arithmetic3A_258 = arith.constant 16 : i32
    %shift_right_arithmetic3A_259 = vector.broadcast %shift_right_arithmetic3A_258 : i32 to vector<16xi32>
    %shift_right_arithmetic3A_260 = arith.shrsi %get3A_255, %shift_right_arithmetic3A_259 : vector<16xi32>
    %shift_left3A_261 = arith.constant 14 : i32
    %shift_left3A_262 = vector.broadcast %shift_left3A_261 : i32 to vector<16xi32>
    %shift_left3A_263 = arith.shli %shift_right_arithmetic3A_260, %shift_left3A_262 : vector<16xi32>
    %and3A_264 = arith.constant 16383 : i32
    %and3A_265 = vector.broadcast %and3A_264 : i32 to vector<16xi32>
    %and3A_266 = arith.andi %get3A_255, %and3A_265 : vector<16xi32>
    %add3A_267 = arith.addi %shift_left3A_263, %and3A_266 : vector<16xi32>
    %swap3A_268 = arith.constant 1 : i32
    %swap3A_269 = arith.index_cast %swap3A_268 : i32 to index
    %swap3A_270 = arith.constant 0 : index
    %swap3A_271 = tpu.vector_load %arg9[%swap3A_269, %swap3A_270] {strides = array<i32>} : memref<4x128xi32, #tpu.memory_space<vmem>>, vector<16xi32>,
    tpu.vector_store %arg9[%swap3A_269, %swap3A_270], %add3A_267 {strides = array<i32>} : memref<4x128xi32, #tpu.memory_space<vmem>>, vector<16xi32>,
    %shift_right_arithmetic3A_272 = arith.constant 16 : i32
    %shift_right_arithmetic3A_273 = vector.broadcast %shift_right_arithmetic3A_272 : i32 to vector<16xi32>
    %shift_right_arithmetic3A_274 = arith.shrsi %get3A_257, %shift_right_arithmetic3A_273 : vector<16xi32>
    %shift_left3A_275 = arith.constant 14 : i32
    %shift_left3A_276 = vector.broadcast %shift_left3A_275 : i32 to vector<16xi32>
    %shift_left3A_277 = arith.shli %shift_right_arithmetic3A_274, %shift_left3A_276 : vector<16xi32>
    %and3A_278 = arith.constant 16383 : i32
    %and3A_279 = vector.broadcast %and3A_278 : i32 to vector<16xi32>
    %and3A_280 = arith.andi %get3A_257, %and3A_279 : vector<16xi32>
    %add3A_281 = arith.addi %shift_left3A_277, %and3A_280 : vector<16xi32>
    %swap3A_282 = arith.constant 1 : i32
    %swap3A_283 = arith.index_cast %swap3A_282 : i32 to index
    %swap3A_284 = arith.constant 0 : index
    %swap3A_285 = tpu.vector_load %arg10[%swap3A_283, %swap3A_284] {strides = array<i32>} : memref<4x128xi32, #tpu.memory_space<vmem>>, vector<16xi32>,
    tpu.vector_store %arg10[%swap3A_283, %swap3A_284], %add3A_281 {strides = array<i32>} : memref<4x128xi32, #tpu.memory_space<vmem>>, vector<16xi32>,
    %get3A_286 = arith.constant 144 : index
    %get3A_287 = tpu.vector_load %arg7[%get3A_286] {strides = array<i32>} : memref<512xi32, #tpu.memory_space<vmem>>, vector<16xi32>,
    %get3A_288 = arith.constant 144 : index
    %get3A_289 = tpu.vector_load %arg8[%get3A_288] {strides = array<i32>} : memref<512xi32, #tpu.memory_space<vmem>>, vector<16xi32>,
    %shift_right_arithmetic3A_290 = arith.constant 16 : i32
    %shift_right_arithmetic3A_291 = vector.broadcast %shift_right_arithmetic3A_290 : i32 to vector<16xi32>
    %shift_right_arithmetic3A_292 = arith.shrsi %get3A_287, %shift_right_arithmetic3A_291 : vector<16xi32>
    %shift_left3A_293 = arith.constant 14 : i32
    %shift_left3A_294 = vector.broadcast %shift_left3A_293 : i32 to vector<16xi32>
    %shift_left3A_295 = arith.shli %shift_right_arithmetic3A_292, %shift_left3A_294 : vector<16xi32>
    %and3A_296 = arith.constant 16383 : i32
    %and3A_297 = vector.broadcast %and3A_296 : i32 to vector<16xi32>
    %and3A_298 = arith.andi %get3A_287, %and3A_297 : vector<16xi32>
    %add3A_299 = arith.addi %shift_left3A_295, %and3A_298 : vector<16xi32>
    %swap3A_300 = arith.constant 1 : i32
    %swap3A_301 = arith.index_cast %swap3A_300 : i32 to index
    %swap3A_302 = arith.constant 16 : index
    %swap3A_303 = tpu.vector_load %arg9[%swap3A_301, %swap3A_302] {strides = array<i32>} : memref<4x128xi32, #tpu.memory_space<vmem>>, vector<16xi32>,
    tpu.vector_store %arg9[%swap3A_301, %swap3A_302], %add3A_299 {strides = array<i32>} : memref<4x128xi32, #tpu.memory_space<vmem>>, vector<16xi32>,
    %shift_right_arithmetic3A_304 = arith.constant 16 : i32
    %shift_right_arithmetic3A_305 = vector.broadcast %shift_right_arithmetic3A_304 : i32 to vector<16xi32>
    %shift_right_arithmetic3A_306 = arith.shrsi %get3A_289, %shift_right_arithmetic3A_305 : vector<16xi32>
    %shift_left3A_307 = arith.constant 14 : i32
    %shift_left3A_308 = vector.broadcast %shift_left3A_307 : i32 to vector<16xi32>
    %shift_left3A_309 = arith.shli %shift_right_arithmetic3A_306, %shift_left3A_308 : vector<16xi32>
    %and3A_310 = arith.constant 16383 : i32
    %and3A_311 = vector.broadcast %and3A_310 : i32 to vector<16xi32>
    %and3A_312 = arith.andi %get3A_289, %and3A_311 : vector<16xi32>
    %add3A_313 = arith.addi %shift_left3A_309, %and3A_312 : vector<16xi32>
    %swap3A_314 = arith.constant 1 : i32
    %swap3A_315 = arith.index_cast %swap3A_314 : i32 to index
    %swap3A_316 = arith.constant 16 : index
    %swap3A_317 = tpu.vector_load %arg10[%swap3A_315, %swap3A_316] {strides = array<i32>} : memref<4x128xi32, #tpu.memory_space<vmem>>, vector<16xi32>,
    tpu.vector_store %arg10[%swap3A_315, %swap3A_316], %add3A_313 {strides = array<i32>} : memref<4x128xi32, #tpu.memory_space<vmem>>, vector<16xi32>,
    %get3A_318 = arith.constant 160 : index
    %get3A_319 = tpu.vector_load %arg7[%get3A_318] {strides = array<i32>} : memref<512xi32, #tpu.memory_space<vmem>>, vector<16xi32>,
    %get3A_320 = arith.constant 160 : index
    %get3A_321 = tpu.vector_load %arg8[%get3A_320] {strides = array<i32>} : memref<512xi32, #tpu.memory_space<vmem>>, vector<16xi32>,
    %shift_right_arithmetic3A_322 = arith.constant 16 : i32
    %shift_right_arithmetic3A_323 = vector.broadcast %shift_right_arithmetic3A_322 : i32 to vector<16xi32>
    %shift_right_arithmetic3A_324 = arith.shrsi %get3A_319, %shift_right_arithmetic3A_323 : vector<16xi32>
    %shift_left3A_325 = arith.constant 14 : i32
    %shift_left3A_326 = vector.broadcast %shift_left3A_325 : i32 to vector<16xi32>
    %shift_left3A_327 = arith.shli %shift_right_arithmetic3A_324, %shift_left3A_326 : vector<16xi32>
    %and3A_328 = arith.constant 16383 : i32
    %and3A_329 = vector.broadcast %and3A_328 : i32 to vector<16xi32>
    %and3A_330 = arith.andi %get3A_319, %and3A_329 : vector<16xi32>
    %add3A_331 = arith.addi %shift_left3A_327, %and3A_330 : vector<16xi32>
    %swap3A_332 = arith.constant 1 : i32
    %swap3A_333 = arith.index_cast %swap3A_332 : i32 to index
    %swap3A_334 = arith.constant 32 : index
    %swap3A_335 = tpu.vector_load %arg9[%swap3A_333, %swap3A_334] {strides = array<i32>} : memref<4x128xi32, #tpu.memory_space<vmem>>, vector<16xi32>,
    tpu.vector_store %arg9[%swap3A_333, %swap3A_334], %add3A_331 {strides = array<i32>} : memref<4x128xi32, #tpu.memory_space<vmem>>, vector<16xi32>,
    %shift_right_arithmetic3A_336 = arith.constant 16 : i32
    %shift_right_arithmetic3A_337 = vector.broadcast %shift_right_arithmetic3A_336 : i32 to vector<16xi32>
    %shift_right_arithmetic3A_338 = arith.shrsi %get3A_321, %shift_right_arithmetic3A_337 : vector<16xi32>
    %shift_left3A_339 = arith.constant 14 : i32
    %shift_left3A_340 = vector.broadcast %shift_left3A_339 : i32 to vector<16xi32>
    %shift_left3A_341 = arith.shli %shift_right_arithmetic3A_338, %shift_left3A_340 : vector<16xi32>
    %and3A_342 = arith.constant 16383 : i32
    %and3A_343 = vector.broadcast %and3A_342 : i32 to vector<16xi32>
    %and3A_344 = arith.andi %get3A_321, %and3A_343 : vector<16xi32>
    %add3A_345 = arith.addi %shift_left3A_341, %and3A_344 : vector<16xi32>
    %swap3A_346 = arith.constant 1 : i32
    %swap3A_347 = arith.index_cast %swap3A_346 : i32 to index
    %swap3A_348 = arith.constant 32 : index
    %swap3A_349 = tpu.vector_load %arg10[%swap3A_347, %swap3A_348] {strides = array<i32>} : memref<4x128xi32, #tpu.memory_space<vmem>>, vector<16xi32>,
    tpu.vector_store %arg10[%swap3A_347, %swap3A_348], %add3A_345 {strides = array<i32>} : memref<4x128xi32, #tpu.memory_space<vmem>>, vector<16xi32>,
    %get3A_350 = arith.constant 176 : index
    %get3A_351 = tpu.vector_load %arg7[%get3A_350] {strides = array<i32>} : memref<512xi32, #tpu.memory_space<vmem>>, vector<16xi32>,
    %get3A_352 = arith.constant 176 : index
    %get3A_353 = tpu.vector_load %arg8[%get3A_352] {strides = array<i32>} : memref<512xi32, #tpu.memory_space<vmem>>, vector<16xi32>,
    %shift_right_arithmetic3A_354 = arith.constant 16 : i32
    %shift_right_arithmetic3A_355 = vector.broadcast %shift_right_arithmetic3A_354 : i32 to vector<16xi32>
    %shift_right_arithmetic3A_356 = arith.shrsi %get3A_351, %shift_right_arithmetic3A_355 : vector<16xi32>
    %shift_left3A_357 = arith.constant 14 : i32
    %shift_left3A_358 = vector.broadcast %shift_left3A_357 : i32 to vector<16xi32>
    %shift_left3A_359 = arith.shli %shift_right_arithmetic3A_356, %shift_left3A_358 : vector<16xi32>
    %and3A_360 = arith.constant 16383 : i32
    %and3A_361 = vector.broadcast %and3A_360 : i32 to vector<16xi32>
    %and3A_362 = arith.andi %get3A_351, %and3A_361 : vector<16xi32>
    %add3A_363 = arith.addi %shift_left3A_359, %and3A_362 : vector<16xi32>
    %swap3A_364 = arith.constant 1 : i32
    %swap3A_365 = arith.index_cast %swap3A_364 : i32 to index
    %swap3A_366 = arith.constant 48 : index
    %swap3A_367 = tpu.vector_load %arg9[%swap3A_365, %swap3A_366] {strides = array<i32>} : memref<4x128xi32, #tpu.memory_space<vmem>>, vector<16xi32>,
    tpu.vector_store %arg9[%swap3A_365, %swap3A_366], %add3A_363 {strides = array<i32>} : memref<4x128xi32, #tpu.memory_space<vmem>>, vector<16xi32>,
    %shift_right_arithmetic3A_368 = arith.constant 16 : i32
    %shift_right_arithmetic3A_369 = vector.broadcast %shift_right_arithmetic3A_368 : i32 to vector<16xi32>
    %shift_right_arithmetic3A_370 = arith.shrsi %get3A_353, %shift_right_arithmetic3A_369 : vector<16xi32>
    %shift_left3A_371 = arith.constant 14 : i32
    %shift_left3A_372 = vector.broadcast %shift_left3A_371 : i32 to vector<16xi32>
    %shift_left3A_373 = arith.shli %shift_right_arithmetic3A_370, %shift_left3A_372 : vector<16xi32>
    %and3A_374 = arith.constant 16383 : i32
    %and3A_375 = vector.broadcast %and3A_374 : i32 to vector<16xi32>
    %and3A_376 = arith.andi %get3A_353, %and3A_375 : vector<16xi32>
    %add3A_377 = arith.addi %shift_left3A_373, %and3A_376 : vector<16xi32>
    %swap3A_378 = arith.constant 1 : i32
    %swap3A_379 = arith.index_cast %swap3A_378 : i32 to index
    %swap3A_380 = arith.constant 48 : index
    %swap3A_381 = tpu.vector_load %arg10[%swap3A_379, %swap3A_380] {strides = array<i32>} : memref<4x128xi32, #tpu.memory_space<vmem>>, vector<16xi32>,
    tpu.vector_store %arg10[%swap3A_379, %swap3A_380], %add3A_377 {strides = array<i32>} : memref<4x128xi32, #tpu.memory_space<vmem>>, vector<16xi32>,
    %get3A_382 = arith.constant 192 : index
    %get3A_383 = tpu.vector_load %arg7[%get3A_382] {strides = array<i32>} : memref<512xi32, #tpu.memory_space<vmem>>, vector<16xi32>,
    %get3A_384 = arith.constant 192 : index
    %get3A_385 = tpu.vector_load %arg8[%get3A_384] {strides = array<i32>} : memref<512xi32, #tpu.memory_space<vmem>>, vector<16xi32>,
    %shift_right_arithmetic3A_386 = arith.constant 16 : i32
    %shift_right_arithmetic3A_387 = vector.broadcast %shift_right_arithmetic3A_386 : i32 to vector<16xi32>
    %shift_right_arithmetic3A_388 = arith.shrsi %get3A_383, %shift_right_arithmetic3A_387 : vector<16xi32>
    %shift_left3A_389 = arith.constant 14 : i32
    %shift_left3A_390 = vector.broadcast %shift_left3A_389 : i32 to vector<16xi32>
    %shift_left3A_391 = arith.shli %shift_right_arithmetic3A_388, %shift_left3A_390 : vector<16xi32>
    %and3A_392 = arith.constant 16383 : i32
    %and3A_393 = vector.broadcast %and3A_392 : i32 to vector<16xi32>
    %and3A_394 = arith.andi %get3A_383, %and3A_393 : vector<16xi32>
    %add3A_395 = arith.addi %shift_left3A_391, %and3A_394 : vector<16xi32>
    %swap3A_396 = arith.constant 1 : i32
    %swap3A_397 = arith.index_cast %swap3A_396 : i32 to index
    %swap3A_398 = arith.constant 64 : index
    %swap3A_399 = tpu.vector_load %arg9[%swap3A_397, %swap3A_398] {strides = array<i32>} : memref<4x128xi32, #tpu.memory_space<vmem>>, vector<16xi32>,
    tpu.vector_store %arg9[%swap3A_397, %swap3A_398], %add3A_395 {strides = array<i32>} : memref<4x128xi32, #tpu.memory_space<vmem>>, vector<16xi32>,
    %shift_right_arithmetic3A_400 = arith.constant 16 : i32
    %shift_right_arithmetic3A_401 = vector.broadcast %shift_right_arithmetic3A_400 : i32 to vector<16xi32>
    %shift_right_arithmetic3A_402 = arith.shrsi %get3A_385, %shift_right_arithmetic3A_401 : vector<16xi32>
    %shift_left3A_403 = arith.constant 14 : i32
    %shift_left3A_404 = vector.broadcast %shift_left3A_403 : i32 to vector<16xi32>
    %shift_left3A_405 = arith.shli %shift_right_arithmetic3A_402, %shift_left3A_404 : vector<16xi32>
    %and3A_406 = arith.constant 16383 : i32
    %and3A_407 = vector.broadcast %and3A_406 : i32 to vector<16xi32>
    %and3A_408 = arith.andi %get3A_385, %and3A_407 : vector<16xi32>
    %add3A_409 = arith.addi %shift_left3A_405, %and3A_408 : vector<16xi32>
    %swap3A_410 = arith.constant 1 : i32
    %swap3A_411 = arith.index_cast %swap3A_410 : i32 to index
    %swap3A_412 = arith.constant 64 : index
    %swap3A_413 = tpu.vector_load %arg10[%swap3A_411, %swap3A_412] {strides = array<i32>} : memref<4x128xi32, #tpu.memory_space<vmem>>, vector<16xi32>,
    tpu.vector_store %arg10[%swap3A_411, %swap3A_412], %add3A_409 {strides = array<i32>} : memref<4x128xi32, #tpu.memory_space<vmem>>, vector<16xi32>,
    %get3A_414 = arith.constant 208 : index
    %get3A_415 = tpu.vector_load %arg7[%get3A_414] {strides = array<i32>} : memref<512xi32, #tpu.memory_space<vmem>>, vector<16xi32>,
    %get3A_416 = arith.constant 208 : index
    %get3A_417 = tpu.vector_load %arg8[%get3A_416] {strides = array<i32>} : memref<512xi32, #tpu.memory_space<vmem>>, vector<16xi32>,
    %shift_right_arithmetic3A_418 = arith.constant 16 : i32
    %shift_right_arithmetic3A_419 = vector.broadcast %shift_right_arithmetic3A_418 : i32 to vector<16xi32>
    %shift_right_arithmetic3A_420 = arith.shrsi %get3A_415, %shift_right_arithmetic3A_419 : vector<16xi32>
    %shift_left3A_421 = arith.constant 14 : i32
    %shift_left3A_422 = vector.broadcast %shift_left3A_421 : i32 to vector<16xi32>
    %shift_left3A_423 = arith.shli %shift_right_arithmetic3A_420, %shift_left3A_422 : vector<16xi32>
    %and3A_424 = arith.constant 16383 : i32
    %and3A_425 = vector.broadcast %and3A_424 : i32 to vector<16xi32>
    %and3A_426 = arith.andi %get3A_415, %and3A_425 : vector<16xi32>
    %add3A_427 = arith.addi %shift_left3A_423, %and3A_426 : vector<16xi32>
    %swap3A_428 = arith.constant 1 : i32
    %swap3A_429 = arith.index_cast %swap3A_428 : i32 to index
    %swap3A_430 = arith.constant 80 : index
    %swap3A_431 = tpu.vector_load %arg9[%swap3A_429, %swap3A_430] {strides = array<i32>} : memref<4x128xi32, #tpu.memory_space<vmem>>, vector<16xi32>,
    tpu.vector_store %arg9[%swap3A_429, %swap3A_430], %add3A_427 {strides = array<i32>} : memref<4x128xi32, #tpu.memory_space<vmem>>, vector<16xi32>,
    %shift_right_arithmetic3A_432 = arith.constant 16 : i32
    %shift_right_arithmetic3A_433 = vector.broadcast %shift_right_arithmetic3A_432 : i32 to vector<16xi32>
    %shift_right_arithmetic3A_434 = arith.shrsi %get3A_417, %shift_right_arithmetic3A_433 : vector<16xi32>
    %shift_left3A_435 = arith.constant 14 : i32
    %shift_left3A_436 = vector.broadcast %shift_left3A_435 : i32 to vector<16xi32>
    %shift_left3A_437 = arith.shli %shift_right_arithmetic3A_434, %shift_left3A_436 : vector<16xi32>
    %and3A_438 = arith.constant 16383 : i32
    %and3A_439 = vector.broadcast %and3A_438 : i32 to vector<16xi32>
    %and3A_440 = arith.andi %get3A_417, %and3A_439 : vector<16xi32>
    %add3A_441 = arith.addi %shift_left3A_437, %and3A_440 : vector<16xi32>
    %swap3A_442 = arith.constant 1 : i32
    %swap3A_443 = arith.index_cast %swap3A_442 : i32 to index
    %swap3A_444 = arith.constant 80 : index
    %swap3A_445 = tpu.vector_load %arg10[%swap3A_443, %swap3A_444] {strides = array<i32>} : memref<4x128xi32, #tpu.memory_space<vmem>>, vector<16xi32>,
    tpu.vector_store %arg10[%swap3A_443, %swap3A_444], %add3A_441 {strides = array<i32>} : memref<4x128xi32, #tpu.memory_space<vmem>>, vector<16xi32>,
    %get3A_446 = arith.constant 224 : index
    %get3A_447 = tpu.vector_load %arg7[%get3A_446] {strides = array<i32>} : memref<512xi32, #tpu.memory_space<vmem>>, vector<16xi32>,
    %get3A_448 = arith.constant 224 : index
    %get3A_449 = tpu.vector_load %arg8[%get3A_448] {strides = array<i32>} : memref<512xi32, #tpu.memory_space<vmem>>, vector<16xi32>,
    %shift_right_arithmetic3A_450 = arith.constant 16 : i32
    %shift_right_arithmetic3A_451 = vector.broadcast %shift_right_arithmetic3A_450 : i32 to vector<16xi32>
    %shift_right_arithmetic3A_452 = arith.shrsi %get3A_447, %shift_right_arithmetic3A_451 : vector<16xi32>
    %shift_left3A_453 = arith.constant 14 : i32
    %shift_left3A_454 = vector.broadcast %shift_left3A_453 : i32 to vector<16xi32>
    %shift_left3A_455 = arith.shli %shift_right_arithmetic3A_452, %shift_left3A_454 : vector<16xi32>
    %and3A_456 = arith.constant 16383 : i32
    %and3A_457 = vector.broadcast %and3A_456 : i32 to vector<16xi32>
    %and3A_458 = arith.andi %get3A_447, %and3A_457 : vector<16xi32>
    %add3A_459 = arith.addi %shift_left3A_455, %and3A_458 : vector<16xi32>
    %swap3A_460 = arith.constant 1 : i32
    %swap3A_461 = arith.index_cast %swap3A_460 : i32 to index
    %swap3A_462 = arith.constant 96 : index
    %swap3A_463 = tpu.vector_load %arg9[%swap3A_461, %swap3A_462] {strides = array<i32>} : memref<4x128xi32, #tpu.memory_space<vmem>>, vector<16xi32>,
    tpu.vector_store %arg9[%swap3A_461, %swap3A_462], %add3A_459 {strides = array<i32>} : memref<4x128xi32, #tpu.memory_space<vmem>>, vector<16xi32>,
    %shift_right_arithmetic3A_464 = arith.constant 16 : i32
    %shift_right_arithmetic3A_465 = vector.broadcast %shift_right_arithmetic3A_464 : i32 to vector<16xi32>
    %shift_right_arithmetic3A_466 = arith.shrsi %get3A_449, %shift_right_arithmetic3A_465 : vector<16xi32>
    %shift_left3A_467 = arith.constant 14 : i32
    %shift_left3A_468 = vector.broadcast %shift_left3A_467 : i32 to vector<16xi32>
    %shift_left3A_469 = arith.shli %shift_right_arithmetic3A_466, %shift_left3A_468 : vector<16xi32>
    %and3A_470 = arith.constant 16383 : i32
    %and3A_471 = vector.broadcast %and3A_470 : i32 to vector<16xi32>
    %and3A_472 = arith.andi %get3A_449, %and3A_471 : vector<16xi32>
    %add3A_473 = arith.addi %shift_left3A_469, %and3A_472 : vector<16xi32>
    %swap3A_474 = arith.constant 1 : i32
    %swap3A_475 = arith.index_cast %swap3A_474 : i32 to index
    %swap3A_476 = arith.constant 96 : index
    %swap3A_477 = tpu.vector_load %arg10[%swap3A_475, %swap3A_476] {strides = array<i32>} : memref<4x128xi32, #tpu.memory_space<vmem>>, vector<16xi32>,
    tpu.vector_store %arg10[%swap3A_475, %swap3A_476], %add3A_473 {strides = array<i32>} : memref<4x128xi32, #tpu.memory_space<vmem>>, vector<16xi32>,
    %get3A_478 = arith.constant 240 : index
    %get3A_479 = tpu.vector_load %arg7[%get3A_478] {strides = array<i32>} : memref<512xi32, #tpu.memory_space<vmem>>, vector<16xi32>,
    %get3A_480 = arith.constant 240 : index
    %get3A_481 = tpu.vector_load %arg8[%get3A_480] {strides = array<i32>} : memref<512xi32, #tpu.memory_space<vmem>>, vector<16xi32>,
    %shift_right_arithmetic3A_482 = arith.constant 16 : i32
    %shift_right_arithmetic3A_483 = vector.broadcast %shift_right_arithmetic3A_482 : i32 to vector<16xi32>
    %shift_right_arithmetic3A_484 = arith.shrsi %get3A_479, %shift_right_arithmetic3A_483 : vector<16xi32>
    %shift_left3A_485 = arith.constant 14 : i32
    %shift_left3A_486 = vector.broadcast %shift_left3A_485 : i32 to vector<16xi32>
    %shift_left3A_487 = arith.shli %shift_right_arithmetic3A_484, %shift_left3A_486 : vector<16xi32>
    %and3A_488 = arith.constant 16383 : i32
    %and3A_489 = vector.broadcast %and3A_488 : i32 to vector<16xi32>
    %and3A_490 = arith.andi %get3A_479, %and3A_489 : vector<16xi32>
    %add3A_491 = arith.addi %shift_left3A_487, %and3A_490 : vector<16xi32>
    %swap3A_492 = arith.constant 1 : i32
    %swap3A_493 = arith.index_cast %swap3A_492 : i32 to index
    %swap3A_494 = arith.constant 112 : index
    %swap3A_495 = tpu.vector_load %arg9[%swap3A_493, %swap3A_494] {strides = array<i32>} : memref<4x128xi32, #tpu.memory_space<vmem>>, vector<16xi32>,
    tpu.vector_store %arg9[%swap3A_493, %swap3A_494], %add3A_491 {strides = array<i32>} : memref<4x128xi32, #tpu.memory_space<vmem>>, vector<16xi32>,
    %shift_right_arithmetic3A_496 = arith.constant 16 : i32
    %shift_right_arithmetic3A_497 = vector.broadcast %shift_right_arithmetic3A_496 : i32 to vector<16xi32>
    %shift_right_arithmetic3A_498 = arith.shrsi %get3A_481, %shift_right_arithmetic3A_497 : vector<16xi32>
    %shift_left3A_499 = arith.constant 14 : i32
    %shift_left3A_500 = vector.broadcast %shift_left3A_499 : i32 to vector<16xi32>
    %shift_left3A_501 = arith.shli %shift_right_arithmetic3A_498, %shift_left3A_500 : vector<16xi32>
    %and3A_502 = arith.constant 16383 : i32
    %and3A_503 = vector.broadcast %and3A_502 : i32 to vector<16xi32>
    %and3A_504 = arith.andi %get3A_481, %and3A_503 : vector<16xi32>
    %add3A_505 = arith.addi %shift_left3A_501, %and3A_504 : vector<16xi32>
    %swap3A_506 = arith.constant 1 : i32
    %swap3A_507 = arith.index_cast %swap3A_506 : i32 to index
    %swap3A_508 = arith.constant 112 : index
    %swap3A_509 = tpu.vector_load %arg10[%swap3A_507, %swap3A_508] {strides = array<i32>} : memref<4x128xi32, #tpu.memory_space<vmem>>, vector<16xi32>,
    tpu.vector_store %arg10[%swap3A_507, %swap3A_508], %add3A_505 {strides = array<i32>} : memref<4x128xi32, #tpu.memory_space<vmem>>, vector<16xi32>,
    %get3A_510 = arith.constant 256 : index
    %get3A_511 = tpu.vector_load %arg7[%get3A_510] {strides = array<i32>} : memref<512xi32, #tpu.memory_space<vmem>>, vector<16xi32>,
    %get3A_512 = arith.constant 256 : index
    %get3A_513 = tpu.vector_load %arg8[%get3A_512] {strides = array<i32>} : memref<512xi32, #tpu.memory_space<vmem>>, vector<16xi32>,
    %shift_right_arithmetic3A_514 = arith.constant 16 : i32
    %shift_right_arithmetic3A_515 = vector.broadcast %shift_right_arithmetic3A_514 : i32 to vector<16xi32>
    %shift_right_arithmetic3A_516 = arith.shrsi %get3A_511, %shift_right_arithmetic3A_515 : vector<16xi32>
    %shift_left3A_517 = arith.constant 14 : i32
    %shift_left3A_518 = vector.broadcast %shift_left3A_517 : i32 to vector<16xi32>
    %shift_left3A_519 = arith.shli %shift_right_arithmetic3A_516, %shift_left3A_518 : vector<16xi32>
    %and3A_520 = arith.constant 16383 : i32
    %and3A_521 = vector.broadcast %and3A_520 : i32 to vector<16xi32>
    %and3A_522 = arith.andi %get3A_511, %and3A_521 : vector<16xi32>
    %add3A_523 = arith.addi %shift_left3A_519, %and3A_522 : vector<16xi32>
    %swap3A_524 = arith.constant 2 : i32
    %swap3A_525 = arith.index_cast %swap3A_524 : i32 to index
    %swap3A_526 = arith.constant 0 : index
    %swap3A_527 = tpu.vector_load %arg9[%swap3A_525, %swap3A_526] {strides = array<i32>} : memref<4x128xi32, #tpu.memory_space<vmem>>, vector<16xi32>,
    tpu.vector_store %arg9[%swap3A_525, %swap3A_526], %add3A_523 {strides = array<i32>} : memref<4x128xi32, #tpu.memory_space<vmem>>, vector<16xi32>,
    %shift_right_arithmetic3A_528 = arith.constant 16 : i32
    %shift_right_arithmetic3A_529 = vector.broadcast %shift_right_arithmetic3A_528 : i32 to vector<16xi32>
    %shift_right_arithmetic3A_530 = arith.shrsi %get3A_513, %shift_right_arithmetic3A_529 : vector<16xi32>
    %shift_left3A_531 = arith.constant 14 : i32
    %shift_left3A_532 = vector.broadcast %shift_left3A_531 : i32 to vector<16xi32>
    %shift_left3A_533 = arith.shli %shift_right_arithmetic3A_530, %shift_left3A_532 : vector<16xi32>
    %and3A_534 = arith.constant 16383 : i32
    %and3A_535 = vector.broadcast %and3A_534 : i32 to vector<16xi32>
    %and3A_536 = arith.andi %get3A_513, %and3A_535 : vector<16xi32>
    %add3A_537 = arith.addi %shift_left3A_533, %and3A_536 : vector<16xi32>
    %swap3A_538 = arith.constant 2 : i32
    %swap3A_539 = arith.index_cast %swap3A_538 : i32 to index
    %swap3A_540 = arith.constant 0 : index
    %swap3A_541 = tpu.vector_load %arg10[%swap3A_539, %swap3A_540] {strides = array<i32>} : memref<4x128xi32, #tpu.memory_space<vmem>>, vector<16xi32>,
    tpu.vector_store %arg10[%swap3A_539, %swap3A_540], %add3A_537 {strides = array<i32>} : memref<4x128xi32, #tpu.memory_space<vmem>>, vector<16xi32>,
    %get3A_542 = arith.constant 272 : index
    %get3A_543 = tpu.vector_load %arg7[%get3A_542] {strides = array<i32>} : memref<512xi32, #tpu.memory_space<vmem>>, vector<16xi32>,
    %get3A_544 = arith.constant 272 : index
    %get3A_545 = tpu.vector_load %arg8[%get3A_544] {strides = array<i32>} : memref<512xi32, #tpu.memory_space<vmem>>, vector<16xi32>,
    %shift_right_arithmetic3A_546 = arith.constant 16 : i32
    %shift_right_arithmetic3A_547 = vector.broadcast %shift_right_arithmetic3A_546 : i32 to vector<16xi32>
    %shift_right_arithmetic3A_548 = arith.shrsi %get3A_543, %shift_right_arithmetic3A_547 : vector<16xi32>
    %shift_left3A_549 = arith.constant 14 : i32
    %shift_left3A_550 = vector.broadcast %shift_left3A_549 : i32 to vector<16xi32>
    %shift_left3A_551 = arith.shli %shift_right_arithmetic3A_548, %shift_left3A_550 : vector<16xi32>
    %and3A_552 = arith.constant 16383 : i32
    %and3A_553 = vector.broadcast %and3A_552 : i32 to vector<16xi32>
    %and3A_554 = arith.andi %get3A_543, %and3A_553 : vector<16xi32>
    %add3A_555 = arith.addi %shift_left3A_551, %and3A_554 : vector<16xi32>
    %swap3A_556 = arith.constant 2 : i32
    %swap3A_557 = arith.index_cast %swap3A_556 : i32 to index
    %swap3A_558 = arith.constant 16 : index
    %swap3A_559 = tpu.vector_load %arg9[%swap3A_557, %swap3A_558] {strides = array<i32>} : memref<4x128xi32, #tpu.memory_space<vmem>>, vector<16xi32>,
    tpu.vector_store %arg9[%swap3A_557, %swap3A_558], %add3A_555 {strides = array<i32>} : memref<4x128xi32, #tpu.memory_space<vmem>>, vector<16xi32>,
    %shift_right_arithmetic3A_560 = arith.constant 16 : i32
    %shift_right_arithmetic3A_561 = vector.broadcast %shift_right_arithmetic3A_560 : i32 to vector<16xi32>
    %shift_right_arithmetic3A_562 = arith.shrsi %get3A_545, %shift_right_arithmetic3A_561 : vector<16xi32>
    %shift_left3A_563 = arith.constant 14 : i32
    %shift_left3A_564 = vector.broadcast %shift_left3A_563 : i32 to vector<16xi32>
    %shift_left3A_565 = arith.shli %shift_right_arithmetic3A_562, %shift_left3A_564 : vector<16xi32>
    %and3A_566 = arith.constant 16383 : i32
    %and3A_567 = vector.broadcast %and3A_566 : i32 to vector<16xi32>
    %and3A_568 = arith.andi %get3A_545, %and3A_567 : vector<16xi32>
    %add3A_569 = arith.addi %shift_left3A_565, %and3A_568 : vector<16xi32>
    %swap3A_570 = arith.constant 2 : i32
    %swap3A_571 = arith.index_cast %swap3A_570 : i32 to index
    %swap3A_572 = arith.constant 16 : index
    %swap3A_573 = tpu.vector_load %arg10[%swap3A_571, %swap3A_572] {strides = array<i32>} : memref<4x128xi32, #tpu.memory_space<vmem>>, vector<16xi32>,
    tpu.vector_store %arg10[%swap3A_571, %swap3A_572], %add3A_569 {strides = array<i32>} : memref<4x128xi32, #tpu.memory_space<vmem>>, vector<16xi32>,
    %get3A_574 = arith.constant 288 : index
    %get3A_575 = tpu.vector_load %arg7[%get3A_574] {strides = array<i32>} : memref<512xi32, #tpu.memory_space<vmem>>, vector<16xi32>,
    %get3A_576 = arith.constant 288 : index
    %get3A_577 = tpu.vector_load %arg8[%get3A_576] {strides = array<i32>} : memref<512xi32, #tpu.memory_space<vmem>>, vector<16xi32>,
    %shift_right_arithmetic3A_578 = arith.constant 16 : i32
    %shift_right_arithmetic3A_579 = vector.broadcast %shift_right_arithmetic3A_578 : i32 to vector<16xi32>
    %shift_right_arithmetic3A_580 = arith.shrsi %get3A_575, %shift_right_arithmetic3A_579 : vector<16xi32>
    %shift_left3A_581 = arith.constant 14 : i32
    %shift_left3A_582 = vector.broadcast %shift_left3A_581 : i32 to vector<16xi32>
    %shift_left3A_583 = arith.shli %shift_right_arithmetic3A_580, %shift_left3A_582 : vector<16xi32>
    %and3A_584 = arith.constant 16383 : i32
    %and3A_585 = vector.broadcast %and3A_584 : i32 to vector<16xi32>
    %and3A_586 = arith.andi %get3A_575, %and3A_585 : vector<16xi32>
    %add3A_587 = arith.addi %shift_left3A_583, %and3A_586 : vector<16xi32>
    %swap3A_588 = arith.constant 2 : i32
    %swap3A_589 = arith.index_cast %swap3A_588 : i32 to index
    %swap3A_590 = arith.constant 32 : index
    %swap3A_591 = tpu.vector_load %arg9[%swap3A_589, %swap3A_590] {strides = array<i32>} : memref<4x128xi32, #tpu.memory_space<vmem>>, vector<16xi32>,
    tpu.vector_store %arg9[%swap3A_589, %swap3A_590], %add3A_587 {strides = array<i32>} : memref<4x128xi32, #tpu.memory_space<vmem>>, vector<16xi32>,
    %shift_right_arithmetic3A_592 = arith.constant 16 : i32
    %shift_right_arithmetic3A_593 = vector.broadcast %shift_right_arithmetic3A_592 : i32 to vector<16xi32>
    %shift_right_arithmetic3A_594 = arith.shrsi %get3A_577, %shift_right_arithmetic3A_593 : vector<16xi32>
    %shift_left3A_595 = arith.constant 14 : i32
    %shift_left3A_596 = vector.broadcast %shift_left3A_595 : i32 to vector<16xi32>
    %shift_left3A_597 = arith.shli %shift_right_arithmetic3A_594, %shift_left3A_596 : vector<16xi32>
    %and3A_598 = arith.constant 16383 : i32
    %and3A_599 = vector.broadcast %and3A_598 : i32 to vector<16xi32>
    %and3A_600 = arith.andi %get3A_577, %and3A_599 : vector<16xi32>
    %add3A_601 = arith.addi %shift_left3A_597, %and3A_600 : vector<16xi32>
    %swap3A_602 = arith.constant 2 : i32
    %swap3A_603 = arith.index_cast %swap3A_602 : i32 to index
    %swap3A_604 = arith.constant 32 : index
    %swap3A_605 = tpu.vector_load %arg10[%swap3A_603, %swap3A_604] {strides = array<i32>} : memref<4x128xi32, #tpu.memory_space<vmem>>, vector<16xi32>,
    tpu.vector_store %arg10[%swap3A_603, %swap3A_604], %add3A_601 {strides = array<i32>} : memref<4x128xi32, #tpu.memory_space<vmem>>, vector<16xi32>,
    %get3A_606 = arith.constant 304 : index
    %get3A_607 = tpu.vector_load %arg7[%get3A_606] {strides = array<i32>} : memref<512xi32, #tpu.memory_space<vmem>>, vector<16xi32>,
    %get3A_608 = arith.constant 304 : index
    %get3A_609 = tpu.vector_load %arg8[%get3A_608] {strides = array<i32>} : memref<512xi32, #tpu.memory_space<vmem>>, vector<16xi32>,
    %shift_right_arithmetic3A_610 = arith.constant 16 : i32
    %shift_right_arithmetic3A_611 = vector.broadcast %shift_right_arithmetic3A_610 : i32 to vector<16xi32>
    %shift_right_arithmetic3A_612 = arith.shrsi %get3A_607, %shift_right_arithmetic3A_611 : vector<16xi32>
    %shift_left3A_613 = arith.constant 14 : i32
    %shift_left3A_614 = vector.broadcast %shift_left3A_613 : i32 to vector<16xi32>
    %shift_left3A_615 = arith.shli %shift_right_arithmetic3A_612, %shift_left3A_614 : vector<16xi32>
    %and3A_616 = arith.constant 16383 : i32
    %and3A_617 = vector.broadcast %and3A_616 : i32 to vector<16xi32>
    %and3A_618 = arith.andi %get3A_607, %and3A_617 : vector<16xi32>
    %add3A_619 = arith.addi %shift_left3A_615, %and3A_618 : vector<16xi32>
    %swap3A_620 = arith.constant 2 : i32
    %swap3A_621 = arith.index_cast %swap3A_620 : i32 to index
    %swap3A_622 = arith.constant 48 : index
    %swap3A_623 = tpu.vector_load %arg9[%swap3A_621, %swap3A_622] {strides = array<i32>} : memref<4x128xi32, #tpu.memory_space<vmem>>, vector<16xi32>,
    tpu.vector_store %arg9[%swap3A_621, %swap3A_622], %add3A_619 {strides = array<i32>} : memref<4x128xi32, #tpu.memory_space<vmem>>, vector<16xi32>,
    %shift_right_arithmetic3A_624 = arith.constant 16 : i32
    %shift_right_arithmetic3A_625 = vector.broadcast %shift_right_arithmetic3A_624 : i32 to vector<16xi32>
    %shift_right_arithmetic3A_626 = arith.shrsi %get3A_609, %shift_right_arithmetic3A_625 : vector<16xi32>
    %shift_left3A_627 = arith.constant 14 : i32
    %shift_left3A_628 = vector.broadcast %shift_left3A_627 : i32 to vector<16xi32>
    %shift_left3A_629 = arith.shli %shift_right_arithmetic3A_626, %shift_left3A_628 : vector<16xi32>
    %and3A_630 = arith.constant 16383 : i32
    %and3A_631 = vector.broadcast %and3A_630 : i32 to vector<16xi32>
    %and3A_632 = arith.andi %get3A_609, %and3A_631 : vector<16xi32>
    %add3A_633 = arith.addi %shift_left3A_629, %and3A_632 : vector<16xi32>
    %swap3A_634 = arith.constant 2 : i32
    %swap3A_635 = arith.index_cast %swap3A_634 : i32 to index
    %swap3A_636 = arith.constant 48 : index
    %swap3A_637 = tpu.vector_load %arg10[%swap3A_635, %swap3A_636] {strides = array<i32>} : memref<4x128xi32, #tpu.memory_space<vmem>>, vector<16xi32>,
    tpu.vector_store %arg10[%swap3A_635, %swap3A_636], %add3A_633 {strides = array<i32>} : memref<4x128xi32, #tpu.memory_space<vmem>>, vector<16xi32>,
    %get3A_638 = arith.constant 320 : index
    %get3A_639 = tpu.vector_load %arg7[%get3A_638] {strides = array<i32>} : memref<512xi32, #tpu.memory_space<vmem>>, vector<16xi32>,
    %get3A_640 = arith.constant 320 : index
    %get3A_641 = tpu.vector_load %arg8[%get3A_640] {strides = array<i32>} : memref<512xi32, #tpu.memory_space<vmem>>, vector<16xi32>,
    %shift_right_arithmetic3A_642 = arith.constant 16 : i32
    %shift_right_arithmetic3A_643 = vector.broadcast %shift_right_arithmetic3A_642 : i32 to vector<16xi32>
    %shift_right_arithmetic3A_644 = arith.shrsi %get3A_639, %shift_right_arithmetic3A_643 : vector<16xi32>
    %shift_left3A_645 = arith.constant 14 : i32
    %shift_left3A_646 = vector.broadcast %shift_left3A_645 : i32 to vector<16xi32>
    %shift_left3A_647 = arith.shli %shift_right_arithmetic3A_644, %shift_left3A_646 : vector<16xi32>
    %and3A_648 = arith.constant 16383 : i32
    %and3A_649 = vector.broadcast %and3A_648 : i32 to vector<16xi32>
    %and3A_650 = arith.andi %get3A_639, %and3A_649 : vector<16xi32>
    %add3A_651 = arith.addi %shift_left3A_647, %and3A_650 : vector<16xi32>
    %swap3A_652 = arith.constant 2 : i32
    %swap3A_653 = arith.index_cast %swap3A_652 : i32 to index
    %swap3A_654 = arith.constant 64 : index
    %swap3A_655 = tpu.vector_load %arg9[%swap3A_653, %swap3A_654] {strides = array<i32>} : memref<4x128xi32, #tpu.memory_space<vmem>>, vector<16xi32>,
    tpu.vector_store %arg9[%swap3A_653, %swap3A_654], %add3A_651 {strides = array<i32>} : memref<4x128xi32, #tpu.memory_space<vmem>>, vector<16xi32>,
    %shift_right_arithmetic3A_656 = arith.constant 16 : i32
    %shift_right_arithmetic3A_657 = vector.broadcast %shift_right_arithmetic3A_656 : i32 to vector<16xi32>
    %shift_right_arithmetic3A_658 = arith.shrsi %get3A_641, %shift_right_arithmetic3A_657 : vector<16xi32>
    %shift_left3A_659 = arith.constant 14 : i32
    %shift_left3A_660 = vector.broadcast %shift_left3A_659 : i32 to vector<16xi32>
    %shift_left3A_661 = arith.shli %shift_right_arithmetic3A_658, %shift_left3A_660 : vector<16xi32>
    %and3A_662 = arith.constant 16383 : i32
    %and3A_663 = vector.broadcast %and3A_662 : i32 to vector<16xi32>
    %and3A_664 = arith.andi %get3A_641, %and3A_663 : vector<16xi32>
    %add3A_665 = arith.addi %shift_left3A_661, %and3A_664 : vector<16xi32>
    %swap3A_666 = arith.constant 2 : i32
    %swap3A_667 = arith.index_cast %swap3A_666 : i32 to index
    %swap3A_668 = arith.constant 64 : index
    %swap3A_669 = tpu.vector_load %arg10[%swap3A_667, %swap3A_668] {strides = array<i32>} : memref<4x128xi32, #tpu.memory_space<vmem>>, vector<16xi32>,
    tpu.vector_store %arg10[%swap3A_667, %swap3A_668], %add3A_665 {strides = array<i32>} : memref<4x128xi32, #tpu.memory_space<vmem>>, vector<16xi32>,
    %get3A_670 = arith.constant 336 : index
    %get3A_671 = tpu.vector_load %arg7[%get3A_670] {strides = array<i32>} : memref<512xi32, #tpu.memory_space<vmem>>, vector<16xi32>,
    %get3A_672 = arith.constant 336 : index
    %get3A_673 = tpu.vector_load %arg8[%get3A_672] {strides = array<i32>} : memref<512xi32, #tpu.memory_space<vmem>>, vector<16xi32>,
    %shift_right_arithmetic3A_674 = arith.constant 16 : i32
    %shift_right_arithmetic3A_675 = vector.broadcast %shift_right_arithmetic3A_674 : i32 to vector<16xi32>
    %shift_right_arithmetic3A_676 = arith.shrsi %get3A_671, %shift_right_arithmetic3A_675 : vector<16xi32>
    %shift_left3A_677 = arith.constant 14 : i32
    %shift_left3A_678 = vector.broadcast %shift_left3A_677 : i32 to vector<16xi32>
    %shift_left3A_679 = arith.shli %shift_right_arithmetic3A_676, %shift_left3A_678 : vector<16xi32>
    %and3A_680 = arith.constant 16383 : i32
    %and3A_681 = vector.broadcast %and3A_680 : i32 to vector<16xi32>
    %and3A_682 = arith.andi %get3A_671, %and3A_681 : vector<16xi32>
    %add3A_683 = arith.addi %shift_left3A_679, %and3A_682 : vector<16xi32>
    %swap3A_684 = arith.constant 2 : i32
    %swap3A_685 = arith.index_cast %swap3A_684 : i32 to index
    %swap3A_686 = arith.constant 80 : index
    %swap3A_687 = tpu.vector_load %arg9[%swap3A_685, %swap3A_686] {strides = array<i32>} : memref<4x128xi32, #tpu.memory_space<vmem>>, vector<16xi32>,
    tpu.vector_store %arg9[%swap3A_685, %swap3A_686], %add3A_683 {strides = array<i32>} : memref<4x128xi32, #tpu.memory_space<vmem>>, vector<16xi32>,
    %shift_right_arithmetic3A_688 = arith.constant 16 : i32
    %shift_right_arithmetic3A_689 = vector.broadcast %shift_right_arithmetic3A_688 : i32 to vector<16xi32>
    %shift_right_arithmetic3A_690 = arith.shrsi %get3A_673, %shift_right_arithmetic3A_689 : vector<16xi32>
    %shift_left3A_691 = arith.constant 14 : i32
    %shift_left3A_692 = vector.broadcast %shift_left3A_691 : i32 to vector<16xi32>
    %shift_left3A_693 = arith.shli %shift_right_arithmetic3A_690, %shift_left3A_692 : vector<16xi32>
    %and3A_694 = arith.constant 16383 : i32
    %and3A_695 = vector.broadcast %and3A_694 : i32 to vector<16xi32>
    %and3A_696 = arith.andi %get3A_673, %and3A_695 : vector<16xi32>
    %add3A_697 = arith.addi %shift_left3A_693, %and3A_696 : vector<16xi32>
    %swap3A_698 = arith.constant 2 : i32
    %swap3A_699 = arith.index_cast %swap3A_698 : i32 to index
    %swap3A_700 = arith.constant 80 : index
    %swap3A_701 = tpu.vector_load %arg10[%swap3A_699, %swap3A_700] {strides = array<i32>} : memref<4x128xi32, #tpu.memory_space<vmem>>, vector<16xi32>,
    tpu.vector_store %arg10[%swap3A_699, %swap3A_700], %add3A_697 {strides = array<i32>} : memref<4x128xi32, #tpu.memory_space<vmem>>, vector<16xi32>,
    %get3A_702 = arith.constant 352 : index
    %get3A_703 = tpu.vector_load %arg7[%get3A_702] {strides = array<i32>} : memref<512xi32, #tpu.memory_space<vmem>>, vector<16xi32>,
    %get3A_704 = arith.constant 352 : index
    %get3A_705 = tpu.vector_load %arg8[%get3A_704] {strides = array<i32>} : memref<512xi32, #tpu.memory_space<vmem>>, vector<16xi32>,
    %shift_right_arithmetic3A_706 = arith.constant 16 : i32
    %shift_right_arithmetic3A_707 = vector.broadcast %shift_right_arithmetic3A_706 : i32 to vector<16xi32>
    %shift_right_arithmetic3A_708 = arith.shrsi %get3A_703, %shift_right_arithmetic3A_707 : vector<16xi32>
    %shift_left3A_709 = arith.constant 14 : i32
    %shift_left3A_710 = vector.broadcast %shift_left3A_709 : i32 to vector<16xi32>
    %shift_left3A_711 = arith.shli %shift_right_arithmetic3A_708, %shift_left3A_710 : vector<16xi32>
    %and3A_712 = arith.constant 16383 : i32
    %and3A_713 = vector.broadcast %and3A_712 : i32 to vector<16xi32>
    %and3A_714 = arith.andi %get3A_703, %and3A_713 : vector<16xi32>
    %add3A_715 = arith.addi %shift_left3A_711, %and3A_714 : vector<16xi32>
    %swap3A_716 = arith.constant 2 : i32
    %swap3A_717 = arith.index_cast %swap3A_716 : i32 to index
    %swap3A_718 = arith.constant 96 : index
    %swap3A_719 = tpu.vector_load %arg9[%swap3A_717, %swap3A_718] {strides = array<i32>} : memref<4x128xi32, #tpu.memory_space<vmem>>, vector<16xi32>,
    tpu.vector_store %arg9[%swap3A_717, %swap3A_718], %add3A_715 {strides = array<i32>} : memref<4x128xi32, #tpu.memory_space<vmem>>, vector<16xi32>,
    %shift_right_arithmetic3A_720 = arith.constant 16 : i32
    %shift_right_arithmetic3A_721 = vector.broadcast %shift_right_arithmetic3A_720 : i32 to vector<16xi32>
    %shift_right_arithmetic3A_722 = arith.shrsi %get3A_705, %shift_right_arithmetic3A_721 : vector<16xi32>
    %shift_left3A_723 = arith.constant 14 : i32
    %shift_left3A_724 = vector.broadcast %shift_left3A_723 : i32 to vector<16xi32>
    %shift_left3A_725 = arith.shli %shift_right_arithmetic3A_722, %shift_left3A_724 : vector<16xi32>
    %and3A_726 = arith.constant 16383 : i32
    %and3A_727 = vector.broadcast %and3A_726 : i32 to vector<16xi32>
    %and3A_728 = arith.andi %get3A_705, %and3A_727 : vector<16xi32>
    %add3A_729 = arith.addi %shift_left3A_725, %and3A_728 : vector<16xi32>
    %swap3A_730 = arith.constant 2 : i32
    %swap3A_731 = arith.index_cast %swap3A_730 : i32 to index
    %swap3A_732 = arith.constant 96 : index
    %swap3A_733 = tpu.vector_load %arg10[%swap3A_731, %swap3A_732] {strides = array<i32>} : memref<4x128xi32, #tpu.memory_space<vmem>>, vector<16xi32>,
    tpu.vector_store %arg10[%swap3A_731, %swap3A_732], %add3A_729 {strides = array<i32>} : memref<4x128xi32, #tpu.memory_space<vmem>>, vector<16xi32>,
    %get3A_734 = arith.constant 368 : index
    %get3A_735 = tpu.vector_load %arg7[%get3A_734] {strides = array<i32>} : memref<512xi32, #tpu.memory_space<vmem>>, vector<16xi32>,
    %get3A_736 = arith.constant 368 : index
    %get3A_737 = tpu.vector_load %arg8[%get3A_736] {strides = array<i32>} : memref<512xi32, #tpu.memory_space<vmem>>, vector<16xi32>,
    %shift_right_arithmetic3A_738 = arith.constant 16 : i32
    %shift_right_arithmetic3A_739 = vector.broadcast %shift_right_arithmetic3A_738 : i32 to vector<16xi32>
    %shift_right_arithmetic3A_740 = arith.shrsi %get3A_735, %shift_right_arithmetic3A_739 : vector<16xi32>
    %shift_left3A_741 = arith.constant 14 : i32
    %shift_left3A_742 = vector.broadcast %shift_left3A_741 : i32 to vector<16xi32>
    %shift_left3A_743 = arith.shli %shift_right_arithmetic3A_740, %shift_left3A_742 : vector<16xi32>
    %and3A_744 = arith.constant 16383 : i32
    %and3A_745 = vector.broadcast %and3A_744 : i32 to vector<16xi32>
    %and3A_746 = arith.andi %get3A_735, %and3A_745 : vector<16xi32>
    %add3A_747 = arith.addi %shift_left3A_743, %and3A_746 : vector<16xi32>
    %swap3A_748 = arith.constant 2 : i32
    %swap3A_749 = arith.index_cast %swap3A_748 : i32 to index
    %swap3A_750 = arith.constant 112 : index
    %swap3A_751 = tpu.vector_load %arg9[%swap3A_749, %swap3A_750] {strides = array<i32>} : memref<4x128xi32, #tpu.memory_space<vmem>>, vector<16xi32>,
    tpu.vector_store %arg9[%swap3A_749, %swap3A_750], %add3A_747 {strides = array<i32>} : memref<4x128xi32, #tpu.memory_space<vmem>>, vector<16xi32>,
    %shift_right_arithmetic3A_752 = arith.constant 16 : i32
    %shift_right_arithmetic3A_753 = vector.broadcast %shift_right_arithmetic3A_752 : i32 to vector<16xi32>
    %shift_right_arithmetic3A_754 = arith.shrsi %get3A_737, %shift_right_arithmetic3A_753 : vector<16xi32>
    %shift_left3A_755 = arith.constant 14 : i32
    %shift_left3A_756 = vector.broadcast %shift_left3A_755 : i32 to vector<16xi32>
    %shift_left3A_757 = arith.shli %shift_right_arithmetic3A_754, %shift_left3A_756 : vector<16xi32>
    %and3A_758 = arith.constant 16383 : i32
    %and3A_759 = vector.broadcast %and3A_758 : i32 to vector<16xi32>
    %and3A_760 = arith.andi %get3A_737, %and3A_759 : vector<16xi32>
    %add3A_761 = arith.addi %shift_left3A_757, %and3A_760 : vector<16xi32>
    %swap3A_762 = arith.constant 2 : i32
    %swap3A_763 = arith.index_cast %swap3A_762 : i32 to index
    %swap3A_764 = arith.constant 112 : index
    %swap3A_765 = tpu.vector_load %arg10[%swap3A_763, %swap3A_764] {strides = array<i32>} : memref<4x128xi32, #tpu.memory_space<vmem>>, vector<16xi32>,
    tpu.vector_store %arg10[%swap3A_763, %swap3A_764], %add3A_761 {strides = array<i32>} : memref<4x128xi32, #tpu.memory_space<vmem>>, vector<16xi32>,
    %get3A_766 = arith.constant 384 : index
    %get3A_767 = tpu.vector_load %arg7[%get3A_766] {strides = array<i32>} : memref<512xi32, #tpu.memory_space<vmem>>, vector<16xi32>,
    %get3A_768 = arith.constant 384 : index
    %get3A_769 = tpu.vector_load %arg8[%get3A_768] {strides = array<i32>} : memref<512xi32, #tpu.memory_space<vmem>>, vector<16xi32>,
    %shift_right_arithmetic3A_770 = arith.constant 16 : i32
    %shift_right_arithmetic3A_771 = vector.broadcast %shift_right_arithmetic3A_770 : i32 to vector<16xi32>
    %shift_right_arithmetic3A_772 = arith.shrsi %get3A_767, %shift_right_arithmetic3A_771 : vector<16xi32>
    %shift_left3A_773 = arith.constant 14 : i32
    %shift_left3A_774 = vector.broadcast %shift_left3A_773 : i32 to vector<16xi32>
    %shift_left3A_775 = arith.shli %shift_right_arithmetic3A_772, %shift_left3A_774 : vector<16xi32>
    %and3A_776 = arith.constant 16383 : i32
    %and3A_777 = vector.broadcast %and3A_776 : i32 to vector<16xi32>
    %and3A_778 = arith.andi %get3A_767, %and3A_777 : vector<16xi32>
    %add3A_779 = arith.addi %shift_left3A_775, %and3A_778 : vector<16xi32>
    %swap3A_780 = arith.constant 3 : i32
    %swap3A_781 = arith.index_cast %swap3A_780 : i32 to index
    %swap3A_782 = arith.constant 0 : index
    %swap3A_783 = tpu.vector_load %arg9[%swap3A_781, %swap3A_782] {strides = array<i32>} : memref<4x128xi32, #tpu.memory_space<vmem>>, vector<16xi32>,
    tpu.vector_store %arg9[%swap3A_781, %swap3A_782], %add3A_779 {strides = array<i32>} : memref<4x128xi32, #tpu.memory_space<vmem>>, vector<16xi32>,
    %shift_right_arithmetic3A_784 = arith.constant 16 : i32
    %shift_right_arithmetic3A_785 = vector.broadcast %shift_right_arithmetic3A_784 : i32 to vector<16xi32>
    %shift_right_arithmetic3A_786 = arith.shrsi %get3A_769, %shift_right_arithmetic3A_785 : vector<16xi32>
    %shift_left3A_787 = arith.constant 14 : i32
    %shift_left3A_788 = vector.broadcast %shift_left3A_787 : i32 to vector<16xi32>
    %shift_left3A_789 = arith.shli %shift_right_arithmetic3A_786, %shift_left3A_788 : vector<16xi32>
    %and3A_790 = arith.constant 16383 : i32
    %and3A_791 = vector.broadcast %and3A_790 : i32 to vector<16xi32>
    %and3A_792 = arith.andi %get3A_769, %and3A_791 : vector<16xi32>
    %add3A_793 = arith.addi %shift_left3A_789, %and3A_792 : vector<16xi32>
    %swap3A_794 = arith.constant 3 : i32
    %swap3A_795 = arith.index_cast %swap3A_794 : i32 to index
    %swap3A_796 = arith.constant 0 : index
    %swap3A_797 = tpu.vector_load %arg10[%swap3A_795, %swap3A_796] {strides = array<i32>} : memref<4x128xi32, #tpu.memory_space<vmem>>, vector<16xi32>,
    tpu.vector_store %arg10[%swap3A_795, %swap3A_796], %add3A_793 {strides = array<i32>} : memref<4x128xi32, #tpu.memory_space<vmem>>, vector<16xi32>,
    %get3A_798 = arith.constant 400 : index
    %get3A_799 = tpu.vector_load %arg7[%get3A_798] {strides = array<i32>} : memref<512xi32, #tpu.memory_space<vmem>>, vector<16xi32>,
    %get3A_800 = arith.constant 400 : index
    %get3A_801 = tpu.vector_load %arg8[%get3A_800] {strides = array<i32>} : memref<512xi32, #tpu.memory_space<vmem>>, vector<16xi32>,
    %shift_right_arithmetic3A_802 = arith.constant 16 : i32
    %shift_right_arithmetic3A_803 = vector.broadcast %shift_right_arithmetic3A_802 : i32 to vector<16xi32>
    %shift_right_arithmetic3A_804 = arith.shrsi %get3A_799, %shift_right_arithmetic3A_803 : vector<16xi32>
    %shift_left3A_805 = arith.constant 14 : i32
    %shift_left3A_806 = vector.broadcast %shift_left3A_805 : i32 to vector<16xi32>
    %shift_left3A_807 = arith.shli %shift_right_arithmetic3A_804, %shift_left3A_806 : vector<16xi32>
    %and3A_808 = arith.constant 16383 : i32
    %and3A_809 = vector.broadcast %and3A_808 : i32 to vector<16xi32>
    %and3A_810 = arith.andi %get3A_799, %and3A_809 : vector<16xi32>
    %add3A_811 = arith.addi %shift_left3A_807, %and3A_810 : vector<16xi32>
    %swap3A_812 = arith.constant 3 : i32
    %swap3A_813 = arith.index_cast %swap3A_812 : i32 to index
    %swap3A_814 = arith.constant 16 : index
    %swap3A_815 = tpu.vector_load %arg9[%swap3A_813, %swap3A_814] {strides = array<i32>} : memref<4x128xi32, #tpu.memory_space<vmem>>, vector<16xi32>,
    tpu.vector_store %arg9[%swap3A_813, %swap3A_814], %add3A_811 {strides = array<i32>} : memref<4x128xi32, #tpu.memory_space<vmem>>, vector<16xi32>,
    %shift_right_arithmetic3A_816 = arith.constant 16 : i32
    %shift_right_arithmetic3A_817 = vector.broadcast %shift_right_arithmetic3A_816 : i32 to vector<16xi32>
    %shift_right_arithmetic3A_818 = arith.shrsi %get3A_801, %shift_right_arithmetic3A_817 : vector<16xi32>
    %shift_left3A_819 = arith.constant 14 : i32
    %shift_left3A_820 = vector.broadcast %shift_left3A_819 : i32 to vector<16xi32>
    %shift_left3A_821 = arith.shli %shift_right_arithmetic3A_818, %shift_left3A_820 : vector<16xi32>
    %and3A_822 = arith.constant 16383 : i32
    %and3A_823 = vector.broadcast %and3A_822 : i32 to vector<16xi32>
    %and3A_824 = arith.andi %get3A_801, %and3A_823 : vector<16xi32>
    %add3A_825 = arith.addi %shift_left3A_821, %and3A_824 : vector<16xi32>
    %swap3A_826 = arith.constant 3 : i32
    %swap3A_827 = arith.index_cast %swap3A_826 : i32 to index
    %swap3A_828 = arith.constant 16 : index
    %swap3A_829 = tpu.vector_load %arg10[%swap3A_827, %swap3A_828] {strides = array<i32>} : memref<4x128xi32, #tpu.memory_space<vmem>>, vector<16xi32>,
    tpu.vector_store %arg10[%swap3A_827, %swap3A_828], %add3A_825 {strides = array<i32>} : memref<4x128xi32, #tpu.memory_space<vmem>>, vector<16xi32>,
    %get3A_830 = arith.constant 416 : index
    %get3A_831 = tpu.vector_load %arg7[%get3A_830] {strides = array<i32>} : memref<512xi32, #tpu.memory_space<vmem>>, vector<16xi32>,
    %get3A_832 = arith.constant 416 : index
    %get3A_833 = tpu.vector_load %arg8[%get3A_832] {strides = array<i32>} : memref<512xi32, #tpu.memory_space<vmem>>, vector<16xi32>,
    %shift_right_arithmetic3A_834 = arith.constant 16 : i32
    %shift_right_arithmetic3A_835 = vector.broadcast %shift_right_arithmetic3A_834 : i32 to vector<16xi32>
    %shift_right_arithmetic3A_836 = arith.shrsi %get3A_831, %shift_right_arithmetic3A_835 : vector<16xi32>
    %shift_left3A_837 = arith.constant 14 : i32
    %shift_left3A_838 = vector.broadcast %shift_left3A_837 : i32 to vector<16xi32>
    %shift_left3A_839 = arith.shli %shift_right_arithmetic3A_836, %shift_left3A_838 : vector<16xi32>
    %and3A_840 = arith.constant 16383 : i32
    %and3A_841 = vector.broadcast %and3A_840 : i32 to vector<16xi32>
    %and3A_842 = arith.andi %get3A_831, %and3A_841 : vector<16xi32>
    %add3A_843 = arith.addi %shift_left3A_839, %and3A_842 : vector<16xi32>
    %swap3A_844 = arith.constant 3 : i32
    %swap3A_845 = arith.index_cast %swap3A_844 : i32 to index
    %swap3A_846 = arith.constant 32 : index
    %swap3A_847 = tpu.vector_load %arg9[%swap3A_845, %swap3A_846] {strides = array<i32>} : memref<4x128xi32, #tpu.memory_space<vmem>>, vector<16xi32>,
    tpu.vector_store %arg9[%swap3A_845, %swap3A_846], %add3A_843 {strides = array<i32>} : memref<4x128xi32, #tpu.memory_space<vmem>>, vector<16xi32>,
    %shift_right_arithmetic3A_848 = arith.constant 16 : i32
    %shift_right_arithmetic3A_849 = vector.broadcast %shift_right_arithmetic3A_848 : i32 to vector<16xi32>
    %shift_right_arithmetic3A_850 = arith.shrsi %get3A_833, %shift_right_arithmetic3A_849 : vector<16xi32>
    %shift_left3A_851 = arith.constant 14 : i32
    %shift_left3A_852 = vector.broadcast %shift_left3A_851 : i32 to vector<16xi32>
    %shift_left3A_853 = arith.shli %shift_right_arithmetic3A_850, %shift_left3A_852 : vector<16xi32>
    %and3A_854 = arith.constant 16383 : i32
    %and3A_855 = vector.broadcast %and3A_854 : i32 to vector<16xi32>
    %and3A_856 = arith.andi %get3A_833, %and3A_855 : vector<16xi32>
    %add3A_857 = arith.addi %shift_left3A_853, %and3A_856 : vector<16xi32>
    %swap3A_858 = arith.constant 3 : i32
    %swap3A_859 = arith.index_cast %swap3A_858 : i32 to index
    %swap3A_860 = arith.constant 32 : index
    %swap3A_861 = tpu.vector_load %arg10[%swap3A_859, %swap3A_860] {strides = array<i32>} : memref<4x128xi32, #tpu.memory_space<vmem>>, vector<16xi32>,
    tpu.vector_store %arg10[%swap3A_859, %swap3A_860], %add3A_857 {strides = array<i32>} : memref<4x128xi32, #tpu.memory_space<vmem>>, vector<16xi32>,
    %get3A_862 = arith.constant 432 : index
    %get3A_863 = tpu.vector_load %arg7[%get3A_862] {strides = array<i32>} : memref<512xi32, #tpu.memory_space<vmem>>, vector<16xi32>,
    %get3A_864 = arith.constant 432 : index
    %get3A_865 = tpu.vector_load %arg8[%get3A_864] {strides = array<i32>} : memref<512xi32, #tpu.memory_space<vmem>>, vector<16xi32>,
    %shift_right_arithmetic3A_866 = arith.constant 16 : i32
    %shift_right_arithmetic3A_867 = vector.broadcast %shift_right_arithmetic3A_866 : i32 to vector<16xi32>
    %shift_right_arithmetic3A_868 = arith.shrsi %get3A_863, %shift_right_arithmetic3A_867 : vector<16xi32>
    %shift_left3A_869 = arith.constant 14 : i32
    %shift_left3A_870 = vector.broadcast %shift_left3A_869 : i32 to vector<16xi32>
    %shift_left3A_871 = arith.shli %shift_right_arithmetic3A_868, %shift_left3A_870 : vector<16xi32>
    %and3A_872 = arith.constant 16383 : i32
    %and3A_873 = vector.broadcast %and3A_872 : i32 to vector<16xi32>
    %and3A_874 = arith.andi %get3A_863, %and3A_873 : vector<16xi32>
    %add3A_875 = arith.addi %shift_left3A_871, %and3A_874 : vector<16xi32>
    %swap3A_876 = arith.constant 3 : i32
    %swap3A_877 = arith.index_cast %swap3A_876 : i32 to index
    %swap3A_878 = arith.constant 48 : index
    %swap3A_879 = tpu.vector_load %arg9[%swap3A_877, %swap3A_878] {strides = array<i32>} : memref<4x128xi32, #tpu.memory_space<vmem>>, vector<16xi32>,
    tpu.vector_store %arg9[%swap3A_877, %swap3A_878], %add3A_875 {strides = array<i32>} : memref<4x128xi32, #tpu.memory_space<vmem>>, vector<16xi32>,
    %shift_right_arithmetic3A_880 = arith.constant 16 : i32
    %shift_right_arithmetic3A_881 = vector.broadcast %shift_right_arithmetic3A_880 : i32 to vector<16xi32>
    %shift_right_arithmetic3A_882 = arith.shrsi %get3A_865, %shift_right_arithmetic3A_881 : vector<16xi32>
    %shift_left3A_883 = arith.constant 14 : i32
    %shift_left3A_884 = vector.broadcast %shift_left3A_883 : i32 to vector<16xi32>
    %shift_left3A_885 = arith.shli %shift_right_arithmetic3A_882, %shift_left3A_884 : vector<16xi32>
    %and3A_886 = arith.constant 16383 : i32
    %and3A_887 = vector.broadcast %and3A_886 : i32 to vector<16xi32>
    %and3A_888 = arith.andi %get3A_865, %and3A_887 : vector<16xi32>
    %add3A_889 = arith.addi %shift_left3A_885, %and3A_888 : vector<16xi32>
    %swap3A_890 = arith.constant 3 : i32
    %swap3A_891 = arith.index_cast %swap3A_890 : i32 to index
    %swap3A_892 = arith.constant 48 : index
    %swap3A_893 = tpu.vector_load %arg10[%swap3A_891, %swap3A_892] {strides = array<i32>} : memref<4x128xi32, #tpu.memory_space<vmem>>, vector<16xi32>,
    tpu.vector_store %arg10[%swap3A_891, %swap3A_892], %add3A_889 {strides = array<i32>} : memref<4x128xi32, #tpu.memory_space<vmem>>, vector<16xi32>,
    %get3A_894 = arith.constant 448 : index
    %get3A_895 = tpu.vector_load %arg7[%get3A_894] {strides = array<i32>} : memref<512xi32, #tpu.memory_space<vmem>>, vector<16xi32>,
    %get3A_896 = arith.constant 448 : index
    %get3A_897 = tpu.vector_load %arg8[%get3A_896] {strides = array<i32>} : memref<512xi32, #tpu.memory_space<vmem>>, vector<16xi32>,
    %shift_right_arithmetic3A_898 = arith.constant 16 : i32
    %shift_right_arithmetic3A_899 = vector.broadcast %shift_right_arithmetic3A_898 : i32 to vector<16xi32>
    %shift_right_arithmetic3A_900 = arith.shrsi %get3A_895, %shift_right_arithmetic3A_899 : vector<16xi32>
    %shift_left3A_901 = arith.constant 14 : i32
    %shift_left3A_902 = vector.broadcast %shift_left3A_901 : i32 to vector<16xi32>
    %shift_left3A_903 = arith.shli %shift_right_arithmetic3A_900, %shift_left3A_902 : vector<16xi32>
    %and3A_904 = arith.constant 16383 : i32
    %and3A_905 = vector.broadcast %and3A_904 : i32 to vector<16xi32>
    %and3A_906 = arith.andi %get3A_895, %and3A_905 : vector<16xi32>
    %add3A_907 = arith.addi %shift_left3A_903, %and3A_906 : vector<16xi32>
    %swap3A_908 = arith.constant 3 : i32
    %swap3A_909 = arith.index_cast %swap3A_908 : i32 to index
    %swap3A_910 = arith.constant 64 : index
    %swap3A_911 = tpu.vector_load %arg9[%swap3A_909, %swap3A_910] {strides = array<i32>} : memref<4x128xi32, #tpu.memory_space<vmem>>, vector<16xi32>,
    tpu.vector_store %arg9[%swap3A_909, %swap3A_910], %add3A_907 {strides = array<i32>} : memref<4x128xi32, #tpu.memory_space<vmem>>, vector<16xi32>,
    %shift_right_arithmetic3A_912 = arith.constant 16 : i32
    %shift_right_arithmetic3A_913 = vector.broadcast %shift_right_arithmetic3A_912 : i32 to vector<16xi32>
    %shift_right_arithmetic3A_914 = arith.shrsi %get3A_897, %shift_right_arithmetic3A_913 : vector<16xi32>
    %shift_left3A_915 = arith.constant 14 : i32
    %shift_left3A_916 = vector.broadcast %shift_left3A_915 : i32 to vector<16xi32>
    %shift_left3A_917 = arith.shli %shift_right_arithmetic3A_914, %shift_left3A_916 : vector<16xi32>
    %and3A_918 = arith.constant 16383 : i32
    %and3A_919 = vector.broadcast %and3A_918 : i32 to vector<16xi32>
    %and3A_920 = arith.andi %get3A_897, %and3A_919 : vector<16xi32>
    %add3A_921 = arith.addi %shift_left3A_917, %and3A_920 : vector<16xi32>
    %swap3A_922 = arith.constant 3 : i32
    %swap3A_923 = arith.index_cast %swap3A_922 : i32 to index
    %swap3A_924 = arith.constant 64 : index
    %swap3A_925 = tpu.vector_load %arg10[%swap3A_923, %swap3A_924] {strides = array<i32>} : memref<4x128xi32, #tpu.memory_space<vmem>>, vector<16xi32>,
    tpu.vector_store %arg10[%swap3A_923, %swap3A_924], %add3A_921 {strides = array<i32>} : memref<4x128xi32, #tpu.memory_space<vmem>>, vector<16xi32>,
    %get3A_926 = arith.constant 464 : index
    %get3A_927 = tpu.vector_load %arg7[%get3A_926] {strides = array<i32>} : memref<512xi32, #tpu.memory_space<vmem>>, vector<16xi32>,
    %get3A_928 = arith.constant 464 : index
    %get3A_929 = tpu.vector_load %arg8[%get3A_928] {strides = array<i32>} : memref<512xi32, #tpu.memory_space<vmem>>, vector<16xi32>,
    %shift_right_arithmetic3A_930 = arith.constant 16 : i32
    %shift_right_arithmetic3A_931 = vector.broadcast %shift_right_arithmetic3A_930 : i32 to vector<16xi32>
    %shift_right_arithmetic3A_932 = arith.shrsi %get3A_927, %shift_right_arithmetic3A_931 : vector<16xi32>
    %shift_left3A_933 = arith.constant 14 : i32
    %shift_left3A_934 = vector.broadcast %shift_left3A_933 : i32 to vector<16xi32>
    %shift_left3A_935 = arith.shli %shift_right_arithmetic3A_932, %shift_left3A_934 : vector<16xi32>
    %and3A_936 = arith.constant 16383 : i32
    %and3A_937 = vector.broadcast %and3A_936 : i32 to vector<16xi32>
    %and3A_938 = arith.andi %get3A_927, %and3A_937 : vector<16xi32>
    %add3A_939 = arith.addi %shift_left3A_935, %and3A_938 : vector<16xi32>
    %swap3A_940 = arith.constant 3 : i32
    %swap3A_941 = arith.index_cast %swap3A_940 : i32 to index
    %swap3A_942 = arith.constant 80 : index
    %swap3A_943 = tpu.vector_load %arg9[%swap3A_941, %swap3A_942] {strides = array<i32>} : memref<4x128xi32, #tpu.memory_space<vmem>>, vector<16xi32>,
    tpu.vector_store %arg9[%swap3A_941, %swap3A_942], %add3A_939 {strides = array<i32>} : memref<4x128xi32, #tpu.memory_space<vmem>>, vector<16xi32>,
    %shift_right_arithmetic3A_944 = arith.constant 16 : i32
    %shift_right_arithmetic3A_945 = vector.broadcast %shift_right_arithmetic3A_944 : i32 to vector<16xi32>
    %shift_right_arithmetic3A_946 = arith.shrsi %get3A_929, %shift_right_arithmetic3A_945 : vector<16xi32>
    %shift_left3A_947 = arith.constant 14 : i32
    %shift_left3A_948 = vector.broadcast %shift_left3A_947 : i32 to vector<16xi32>
    %shift_left3A_949 = arith.shli %shift_right_arithmetic3A_946, %shift_left3A_948 : vector<16xi32>
    %and3A_950 = arith.constant 16383 : i32
    %and3A_951 = vector.broadcast %and3A_950 : i32 to vector<16xi32>
    %and3A_952 = arith.andi %get3A_929, %and3A_951 : vector<16xi32>
    %add3A_953 = arith.addi %shift_left3A_949, %and3A_952 : vector<16xi32>
    %swap3A_954 = arith.constant 3 : i32
    %swap3A_955 = arith.index_cast %swap3A_954 : i32 to index
    %swap3A_956 = arith.constant 80 : index
    %swap3A_957 = tpu.vector_load %arg10[%swap3A_955, %swap3A_956] {strides = array<i32>} : memref<4x128xi32, #tpu.memory_space<vmem>>, vector<16xi32>,
    tpu.vector_store %arg10[%swap3A_955, %swap3A_956], %add3A_953 {strides = array<i32>} : memref<4x128xi32, #tpu.memory_space<vmem>>, vector<16xi32>,
    %get3A_958 = arith.constant 480 : index
    %get3A_959 = tpu.vector_load %arg7[%get3A_958] {strides = array<i32>} : memref<512xi32, #tpu.memory_space<vmem>>, vector<16xi32>,
    %get3A_960 = arith.constant 480 : index
    %get3A_961 = tpu.vector_load %arg8[%get3A_960] {strides = array<i32>} : memref<512xi32, #tpu.memory_space<vmem>>, vector<16xi32>,
    %shift_right_arithmetic3A_962 = arith.constant 16 : i32
    %shift_right_arithmetic3A_963 = vector.broadcast %shift_right_arithmetic3A_962 : i32 to vector<16xi32>
    %shift_right_arithmetic3A_964 = arith.shrsi %get3A_959, %shift_right_arithmetic3A_963 : vector<16xi32>
    %shift_left3A_965 = arith.constant 14 : i32
    %shift_left3A_966 = vector.broadcast %shift_left3A_965 : i32 to vector<16xi32>
    %shift_left3A_967 = arith.shli %shift_right_arithmetic3A_964, %shift_left3A_966 : vector<16xi32>
    %and3A_968 = arith.constant 16383 : i32
    %and3A_969 = vector.broadcast %and3A_968 : i32 to vector<16xi32>
    %and3A_970 = arith.andi %get3A_959, %and3A_969 : vector<16xi32>
    %add3A_971 = arith.addi %shift_left3A_967, %and3A_970 : vector<16xi32>
    %swap3A_972 = arith.constant 3 : i32
    %swap3A_973 = arith.index_cast %swap3A_972 : i32 to index
    %swap3A_974 = arith.constant 96 : index
    %swap3A_975 = tpu.vector_load %arg9[%swap3A_973, %swap3A_974] {strides = array<i32>} : memref<4x128xi32, #tpu.memory_space<vmem>>, vector<16xi32>,
    tpu.vector_store %arg9[%swap3A_973, %swap3A_974], %add3A_971 {strides = array<i32>} : memref<4x128xi32, #tpu.memory_space<vmem>>, vector<16xi32>,
    %shift_right_arithmetic3A_976 = arith.constant 16 : i32
    %shift_right_arithmetic3A_977 = vector.broadcast %shift_right_arithmetic3A_976 : i32 to vector<16xi32>
    %shift_right_arithmetic3A_978 = arith.shrsi %get3A_961, %shift_right_arithmetic3A_977 : vector<16xi32>
    %shift_left3A_979 = arith.constant 14 : i32
    %shift_left3A_980 = vector.broadcast %shift_left3A_979 : i32 to vector<16xi32>
    %shift_left3A_981 = arith.shli %shift_right_arithmetic3A_978, %shift_left3A_980 : vector<16xi32>
    %and3A_982 = arith.constant 16383 : i32
    %and3A_983 = vector.broadcast %and3A_982 : i32 to vector<16xi32>
    %and3A_984 = arith.andi %get3A_961, %and3A_983 : vector<16xi32>
    %add3A_985 = arith.addi %shift_left3A_981, %and3A_984 : vector<16xi32>
    %swap3A_986 = arith.constant 3 : i32
    %swap3A_987 = arith.index_cast %swap3A_986 : i32 to index
    %swap3A_988 = arith.constant 96 : index
    %swap3A_989 = tpu.vector_load %arg10[%swap3A_987, %swap3A_988] {strides = array<i32>} : memref<4x128xi32, #tpu.memory_space<vmem>>, vector<16xi32>,
    tpu.vector_store %arg10[%swap3A_987, %swap3A_988], %add3A_985 {strides = array<i32>} : memref<4x128xi32, #tpu.memory_space<vmem>>, vector<16xi32>,
    %get3A_990 = arith.constant 496 : index
    %get3A_991 = tpu.vector_load %arg7[%get3A_990] {strides = array<i32>} : memref<512xi32, #tpu.memory_space<vmem>>, vector<16xi32>,
    %get3A_992 = arith.constant 496 : index
    %get3A_993 = tpu.vector_load %arg8[%get3A_992] {strides = array<i32>} : memref<512xi32, #tpu.memory_space<vmem>>, vector<16xi32>,
    %shift_right_arithmetic3A_994 = arith.constant 16 : i32
    %shift_right_arithmetic3A_995 = vector.broadcast %shift_right_arithmetic3A_994 : i32 to vector<16xi32>
    %shift_right_arithmetic3A_996 = arith.shrsi %get3A_991, %shift_right_arithmetic3A_995 : vector<16xi32>
    %shift_left3A_997 = arith.constant 14 : i32
    %shift_left3A_998 = vector.broadcast %shift_left3A_997 : i32 to vector<16xi32>
    %shift_left3A_999 = arith.shli %shift_right_arithmetic3A_996, %shift_left3A_998 : vector<16xi32>
    %and3A_1000 = arith.constant 16383 : i32
    %and3A_1001 = vector.broadcast %and3A_1000 : i32 to vector<16xi32>
    %and3A_1002 = arith.andi %get3A_991, %and3A_1001 : vector<16xi32>
    %add3A_1003 = arith.addi %shift_left3A_999, %and3A_1002 : vector<16xi32>
    %swap3A_1004 = arith.constant 3 : i32
    %swap3A_1005 = arith.index_cast %swap3A_1004 : i32 to index
    %swap3A_1006 = arith.constant 112 : index
    %swap3A_1007 = tpu.vector_load %arg9[%swap3A_1005, %swap3A_1006] {strides = array<i32>} : memref<4x128xi32, #tpu.memory_space<vmem>>, vector<16xi32>,
    tpu.vector_store %arg9[%swap3A_1005, %swap3A_1006], %add3A_1003 {strides = array<i32>} : memref<4x128xi32, #tpu.memory_space<vmem>>, vector<16xi32>,
    %shift_right_arithmetic3A_1008 = arith.constant 16 : i32
    %shift_right_arithmetic3A_1009 = vector.broadcast %shift_right_arithmetic3A_1008 : i32 to vector<16xi32>
    %shift_right_arithmetic3A_1010 = arith.shrsi %get3A_993, %shift_right_arithmetic3A_1009 : vector<16xi32>
    %shift_left3A_1011 = arith.constant 14 : i32
    %shift_left3A_1012 = vector.broadcast %shift_left3A_1011 : i32 to vector<16xi32>
    %shift_left3A_1013 = arith.shli %shift_right_arithmetic3A_1010, %shift_left3A_1012 : vector<16xi32>
    %and3A_1014 = arith.constant 16383 : i32
    %and3A_1015 = vector.broadcast %and3A_1014 : i32 to vector<16xi32>
    %and3A_1016 = arith.andi %get3A_993, %and3A_1015 : vector<16xi32>
    %add3A_1017 = arith.addi %shift_left3A_1013, %and3A_1016 : vector<16xi32>
    %swap3A_1018 = arith.constant 3 : i32
    %swap3A_1019 = arith.index_cast %swap3A_1018 : i32 to index
    %swap3A_1020 = arith.constant 112 : index
    %swap3A_1021 = tpu.vector_load %arg10[%swap3A_1019, %swap3A_1020] {strides = array<i32>} : memref<4x128xi32, #tpu.memory_space<vmem>>, vector<16xi32>,
    tpu.vector_store %arg10[%swap3A_1019, %swap3A_1020], %add3A_1017 {strides = array<i32>} : memref<4x128xi32, #tpu.memory_space<vmem>>, vector<16xi32>,
    %dma_start3A = arith.constant 0 : i32
    %dma_start3A_1022 = arith.constant 0 : i32
    %dma_start3A_1023 = arith.constant 0 : i32
    %dma_start3A_1024 = tpu.memref_slice %arg11[%dma_start3A_1022, %dma_start3A_1023] : memref<256x128xf32, #tpu.memory_space<vmem>> -> memref<128x128xf32, #tpu.memory_space<vmem>>
    %dma_start3A_1025 = arith.constant 0 : i32
    %dma_start3A_1026 = tpu.memref_slice %arg9[%dma_start3A, %dma_start3A_1025] : memref<4x128xi32, #tpu.memory_space<vmem>> -> memref<1x128xi32, #tpu.memory_space<vmem>>
    %dma_start3A_1027 = tpu.memref_squeeze %dma_start3A_1026 : memref<1x128xi32, #tpu.memory_space<vmem>> -> memref<128xi32, #tpu.memory_space<vmem>>
    %dma_start3A_1028 = arith.constant 0 : i32
    %dma_start3A_1029 = arith.constant 0 : i32
    %dma_start3A_1030 = tpu.memref_slice %arg4[%dma_start3A_1028, %dma_start3A_1029] : memref<262144x128xf32, #tpu.memory_space<hbm>> -> memref<262144x128xf32, #tpu.memory_space<hbm>>
    tpu.enqueue_indirect_dma source(%dma_start3A_1030 : memref<262144x128xf32, #tpu.memory_space<hbm>>) target(%dma_start3A_1024 : memref<128x128xf32, #tpu.memory_space<vmem>>) offsets(%dma_start3A_1027 : memref<128xi32, #tpu.memory_space<vmem>>) semaphore(%arg14 : memref<!tpu.dma_semaphore, #tpu.memory_space<semaphore_mem>>)
    %dma_start3A_1031 = arith.constant 0 : i32
    %dma_start3A_1032 = arith.constant 0 : i32
    %dma_start3A_1033 = arith.constant 0 : i32
    %dma_start3A_1034 = tpu.memref_slice %arg12[%dma_start3A_1032, %dma_start3A_1033] : memref<256x128xf32, #tpu.memory_space<vmem>> -> memref<128x128xf32, #tpu.memory_space<vmem>>
    %dma_start3A_1035 = arith.constant 0 : i32
    %dma_start3A_1036 = tpu.memref_slice %arg10[%dma_start3A_1031, %dma_start3A_1035] : memref<4x128xi32, #tpu.memory_space<vmem>> -> memref<1x128xi32, #tpu.memory_space<vmem>>
    %dma_start3A_1037 = tpu.memref_squeeze %dma_start3A_1036 : memref<1x128xi32, #tpu.memory_space<vmem>> -> memref<128xi32, #tpu.memory_space<vmem>>
    %dma_start3A_1038 = arith.constant 0 : i32
    %dma_start3A_1039 = arith.constant 0 : i32
    %dma_start3A_1040 = tpu.memref_slice %arg5[%dma_start3A_1038, %dma_start3A_1039] : memref<32768x128xf32, #tpu.memory_space<hbm>> -> memref<32768x128xf32, #tpu.memory_space<hbm>>
    tpu.enqueue_indirect_dma source(%dma_start3A_1040 : memref<32768x128xf32, #tpu.memory_space<hbm>>) target(%dma_start3A_1034 : memref<128x128xf32, #tpu.memory_space<vmem>>) offsets(%dma_start3A_1037 : memref<128xi32, #tpu.memory_space<vmem>>) semaphore(%arg14 : memref<!tpu.dma_semaphore, #tpu.memory_space<semaphore_mem>>)
    %dma_start3A_1041 = arith.constant 1 : i32
    %dma_start3A_1042 = arith.constant 128 : i32
    %dma_start3A_1043 = arith.constant 0 : i32
    %dma_start3A_1044 = tpu.memref_slice %arg11[%dma_start3A_1042, %dma_start3A_1043] : memref<256x128xf32, #tpu.memory_space<vmem>> -> memref<128x128xf32, #tpu.memory_space<vmem>>
    %dma_start3A_1045 = arith.constant 0 : i32
    %dma_start3A_1046 = tpu.memref_slice %arg9[%dma_start3A_1041, %dma_start3A_1045] : memref<4x128xi32, #tpu.memory_space<vmem>> -> memref<1x128xi32, #tpu.memory_space<vmem>>
    %dma_start3A_1047 = tpu.memref_squeeze %dma_start3A_1046 : memref<1x128xi32, #tpu.memory_space<vmem>> -> memref<128xi32, #tpu.memory_space<vmem>>
    %dma_start3A_1048 = arith.constant 0 : i32
    %dma_start3A_1049 = arith.constant 0 : i32
    %dma_start3A_1050 = tpu.memref_slice %arg4[%dma_start3A_1048, %dma_start3A_1049] : memref<262144x128xf32, #tpu.memory_space<hbm>> -> memref<262144x128xf32, #tpu.memory_space<hbm>>
    tpu.enqueue_indirect_dma source(%dma_start3A_1050 : memref<262144x128xf32, #tpu.memory_space<hbm>>) target(%dma_start3A_1044 : memref<128x128xf32, #tpu.memory_space<vmem>>) offsets(%dma_start3A_1047 : memref<128xi32, #tpu.memory_space<vmem>>) semaphore(%arg14 : memref<!tpu.dma_semaphore, #tpu.memory_space<semaphore_mem>>)
    %dma_start3A_1051 = arith.constant 1 : i32
    %dma_start3A_1052 = arith.constant 128 : i32
    %dma_start3A_1053 = arith.constant 0 : i32
    %dma_start3A_1054 = tpu.memref_slice %arg12[%dma_start3A_1052, %dma_start3A_1053] : memref<256x128xf32, #tpu.memory_space<vmem>> -> memref<128x128xf32, #tpu.memory_space<vmem>>
    %dma_start3A_1055 = arith.constant 0 : i32
    %dma_start3A_1056 = tpu.memref_slice %arg10[%dma_start3A_1051, %dma_start3A_1055] : memref<4x128xi32, #tpu.memory_space<vmem>> -> memref<1x128xi32, #tpu.memory_space<vmem>>
    %dma_start3A_1057 = tpu.memref_squeeze %dma_start3A_1056 : memref<1x128xi32, #tpu.memory_space<vmem>> -> memref<128xi32, #tpu.memory_space<vmem>>
    %dma_start3A_1058 = arith.constant 0 : i32
    %dma_start3A_1059 = arith.constant 0 : i32
    %dma_start3A_1060 = tpu.memref_slice %arg5[%dma_start3A_1058, %dma_start3A_1059] : memref<32768x128xf32, #tpu.memory_space<hbm>> -> memref<32768x128xf32, #tpu.memory_space<hbm>>
    tpu.enqueue_indirect_dma source(%dma_start3A_1060 : memref<32768x128xf32, #tpu.memory_space<hbm>>) target(%dma_start3A_1054 : memref<128x128xf32, #tpu.memory_space<vmem>>) offsets(%dma_start3A_1057 : memref<128xi32, #tpu.memory_space<vmem>>) semaphore(%arg14 : memref<!tpu.dma_semaphore, #tpu.memory_space<semaphore_mem>>)
    %dma_wait3A = arith.constant 0 : i32
    %dma_wait3A_1061 = arith.constant 0 : i32
    %dma_wait3A_1062 = arith.constant 0 : i32
    %dma_wait3A_1063 = tpu.memref_slice %arg11[%dma_wait3A_1061, %dma_wait3A_1062] : memref<256x128xf32, #tpu.memory_space<vmem>> -> memref<128x128xf32, #tpu.memory_space<vmem>>
    %dma_wait3A_1064 = arith.constant 0 : i32
    %dma_wait3A_1065 = tpu.memref_slice %arg9[%dma_wait3A, %dma_wait3A_1064] : memref<4x128xi32, #tpu.memory_space<vmem>> -> memref<1x128xi32, #tpu.memory_space<vmem>>
    %dma_wait3A_1066 = tpu.memref_squeeze %dma_wait3A_1065 : memref<1x128xi32, #tpu.memory_space<vmem>> -> memref<128xi32, #tpu.memory_space<vmem>>
    %dma_wait3A_1067 = arith.constant 0 : i32
    %dma_wait3A_1068 = arith.constant 0 : i32
    %dma_wait3A_1069 = tpu.memref_slice %arg4[%dma_wait3A_1067, %dma_wait3A_1068] : memref<262144x128xf32, #tpu.memory_space<hbm>> -> memref<262144x128xf32, #tpu.memory_space<hbm>>
    tpu.wait_indirect_dma semaphore(%arg14 : memref<!tpu.dma_semaphore, #tpu.memory_space<semaphore_mem>>) src(%dma_wait3A_1069 : memref<262144x128xf32, #tpu.memory_space<hbm>>) dst(%dma_wait3A_1063 : memref<128x128xf32, #tpu.memory_space<vmem>>)
    %dma_wait3A_1070 = arith.constant 0 : i32
    %dma_wait3A_1071 = arith.constant 0 : i32
    %dma_wait3A_1072 = arith.constant 0 : i32
    %dma_wait3A_1073 = tpu.memref_slice %arg12[%dma_wait3A_1071, %dma_wait3A_1072] : memref<256x128xf32, #tpu.memory_space<vmem>> -> memref<128x128xf32, #tpu.memory_space<vmem>>
    %dma_wait3A_1074 = arith.constant 0 : i32
    %dma_wait3A_1075 = tpu.memref_slice %arg10[%dma_wait3A_1070, %dma_wait3A_1074] : memref<4x128xi32, #tpu.memory_space<vmem>> -> memref<1x128xi32, #tpu.memory_space<vmem>>
    %dma_wait3A_1076 = tpu.memref_squeeze %dma_wait3A_1075 : memref<1x128xi32, #tpu.memory_space<vmem>> -> memref<128xi32, #tpu.memory_space<vmem>>
    %dma_wait3A_1077 = arith.constant 0 : i32
    %dma_wait3A_1078 = arith.constant 0 : i32
    %dma_wait3A_1079 = tpu.memref_slice %arg5[%dma_wait3A_1077, %dma_wait3A_1078] : memref<32768x128xf32, #tpu.memory_space<hbm>> -> memref<32768x128xf32, #tpu.memory_space<hbm>>
    tpu.wait_indirect_dma semaphore(%arg14 : memref<!tpu.dma_semaphore, #tpu.memory_space<semaphore_mem>>) src(%dma_wait3A_1079 : memref<32768x128xf32, #tpu.memory_space<hbm>>) dst(%dma_wait3A_1073 : memref<128x128xf32, #tpu.memory_space<vmem>>)
    %dma_wait3A_1080 = arith.constant 1 : i32
    %dma_wait3A_1081 = arith.constant 128 : i32
    %dma_wait3A_1082 = arith.constant 0 : i32
    %dma_wait3A_1083 = tpu.memref_slice %arg11[%dma_wait3A_1081, %dma_wait3A_1082] : memref<256x128xf32, #tpu.memory_space<vmem>> -> memref<128x128xf32, #tpu.memory_space<vmem>>
    %dma_wait3A_1084 = arith.constant 0 : i32
    %dma_wait3A_1085 = tpu.memref_slice %arg9[%dma_wait3A_1080, %dma_wait3A_1084] : memref<4x128xi32, #tpu.memory_space<vmem>> -> memref<1x128xi32, #tpu.memory_space<vmem>>
    %dma_wait3A_1086 = tpu.memref_squeeze %dma_wait3A_1085 : memref<1x128xi32, #tpu.memory_space<vmem>> -> memref<128xi32, #tpu.memory_space<vmem>>
    %dma_wait3A_1087 = arith.constant 0 : i32
    %dma_wait3A_1088 = arith.constant 0 : i32
    %dma_wait3A_1089 = tpu.memref_slice %arg4[%dma_wait3A_1087, %dma_wait3A_1088] : memref<262144x128xf32, #tpu.memory_space<hbm>> -> memref<262144x128xf32, #tpu.memory_space<hbm>>
    tpu.wait_indirect_dma semaphore(%arg14 : memref<!tpu.dma_semaphore, #tpu.memory_space<semaphore_mem>>) src(%dma_wait3A_1089 : memref<262144x128xf32, #tpu.memory_space<hbm>>) dst(%dma_wait3A_1083 : memref<128x128xf32, #tpu.memory_space<vmem>>)
    %dma_wait3A_1090 = arith.constant 1 : i32
    %dma_wait3A_1091 = arith.constant 128 : i32
    %dma_wait3A_1092 = arith.constant 0 : i32
    %dma_wait3A_1093 = tpu.memref_slice %arg12[%dma_wait3A_1091, %dma_wait3A_1092] : memref<256x128xf32, #tpu.memory_space<vmem>> -> memref<128x128xf32, #tpu.memory_space<vmem>>
    %dma_wait3A_1094 = arith.constant 0 : i32
    %dma_wait3A_1095 = tpu.memref_slice %arg10[%dma_wait3A_1090, %dma_wait3A_1094] : memref<4x128xi32, #tpu.memory_space<vmem>> -> memref<1x128xi32, #tpu.memory_space<vmem>>
    %dma_wait3A_1096 = tpu.memref_squeeze %dma_wait3A_1095 : memref<1x128xi32, #tpu.memory_space<vmem>> -> memref<128xi32, #tpu.memory_space<vmem>>
    %dma_wait3A_1097 = arith.constant 0 : i32
    %dma_wait3A_1098 = arith.constant 0 : i32
    %dma_wait3A_1099 = tpu.memref_slice %arg5[%dma_wait3A_1097, %dma_wait3A_1098] : memref<32768x128xf32, #tpu.memory_space<hbm>> -> memref<32768x128xf32, #tpu.memory_space<hbm>>
    tpu.wait_indirect_dma semaphore(%arg14 : memref<!tpu.dma_semaphore, #tpu.memory_space<semaphore_mem>>) src(%dma_wait3A_1099 : memref<32768x128xf32, #tpu.memory_space<hbm>>) dst(%dma_wait3A_1093 : memref<128x128xf32, #tpu.memory_space<vmem>>)
    %scan3A = arith.constant 0 : i32
    %scan3A_1100 = arith.constant 0 : i32
    %scan3A_1101 = arith.constant 16 : i32
    %scan3A_1102 = arith.addi %scan3A_1100, %scan3A_1101 : i32
    %scan3A_1103 = arith.constant 1 : i32
    %scan3A_1104 = scf.for %scan3A_1193 = %scan3A_1100 to %scan3A_1102 step %scan3A_1103 iter_args(%scan3A_1194 = %scan3A) -> (i32)  : i32 {
      %mul3A_1195 = arith.constant 16 : i32
      %mul3A_1196 = arith.muli %scan3A_1193, %mul3A_1195 : i32
      %iota3A = tpu.iota {dimensions = array<i32: 0>} : vector<16xi32>
      %add3A_1197 = vector.broadcast %mul3A_1196 : i32 to vector<16xi32>
      %add3A_1198 = arith.addi %add3A_1197, %iota3A : vector<16xi32>
      %mul3A_1199 = arith.constant 16 : i32
      %mul3A_1200 = arith.muli %scan3A_1193, %mul3A_1199 : i32
      %add3A_1201 = arith.constant 0 : i32
      %add3A_1202 = arith.addi %add3A_1201, %mul3A_1200 : i32
      %get3A_1203 = arith.index_cast %add3A_1202 : i32 to index
      %get3A_1204 = tpu.vector_load %arg7[%get3A_1203] {strides = array<i32>} : memref<512xi32, #tpu.memory_space<vmem>>, vector<16xi32>,
      %mul3A_1205 = arith.constant 16 : i32
      %mul3A_1206 = arith.muli %scan3A_1193, %mul3A_1205 : i32
      %add3A_1207 = arith.constant 0 : i32
      %add3A_1208 = arith.addi %add3A_1207, %mul3A_1206 : i32
      %get3A_1209 = arith.index_cast %add3A_1208 : i32 to index
      %get3A_1210 = tpu.vector_load %arg8[%get3A_1209] {strides = array<i32>} : memref<512xi32, #tpu.memory_space<vmem>>, vector<16xi32>,
      %shift_right_arithmetic3A_1211 = arith.constant 14 : i32
      %shift_right_arithmetic3A_1212 = vector.broadcast %shift_right_arithmetic3A_1211 : i32 to vector<16xi32>
      %shift_right_arithmetic3A_1213 = arith.shrsi %get3A_1204, %shift_right_arithmetic3A_1212 : vector<16xi32>
      %and3A_1214 = arith.constant 3 : i32
      %and3A_1215 = vector.broadcast %and3A_1214 : i32 to vector<16xi32>
      %and3A_1216 = arith.andi %shift_right_arithmetic3A_1213, %and3A_1215 : vector<16xi32>
      %mul3A_1217 = arith.constant 32 : i32
      %mul3A_1218 = vector.broadcast %mul3A_1217 : i32 to vector<16xi32>
      %mul3A_1219 = arith.muli %and3A_1216, %mul3A_1218 : vector<16xi32>
      %shift_right_arithmetic3A_1220 = arith.constant 14 : i32
      %shift_right_arithmetic3A_1221 = vector.broadcast %shift_right_arithmetic3A_1220 : i32 to vector<16xi32>
      %shift_right_arithmetic3A_1222 = arith.shrsi %get3A_1210, %shift_right_arithmetic3A_1221 : vector<16xi32>
      %and3A_1223 = arith.constant 3 : i32
      %and3A_1224 = vector.broadcast %and3A_1223 : i32 to vector<16xi32>
      %and3A_1225 = arith.andi %shift_right_arithmetic3A_1222, %and3A_1224 : vector<16xi32>
      %mul3A_1226 = arith.constant 32 : i32
      %mul3A_1227 = vector.broadcast %mul3A_1226 : i32 to vector<16xi32>
      %mul3A_1228 = arith.muli %and3A_1225, %mul3A_1227 : vector<16xi32>
      %broadcast_in_dim3A = arith.constant 0.000000e+00 : f32
      %broadcast_in_dim3A_1229 = vector.broadcast %broadcast_in_dim3A : f32 to vector<16xf32>
      %add3A_1230 = arith.constant 0 : i32
      %add3A_1231 = vector.broadcast %add3A_1230 : i32 to vector<16xi32>
      %add3A_1232 = arith.addi %mul3A_1219, %add3A_1231 : vector<16xi32>
      %gather3A = tpu.vector_load_idx %arg11[%add3A_1198, %add3A_1232] : memref<256x128xf32, #tpu.memory_space<vmem>>[vector<16xi32>, vector<16xi32>], vector<16xf32>,
      %add3A_1233 = arith.constant 0 : i32
      %add3A_1234 = vector.broadcast %add3A_1233 : i32 to vector<16xi32>
      %add3A_1235 = arith.addi %mul3A_1228, %add3A_1234 : vector<16xi32>
      %gather3A_1236 = tpu.vector_load_idx %arg12[%add3A_1198, %add3A_1235] : memref<256x128xf32, #tpu.memory_space<vmem>>[vector<16xi32>, vector<16xi32>], vector<16xf32>,
      %mul3A_1237 = arith.mulf %gather3A, %gather3A_1236 : vector<16xf32>
      %add3A_1238 = arith.addf %broadcast_in_dim3A_1229, %mul3A_1237 : vector<16xf32>
      %add3A_1239 = arith.constant 1 : i32
      %add3A_1240 = vector.broadcast %add3A_1239 : i32 to vector<16xi32>
      %add3A_1241 = arith.addi %mul3A_1219, %add3A_1240 : vector<16xi32>
      %gather3A_1242 = tpu.vector_load_idx %arg11[%add3A_1198, %add3A_1241] : memref<256x128xf32, #tpu.memory_space<vmem>>[vector<16xi32>, vector<16xi32>], vector<16xf32>,
      %add3A_1243 = arith.constant 1 : i32
      %add3A_1244 = vector.broadcast %add3A_1243 : i32 to vector<16xi32>
      %add3A_1245 = arith.addi %mul3A_1228, %add3A_1244 : vector<16xi32>
      %gather3A_1246 = tpu.vector_load_idx %arg12[%add3A_1198, %add3A_1245] : memref<256x128xf32, #tpu.memory_space<vmem>>[vector<16xi32>, vector<16xi32>], vector<16xf32>,
      %mul3A_1247 = arith.mulf %gather3A_1242, %gather3A_1246 : vector<16xf32>
      %add3A_1248 = arith.addf %add3A_1238, %mul3A_1247 : vector<16xf32>
      %add3A_1249 = arith.constant 2 : i32
      %add3A_1250 = vector.broadcast %add3A_1249 : i32 to vector<16xi32>
      %add3A_1251 = arith.addi %mul3A_1219, %add3A_1250 : vector<16xi32>
      %gather3A_1252 = tpu.vector_load_idx %arg11[%add3A_1198, %add3A_1251] : memref<256x128xf32, #tpu.memory_space<vmem>>[vector<16xi32>, vector<16xi32>], vector<16xf32>,
      %add3A_1253 = arith.constant 2 : i32
      %add3A_1254 = vector.broadcast %add3A_1253 : i32 to vector<16xi32>
      %add3A_1255 = arith.addi %mul3A_1228, %add3A_1254 : vector<16xi32>
      %gather3A_1256 = tpu.vector_load_idx %arg12[%add3A_1198, %add3A_1255] : memref<256x128xf32, #tpu.memory_space<vmem>>[vector<16xi32>, vector<16xi32>], vector<16xf32>,
      %mul3A_1257 = arith.mulf %gather3A_1252, %gather3A_1256 : vector<16xf32>
      %add3A_1258 = arith.addf %add3A_1248, %mul3A_1257 : vector<16xf32>
      %add3A_1259 = arith.constant 3 : i32
      %add3A_1260 = vector.broadcast %add3A_1259 : i32 to vector<16xi32>
      %add3A_1261 = arith.addi %mul3A_1219, %add3A_1260 : vector<16xi32>
      %gather3A_1262 = tpu.vector_load_idx %arg11[%add3A_1198, %add3A_1261] : memref<256x128xf32, #tpu.memory_space<vmem>>[vector<16xi32>, vector<16xi32>], vector<16xf32>,
      %add3A_1263 = arith.constant 3 : i32
      %add3A_1264 = vector.broadcast %add3A_1263 : i32 to vector<16xi32>
      %add3A_1265 = arith.addi %mul3A_1228, %add3A_1264 : vector<16xi32>
      %gather3A_1266 = tpu.vector_load_idx %arg12[%add3A_1198, %add3A_1265] : memref<256x128xf32, #tpu.memory_space<vmem>>[vector<16xi32>, vector<16xi32>], vector<16xf32>,
      %mul3A_1267 = arith.mulf %gather3A_1262, %gather3A_1266 : vector<16xf32>
      %add3A_1268 = arith.addf %add3A_1258, %mul3A_1267 : vector<16xf32>
      %add3A_1269 = arith.constant 4 : i32
      %add3A_1270 = vector.broadcast %add3A_1269 : i32 to vector<16xi32>
      %add3A_1271 = arith.addi %mul3A_1219, %add3A_1270 : vector<16xi32>
      %gather3A_1272 = tpu.vector_load_idx %arg11[%add3A_1198, %add3A_1271] : memref<256x128xf32, #tpu.memory_space<vmem>>[vector<16xi32>, vector<16xi32>], vector<16xf32>,
      %add3A_1273 = arith.constant 4 : i32
      %add3A_1274 = vector.broadcast %add3A_1273 : i32 to vector<16xi32>
      %add3A_1275 = arith.addi %mul3A_1228, %add3A_1274 : vector<16xi32>
      %gather3A_1276 = tpu.vector_load_idx %arg12[%add3A_1198, %add3A_1275] : memref<256x128xf32, #tpu.memory_space<vmem>>[vector<16xi32>, vector<16xi32>], vector<16xf32>,
      %mul3A_1277 = arith.mulf %gather3A_1272, %gather3A_1276 : vector<16xf32>
      %add3A_1278 = arith.addf %add3A_1268, %mul3A_1277 : vector<16xf32>
      %add3A_1279 = arith.constant 5 : i32
      %add3A_1280 = vector.broadcast %add3A_1279 : i32 to vector<16xi32>
      %add3A_1281 = arith.addi %mul3A_1219, %add3A_1280 : vector<16xi32>
      %gather3A_1282 = tpu.vector_load_idx %arg11[%add3A_1198, %add3A_1281] : memref<256x128xf32, #tpu.memory_space<vmem>>[vector<16xi32>, vector<16xi32>], vector<16xf32>,
      %add3A_1283 = arith.constant 5 : i32
      %add3A_1284 = vector.broadcast %add3A_1283 : i32 to vector<16xi32>
      %add3A_1285 = arith.addi %mul3A_1228, %add3A_1284 : vector<16xi32>
      %gather3A_1286 = tpu.vector_load_idx %arg12[%add3A_1198, %add3A_1285] : memref<256x128xf32, #tpu.memory_space<vmem>>[vector<16xi32>, vector<16xi32>], vector<16xf32>,
      %mul3A_1287 = arith.mulf %gather3A_1282, %gather3A_1286 : vector<16xf32>
      %add3A_1288 = arith.addf %add3A_1278, %mul3A_1287 : vector<16xf32>
      %add3A_1289 = arith.constant 6 : i32
      %add3A_1290 = vector.broadcast %add3A_1289 : i32 to vector<16xi32>
      %add3A_1291 = arith.addi %mul3A_1219, %add3A_1290 : vector<16xi32>
      %gather3A_1292 = tpu.vector_load_idx %arg11[%add3A_1198, %add3A_1291] : memref<256x128xf32, #tpu.memory_space<vmem>>[vector<16xi32>, vector<16xi32>], vector<16xf32>,
      %add3A_1293 = arith.constant 6 : i32
      %add3A_1294 = vector.broadcast %add3A_1293 : i32 to vector<16xi32>
      %add3A_1295 = arith.addi %mul3A_1228, %add3A_1294 : vector<16xi32>
      %gather3A_1296 = tpu.vector_load_idx %arg12[%add3A_1198, %add3A_1295] : memref<256x128xf32, #tpu.memory_space<vmem>>[vector<16xi32>, vector<16xi32>], vector<16xf32>,
      %mul3A_1297 = arith.mulf %gather3A_1292, %gather3A_1296 : vector<16xf32>
      %add3A_1298 = arith.addf %add3A_1288, %mul3A_1297 : vector<16xf32>
      %add3A_1299 = arith.constant 7 : i32
      %add3A_1300 = vector.broadcast %add3A_1299 : i32 to vector<16xi32>
      %add3A_1301 = arith.addi %mul3A_1219, %add3A_1300 : vector<16xi32>
      %gather3A_1302 = tpu.vector_load_idx %arg11[%add3A_1198, %add3A_1301] : memref<256x128xf32, #tpu.memory_space<vmem>>[vector<16xi32>, vector<16xi32>], vector<16xf32>,
      %add3A_1303 = arith.constant 7 : i32
      %add3A_1304 = vector.broadcast %add3A_1303 : i32 to vector<16xi32>
      %add3A_1305 = arith.addi %mul3A_1228, %add3A_1304 : vector<16xi32>
      %gather3A_1306 = tpu.vector_load_idx %arg12[%add3A_1198, %add3A_1305] : memref<256x128xf32, #tpu.memory_space<vmem>>[vector<16xi32>, vector<16xi32>], vector<16xf32>,
      %mul3A_1307 = arith.mulf %gather3A_1302, %gather3A_1306 : vector<16xf32>
      %add3A_1308 = arith.addf %add3A_1298, %mul3A_1307 : vector<16xf32>
      %add3A_1309 = arith.constant 8 : i32
      %add3A_1310 = vector.broadcast %add3A_1309 : i32 to vector<16xi32>
      %add3A_1311 = arith.addi %mul3A_1219, %add3A_1310 : vector<16xi32>
      %gather3A_1312 = tpu.vector_load_idx %arg11[%add3A_1198, %add3A_1311] : memref<256x128xf32, #tpu.memory_space<vmem>>[vector<16xi32>, vector<16xi32>], vector<16xf32>,
      %add3A_1313 = arith.constant 8 : i32
      %add3A_1314 = vector.broadcast %add3A_1313 : i32 to vector<16xi32>
      %add3A_1315 = arith.addi %mul3A_1228, %add3A_1314 : vector<16xi32>
      %gather3A_1316 = tpu.vector_load_idx %arg12[%add3A_1198, %add3A_1315] : memref<256x128xf32, #tpu.memory_space<vmem>>[vector<16xi32>, vector<16xi32>], vector<16xf32>,
      %mul3A_1317 = arith.mulf %gather3A_1312, %gather3A_1316 : vector<16xf32>
      %add3A_1318 = arith.addf %add3A_1308, %mul3A_1317 : vector<16xf32>
      %add3A_1319 = arith.constant 9 : i32
      %add3A_1320 = vector.broadcast %add3A_1319 : i32 to vector<16xi32>
      %add3A_1321 = arith.addi %mul3A_1219, %add3A_1320 : vector<16xi32>
      %gather3A_1322 = tpu.vector_load_idx %arg11[%add3A_1198, %add3A_1321] : memref<256x128xf32, #tpu.memory_space<vmem>>[vector<16xi32>, vector<16xi32>], vector<16xf32>,
      %add3A_1323 = arith.constant 9 : i32
      %add3A_1324 = vector.broadcast %add3A_1323 : i32 to vector<16xi32>
      %add3A_1325 = arith.addi %mul3A_1228, %add3A_1324 : vector<16xi32>
      %gather3A_1326 = tpu.vector_load_idx %arg12[%add3A_1198, %add3A_1325] : memref<256x128xf32, #tpu.memory_space<vmem>>[vector<16xi32>, vector<16xi32>], vector<16xf32>,
      %mul3A_1327 = arith.mulf %gather3A_1322, %gather3A_1326 : vector<16xf32>
      %add3A_1328 = arith.addf %add3A_1318, %mul3A_1327 : vector<16xf32>
      %add3A_1329 = arith.constant 10 : i32
      %add3A_1330 = vector.broadcast %add3A_1329 : i32 to vector<16xi32>
      %add3A_1331 = arith.addi %mul3A_1219, %add3A_1330 : vector<16xi32>
      %gather3A_1332 = tpu.vector_load_idx %arg11[%add3A_1198, %add3A_1331] : memref<256x128xf32, #tpu.memory_space<vmem>>[vector<16xi32>, vector<16xi32>], vector<16xf32>,
      %add3A_1333 = arith.constant 10 : i32
      %add3A_1334 = vector.broadcast %add3A_1333 : i32 to vector<16xi32>
      %add3A_1335 = arith.addi %mul3A_1228, %add3A_1334 : vector<16xi32>
      %gather3A_1336 = tpu.vector_load_idx %arg12[%add3A_1198, %add3A_1335] : memref<256x128xf32, #tpu.memory_space<vmem>>[vector<16xi32>, vector<16xi32>], vector<16xf32>,
      %mul3A_1337 = arith.mulf %gather3A_1332, %gather3A_1336 : vector<16xf32>
      %add3A_1338 = arith.addf %add3A_1328, %mul3A_1337 : vector<16xf32>
      %add3A_1339 = arith.constant 11 : i32
      %add3A_1340 = vector.broadcast %add3A_1339 : i32 to vector<16xi32>
      %add3A_1341 = arith.addi %mul3A_1219, %add3A_1340 : vector<16xi32>
      %gather3A_1342 = tpu.vector_load_idx %arg11[%add3A_1198, %add3A_1341] : memref<256x128xf32, #tpu.memory_space<vmem>>[vector<16xi32>, vector<16xi32>], vector<16xf32>,
      %add3A_1343 = arith.constant 11 : i32
      %add3A_1344 = vector.broadcast %add3A_1343 : i32 to vector<16xi32>
      %add3A_1345 = arith.addi %mul3A_1228, %add3A_1344 : vector<16xi32>
      %gather3A_1346 = tpu.vector_load_idx %arg12[%add3A_1198, %add3A_1345] : memref<256x128xf32, #tpu.memory_space<vmem>>[vector<16xi32>, vector<16xi32>], vector<16xf32>,
      %mul3A_1347 = arith.mulf %gather3A_1342, %gather3A_1346 : vector<16xf32>
      %add3A_1348 = arith.addf %add3A_1338, %mul3A_1347 : vector<16xf32>
      %add3A_1349 = arith.constant 12 : i32
      %add3A_1350 = vector.broadcast %add3A_1349 : i32 to vector<16xi32>
      %add3A_1351 = arith.addi %mul3A_1219, %add3A_1350 : vector<16xi32>
      %gather3A_1352 = tpu.vector_load_idx %arg11[%add3A_1198, %add3A_1351] : memref<256x128xf32, #tpu.memory_space<vmem>>[vector<16xi32>, vector<16xi32>], vector<16xf32>,
      %add3A_1353 = arith.constant 12 : i32
      %add3A_1354 = vector.broadcast %add3A_1353 : i32 to vector<16xi32>
      %add3A_1355 = arith.addi %mul3A_1228, %add3A_1354 : vector<16xi32>
      %gather3A_1356 = tpu.vector_load_idx %arg12[%add3A_1198, %add3A_1355] : memref<256x128xf32, #tpu.memory_space<vmem>>[vector<16xi32>, vector<16xi32>], vector<16xf32>,
      %mul3A_1357 = arith.mulf %gather3A_1352, %gather3A_1356 : vector<16xf32>
      %add3A_1358 = arith.addf %add3A_1348, %mul3A_1357 : vector<16xf32>
      %add3A_1359 = arith.constant 13 : i32
      %add3A_1360 = vector.broadcast %add3A_1359 : i32 to vector<16xi32>
      %add3A_1361 = arith.addi %mul3A_1219, %add3A_1360 : vector<16xi32>
      %gather3A_1362 = tpu.vector_load_idx %arg11[%add3A_1198, %add3A_1361] : memref<256x128xf32, #tpu.memory_space<vmem>>[vector<16xi32>, vector<16xi32>], vector<16xf32>,
      %add3A_1363 = arith.constant 13 : i32
      %add3A_1364 = vector.broadcast %add3A_1363 : i32 to vector<16xi32>
      %add3A_1365 = arith.addi %mul3A_1228, %add3A_1364 : vector<16xi32>
      %gather3A_1366 = tpu.vector_load_idx %arg12[%add3A_1198, %add3A_1365] : memref<256x128xf32, #tpu.memory_space<vmem>>[vector<16xi32>, vector<16xi32>], vector<16xf32>,
      %mul3A_1367 = arith.mulf %gather3A_1362, %gather3A_1366 : vector<16xf32>
      %add3A_1368 = arith.addf %add3A_1358, %mul3A_1367 : vector<16xf32>
      %add3A_1369 = arith.constant 14 : i32
      %add3A_1370 = vector.broadcast %add3A_1369 : i32 to vector<16xi32>
      %add3A_1371 = arith.addi %mul3A_1219, %add3A_1370 : vector<16xi32>
      %gather3A_1372 = tpu.vector_load_idx %arg11[%add3A_1198, %add3A_1371] : memref<256x128xf32, #tpu.memory_space<vmem>>[vector<16xi32>, vector<16xi32>], vector<16xf32>,
      %add3A_1373 = arith.constant 14 : i32
      %add3A_1374 = vector.broadcast %add3A_1373 : i32 to vector<16xi32>
      %add3A_1375 = arith.addi %mul3A_1228, %add3A_1374 : vector<16xi32>
      %gather3A_1376 = tpu.vector_load_idx %arg12[%add3A_1198, %add3A_1375] : memref<256x128xf32, #tpu.memory_space<vmem>>[vector<16xi32>, vector<16xi32>], vector<16xf32>,
      %mul3A_1377 = arith.mulf %gather3A_1372, %gather3A_1376 : vector<16xf32>
      %add3A_1378 = arith.addf %add3A_1368, %mul3A_1377 : vector<16xf32>
      %add3A_1379 = arith.constant 15 : i32
      %add3A_1380 = vector.broadcast %add3A_1379 : i32 to vector<16xi32>
      %add3A_1381 = arith.addi %mul3A_1219, %add3A_1380 : vector<16xi32>
      %gather3A_1382 = tpu.vector_load_idx %arg11[%add3A_1198, %add3A_1381] : memref<256x128xf32, #tpu.memory_space<vmem>>[vector<16xi32>, vector<16xi32>], vector<16xf32>,
      %add3A_1383 = arith.constant 15 : i32
      %add3A_1384 = vector.broadcast %add3A_1383 : i32 to vector<16xi32>
      %add3A_1385 = arith.addi %mul3A_1228, %add3A_1384 : vector<16xi32>
      %gather3A_1386 = tpu.vector_load_idx %arg12[%add3A_1198, %add3A_1385] : memref<256x128xf32, #tpu.memory_space<vmem>>[vector<16xi32>, vector<16xi32>], vector<16xf32>,
      %mul3A_1387 = arith.mulf %gather3A_1382, %gather3A_1386 : vector<16xf32>
      %add3A_1388 = arith.addf %add3A_1378, %mul3A_1387 : vector<16xf32>
      %add3A_1389 = arith.constant 16 : i32
      %add3A_1390 = vector.broadcast %add3A_1389 : i32 to vector<16xi32>
      %add3A_1391 = arith.addi %mul3A_1219, %add3A_1390 : vector<16xi32>
      %gather3A_1392 = tpu.vector_load_idx %arg11[%add3A_1198, %add3A_1391] : memref<256x128xf32, #tpu.memory_space<vmem>>[vector<16xi32>, vector<16xi32>], vector<16xf32>,
      %add3A_1393 = arith.constant 16 : i32
      %add3A_1394 = vector.broadcast %add3A_1393 : i32 to vector<16xi32>
      %add3A_1395 = arith.addi %mul3A_1228, %add3A_1394 : vector<16xi32>
      %gather3A_1396 = tpu.vector_load_idx %arg12[%add3A_1198, %add3A_1395] : memref<256x128xf32, #tpu.memory_space<vmem>>[vector<16xi32>, vector<16xi32>], vector<16xf32>,
      %mul3A_1397 = arith.mulf %gather3A_1392, %gather3A_1396 : vector<16xf32>
      %add3A_1398 = arith.addf %add3A_1388, %mul3A_1397 : vector<16xf32>
      %add3A_1399 = arith.constant 17 : i32
      %add3A_1400 = vector.broadcast %add3A_1399 : i32 to vector<16xi32>
      %add3A_1401 = arith.addi %mul3A_1219, %add3A_1400 : vector<16xi32>
      %gather3A_1402 = tpu.vector_load_idx %arg11[%add3A_1198, %add3A_1401] : memref<256x128xf32, #tpu.memory_space<vmem>>[vector<16xi32>, vector<16xi32>], vector<16xf32>,
      %add3A_1403 = arith.constant 17 : i32
      %add3A_1404 = vector.broadcast %add3A_1403 : i32 to vector<16xi32>
      %add3A_1405 = arith.addi %mul3A_1228, %add3A_1404 : vector<16xi32>
      %gather3A_1406 = tpu.vector_load_idx %arg12[%add3A_1198, %add3A_1405] : memref<256x128xf32, #tpu.memory_space<vmem>>[vector<16xi32>, vector<16xi32>], vector<16xf32>,
      %mul3A_1407 = arith.mulf %gather3A_1402, %gather3A_1406 : vector<16xf32>
      %add3A_1408 = arith.addf %add3A_1398, %mul3A_1407 : vector<16xf32>
      %add3A_1409 = arith.constant 18 : i32
      %add3A_1410 = vector.broadcast %add3A_1409 : i32 to vector<16xi32>
      %add3A_1411 = arith.addi %mul3A_1219, %add3A_1410 : vector<16xi32>
      %gather3A_1412 = tpu.vector_load_idx %arg11[%add3A_1198, %add3A_1411] : memref<256x128xf32, #tpu.memory_space<vmem>>[vector<16xi32>, vector<16xi32>], vector<16xf32>,
      %add3A_1413 = arith.constant 18 : i32
      %add3A_1414 = vector.broadcast %add3A_1413 : i32 to vector<16xi32>
      %add3A_1415 = arith.addi %mul3A_1228, %add3A_1414 : vector<16xi32>
      %gather3A_1416 = tpu.vector_load_idx %arg12[%add3A_1198, %add3A_1415] : memref<256x128xf32, #tpu.memory_space<vmem>>[vector<16xi32>, vector<16xi32>], vector<16xf32>,
      %mul3A_1417 = arith.mulf %gather3A_1412, %gather3A_1416 : vector<16xf32>
      %add3A_1418 = arith.addf %add3A_1408, %mul3A_1417 : vector<16xf32>
      %add3A_1419 = arith.constant 19 : i32
      %add3A_1420 = vector.broadcast %add3A_1419 : i32 to vector<16xi32>
      %add3A_1421 = arith.addi %mul3A_1219, %add3A_1420 : vector<16xi32>
      %gather3A_1422 = tpu.vector_load_idx %arg11[%add3A_1198, %add3A_1421] : memref<256x128xf32, #tpu.memory_space<vmem>>[vector<16xi32>, vector<16xi32>], vector<16xf32>,
      %add3A_1423 = arith.constant 19 : i32
      %add3A_1424 = vector.broadcast %add3A_1423 : i32 to vector<16xi32>
      %add3A_1425 = arith.addi %mul3A_1228, %add3A_1424 : vector<16xi32>
      %gather3A_1426 = tpu.vector_load_idx %arg12[%add3A_1198, %add3A_1425] : memref<256x128xf32, #tpu.memory_space<vmem>>[vector<16xi32>, vector<16xi32>], vector<16xf32>,
      %mul3A_1427 = arith.mulf %gather3A_1422, %gather3A_1426 : vector<16xf32>
      %add3A_1428 = arith.addf %add3A_1418, %mul3A_1427 : vector<16xf32>
      %add3A_1429 = arith.constant 20 : i32
      %add3A_1430 = vector.broadcast %add3A_1429 : i32 to vector<16xi32>
      %add3A_1431 = arith.addi %mul3A_1219, %add3A_1430 : vector<16xi32>
      %gather3A_1432 = tpu.vector_load_idx %arg11[%add3A_1198, %add3A_1431] : memref<256x128xf32, #tpu.memory_space<vmem>>[vector<16xi32>, vector<16xi32>], vector<16xf32>,
      %add3A_1433 = arith.constant 20 : i32
      %add3A_1434 = vector.broadcast %add3A_1433 : i32 to vector<16xi32>
      %add3A_1435 = arith.addi %mul3A_1228, %add3A_1434 : vector<16xi32>
      %gather3A_1436 = tpu.vector_load_idx %arg12[%add3A_1198, %add3A_1435] : memref<256x128xf32, #tpu.memory_space<vmem>>[vector<16xi32>, vector<16xi32>], vector<16xf32>,
      %mul3A_1437 = arith.mulf %gather3A_1432, %gather3A_1436 : vector<16xf32>
      %add3A_1438 = arith.addf %add3A_1428, %mul3A_1437 : vector<16xf32>
      %add3A_1439 = arith.constant 21 : i32
      %add3A_1440 = vector.broadcast %add3A_1439 : i32 to vector<16xi32>
      %add3A_1441 = arith.addi %mul3A_1219, %add3A_1440 : vector<16xi32>
      %gather3A_1442 = tpu.vector_load_idx %arg11[%add3A_1198, %add3A_1441] : memref<256x128xf32, #tpu.memory_space<vmem>>[vector<16xi32>, vector<16xi32>], vector<16xf32>,
      %add3A_1443 = arith.constant 21 : i32
      %add3A_1444 = vector.broadcast %add3A_1443 : i32 to vector<16xi32>
      %add3A_1445 = arith.addi %mul3A_1228, %add3A_1444 : vector<16xi32>
      %gather3A_1446 = tpu.vector_load_idx %arg12[%add3A_1198, %add3A_1445] : memref<256x128xf32, #tpu.memory_space<vmem>>[vector<16xi32>, vector<16xi32>], vector<16xf32>,
      %mul3A_1447 = arith.mulf %gather3A_1442, %gather3A_1446 : vector<16xf32>
      %add3A_1448 = arith.addf %add3A_1438, %mul3A_1447 : vector<16xf32>
      %add3A_1449 = arith.constant 22 : i32
      %add3A_1450 = vector.broadcast %add3A_1449 : i32 to vector<16xi32>
      %add3A_1451 = arith.addi %mul3A_1219, %add3A_1450 : vector<16xi32>
      %gather3A_1452 = tpu.vector_load_idx %arg11[%add3A_1198, %add3A_1451] : memref<256x128xf32, #tpu.memory_space<vmem>>[vector<16xi32>, vector<16xi32>], vector<16xf32>,
      %add3A_1453 = arith.constant 22 : i32
      %add3A_1454 = vector.broadcast %add3A_1453 : i32 to vector<16xi32>
      %add3A_1455 = arith.addi %mul3A_1228, %add3A_1454 : vector<16xi32>
      %gather3A_1456 = tpu.vector_load_idx %arg12[%add3A_1198, %add3A_1455] : memref<256x128xf32, #tpu.memory_space<vmem>>[vector<16xi32>, vector<16xi32>], vector<16xf32>,
      %mul3A_1457 = arith.mulf %gather3A_1452, %gather3A_1456 : vector<16xf32>
      %add3A_1458 = arith.addf %add3A_1448, %mul3A_1457 : vector<16xf32>
      %add3A_1459 = arith.constant 23 : i32
      %add3A_1460 = vector.broadcast %add3A_1459 : i32 to vector<16xi32>
      %add3A_1461 = arith.addi %mul3A_1219, %add3A_1460 : vector<16xi32>
      %gather3A_1462 = tpu.vector_load_idx %arg11[%add3A_1198, %add3A_1461] : memref<256x128xf32, #tpu.memory_space<vmem>>[vector<16xi32>, vector<16xi32>], vector<16xf32>,
      %add3A_1463 = arith.constant 23 : i32
      %add3A_1464 = vector.broadcast %add3A_1463 : i32 to vector<16xi32>
      %add3A_1465 = arith.addi %mul3A_1228, %add3A_1464 : vector<16xi32>
      %gather3A_1466 = tpu.vector_load_idx %arg12[%add3A_1198, %add3A_1465] : memref<256x128xf32, #tpu.memory_space<vmem>>[vector<16xi32>, vector<16xi32>], vector<16xf32>,
      %mul3A_1467 = arith.mulf %gather3A_1462, %gather3A_1466 : vector<16xf32>
      %add3A_1468 = arith.addf %add3A_1458, %mul3A_1467 : vector<16xf32>
      %add3A_1469 = arith.constant 24 : i32
      %add3A_1470 = vector.broadcast %add3A_1469 : i32 to vector<16xi32>
      %add3A_1471 = arith.addi %mul3A_1219, %add3A_1470 : vector<16xi32>
      %gather3A_1472 = tpu.vector_load_idx %arg11[%add3A_1198, %add3A_1471] : memref<256x128xf32, #tpu.memory_space<vmem>>[vector<16xi32>, vector<16xi32>], vector<16xf32>,
      %add3A_1473 = arith.constant 24 : i32
      %add3A_1474 = vector.broadcast %add3A_1473 : i32 to vector<16xi32>
      %add3A_1475 = arith.addi %mul3A_1228, %add3A_1474 : vector<16xi32>
      %gather3A_1476 = tpu.vector_load_idx %arg12[%add3A_1198, %add3A_1475] : memref<256x128xf32, #tpu.memory_space<vmem>>[vector<16xi32>, vector<16xi32>], vector<16xf32>,
      %mul3A_1477 = arith.mulf %gather3A_1472, %gather3A_1476 : vector<16xf32>
      %add3A_1478 = arith.addf %add3A_1468, %mul3A_1477 : vector<16xf32>
      %add3A_1479 = arith.constant 25 : i32
      %add3A_1480 = vector.broadcast %add3A_1479 : i32 to vector<16xi32>
      %add3A_1481 = arith.addi %mul3A_1219, %add3A_1480 : vector<16xi32>
      %gather3A_1482 = tpu.vector_load_idx %arg11[%add3A_1198, %add3A_1481] : memref<256x128xf32, #tpu.memory_space<vmem>>[vector<16xi32>, vector<16xi32>], vector<16xf32>,
      %add3A_1483 = arith.constant 25 : i32
      %add3A_1484 = vector.broadcast %add3A_1483 : i32 to vector<16xi32>
      %add3A_1485 = arith.addi %mul3A_1228, %add3A_1484 : vector<16xi32>
      %gather3A_1486 = tpu.vector_load_idx %arg12[%add3A_1198, %add3A_1485] : memref<256x128xf32, #tpu.memory_space<vmem>>[vector<16xi32>, vector<16xi32>], vector<16xf32>,
      %mul3A_1487 = arith.mulf %gather3A_1482, %gather3A_1486 : vector<16xf32>
      %add3A_1488 = arith.addf %add3A_1478, %mul3A_1487 : vector<16xf32>
      %add3A_1489 = arith.constant 26 : i32
      %add3A_1490 = vector.broadcast %add3A_1489 : i32 to vector<16xi32>
      %add3A_1491 = arith.addi %mul3A_1219, %add3A_1490 : vector<16xi32>
      %gather3A_1492 = tpu.vector_load_idx %arg11[%add3A_1198, %add3A_1491] : memref<256x128xf32, #tpu.memory_space<vmem>>[vector<16xi32>, vector<16xi32>], vector<16xf32>,
      %add3A_1493 = arith.constant 26 : i32
      %add3A_1494 = vector.broadcast %add3A_1493 : i32 to vector<16xi32>
      %add3A_1495 = arith.addi %mul3A_1228, %add3A_1494 : vector<16xi32>
      %gather3A_1496 = tpu.vector_load_idx %arg12[%add3A_1198, %add3A_1495] : memref<256x128xf32, #tpu.memory_space<vmem>>[vector<16xi32>, vector<16xi32>], vector<16xf32>,
      %mul3A_1497 = arith.mulf %gather3A_1492, %gather3A_1496 : vector<16xf32>
      %add3A_1498 = arith.addf %add3A_1488, %mul3A_1497 : vector<16xf32>
      %add3A_1499 = arith.constant 27 : i32
      %add3A_1500 = vector.broadcast %add3A_1499 : i32 to vector<16xi32>
      %add3A_1501 = arith.addi %mul3A_1219, %add3A_1500 : vector<16xi32>
      %gather3A_1502 = tpu.vector_load_idx %arg11[%add3A_1198, %add3A_1501] : memref<256x128xf32, #tpu.memory_space<vmem>>[vector<16xi32>, vector<16xi32>], vector<16xf32>,
      %add3A_1503 = arith.constant 27 : i32
      %add3A_1504 = vector.broadcast %add3A_1503 : i32 to vector<16xi32>
      %add3A_1505 = arith.addi %mul3A_1228, %add3A_1504 : vector<16xi32>
      %gather3A_1506 = tpu.vector_load_idx %arg12[%add3A_1198, %add3A_1505] : memref<256x128xf32, #tpu.memory_space<vmem>>[vector<16xi32>, vector<16xi32>], vector<16xf32>,
      %mul3A_1507 = arith.mulf %gather3A_1502, %gather3A_1506 : vector<16xf32>
      %add3A_1508 = arith.addf %add3A_1498, %mul3A_1507 : vector<16xf32>
      %add3A_1509 = arith.constant 28 : i32
      %add3A_1510 = vector.broadcast %add3A_1509 : i32 to vector<16xi32>
      %add3A_1511 = arith.addi %mul3A_1219, %add3A_1510 : vector<16xi32>
      %gather3A_1512 = tpu.vector_load_idx %arg11[%add3A_1198, %add3A_1511] : memref<256x128xf32, #tpu.memory_space<vmem>>[vector<16xi32>, vector<16xi32>], vector<16xf32>,
      %add3A_1513 = arith.constant 28 : i32
      %add3A_1514 = vector.broadcast %add3A_1513 : i32 to vector<16xi32>
      %add3A_1515 = arith.addi %mul3A_1228, %add3A_1514 : vector<16xi32>
      %gather3A_1516 = tpu.vector_load_idx %arg12[%add3A_1198, %add3A_1515] : memref<256x128xf32, #tpu.memory_space<vmem>>[vector<16xi32>, vector<16xi32>], vector<16xf32>,
      %mul3A_1517 = arith.mulf %gather3A_1512, %gather3A_1516 : vector<16xf32>
      %add3A_1518 = arith.addf %add3A_1508, %mul3A_1517 : vector<16xf32>
      %add3A_1519 = arith.constant 29 : i32
      %add3A_1520 = vector.broadcast %add3A_1519 : i32 to vector<16xi32>
      %add3A_1521 = arith.addi %mul3A_1219, %add3A_1520 : vector<16xi32>
      %gather3A_1522 = tpu.vector_load_idx %arg11[%add3A_1198, %add3A_1521] : memref<256x128xf32, #tpu.memory_space<vmem>>[vector<16xi32>, vector<16xi32>], vector<16xf32>,
      %add3A_1523 = arith.constant 29 : i32
      %add3A_1524 = vector.broadcast %add3A_1523 : i32 to vector<16xi32>
      %add3A_1525 = arith.addi %mul3A_1228, %add3A_1524 : vector<16xi32>
      %gather3A_1526 = tpu.vector_load_idx %arg12[%add3A_1198, %add3A_1525] : memref<256x128xf32, #tpu.memory_space<vmem>>[vector<16xi32>, vector<16xi32>], vector<16xf32>,
      %mul3A_1527 = arith.mulf %gather3A_1522, %gather3A_1526 : vector<16xf32>
      %add3A_1528 = arith.addf %add3A_1518, %mul3A_1527 : vector<16xf32>
      %add3A_1529 = arith.constant 30 : i32
      %add3A_1530 = vector.broadcast %add3A_1529 : i32 to vector<16xi32>
      %add3A_1531 = arith.addi %mul3A_1219, %add3A_1530 : vector<16xi32>
      %gather3A_1532 = tpu.vector_load_idx %arg11[%add3A_1198, %add3A_1531] : memref<256x128xf32, #tpu.memory_space<vmem>>[vector<16xi32>, vector<16xi32>], vector<16xf32>,
      %add3A_1533 = arith.constant 30 : i32
      %add3A_1534 = vector.broadcast %add3A_1533 : i32 to vector<16xi32>
      %add3A_1535 = arith.addi %mul3A_1228, %add3A_1534 : vector<16xi32>
      %gather3A_1536 = tpu.vector_load_idx %arg12[%add3A_1198, %add3A_1535] : memref<256x128xf32, #tpu.memory_space<vmem>>[vector<16xi32>, vector<16xi32>], vector<16xf32>,
      %mul3A_1537 = arith.mulf %gather3A_1532, %gather3A_1536 : vector<16xf32>
      %add3A_1538 = arith.addf %add3A_1528, %mul3A_1537 : vector<16xf32>
      %add3A_1539 = arith.constant 31 : i32
      %add3A_1540 = vector.broadcast %add3A_1539 : i32 to vector<16xi32>
      %add3A_1541 = arith.addi %mul3A_1219, %add3A_1540 : vector<16xi32>
      %gather3A_1542 = tpu.vector_load_idx %arg11[%add3A_1198, %add3A_1541] : memref<256x128xf32, #tpu.memory_space<vmem>>[vector<16xi32>, vector<16xi32>], vector<16xf32>,
      %add3A_1543 = arith.constant 31 : i32
      %add3A_1544 = vector.broadcast %add3A_1543 : i32 to vector<16xi32>
      %add3A_1545 = arith.addi %mul3A_1228, %add3A_1544 : vector<16xi32>
      %gather3A_1546 = tpu.vector_load_idx %arg12[%add3A_1198, %add3A_1545] : memref<256x128xf32, #tpu.memory_space<vmem>>[vector<16xi32>, vector<16xi32>], vector<16xf32>,
      %mul3A_1547 = arith.mulf %gather3A_1542, %gather3A_1546 : vector<16xf32>
      %add3A_1548 = arith.addf %add3A_1538, %mul3A_1547 : vector<16xf32>
      %neg3A = arith.constant 0.000000e+00 : f32
      %neg3A_1549 = vector.broadcast %neg3A : f32 to vector<16xf32>
      %neg3A_1550 = arith.subf %neg3A_1549, %add3A_1548 : vector<16xf32>
      %exp3A = math.exp %neg3A_1550 : vector<16xf32>
      %add3A_1551 = arith.constant 1.000000e+00 : f32
      %add3A_1552 = vector.broadcast %add3A_1551 : f32 to vector<16xf32>
      %add3A_1553 = arith.addf %add3A_1552, %exp3A : vector<16xf32>
      %div3A = arith.constant 1.000000e+00 : f32
      %div3A_1554 = vector.broadcast %div3A : f32 to vector<16xf32>
      %div3A_1555 = arith.divf %div3A_1554, %add3A_1553 : vector<16xf32>
      %mul3A_1556 = arith.constant 16 : i32
      %mul3A_1557 = arith.muli %scan3A_1193, %mul3A_1556 : i32
      %add3A_1558 = arith.constant 0 : i32
      %add3A_1559 = arith.addi %add3A_1558, %mul3A_1557 : i32
      %iota3A_1560 = tpu.iota {dimensions = array<i32: 0>} : vector<16xi32>
      %add3A_1561 = vector.broadcast %add3A_1559 : i32 to vector<16xi32>
      %add3A_1562 = arith.addi %add3A_1561, %iota3A_1560 : vector<16xi32>
      tpu.vector_store_idx %arg13[%add3A_1562], %div3A_1555 : memref<512xf32, #tpu.memory_space<vmem>>[vector<16xi32>], vector<16xf32>,
      %scan3A_1563 = arith.constant 0 : i32
      scf.yield %scan3A_1563 : i32
    }
    %scan3A_1105 = arith.constant 16 : i32
    %dma_start3A_1106 = arith.constant 2 : i32
    %dma_start3A_1107 = arith.constant 0 : i32
    %dma_start3A_1108 = arith.constant 0 : i32
    %dma_start3A_1109 = tpu.memref_slice %arg11[%dma_start3A_1107, %dma_start3A_1108] : memref<256x128xf32, #tpu.memory_space<vmem>> -> memref<128x128xf32, #tpu.memory_space<vmem>>
    %dma_start3A_1110 = arith.constant 0 : i32
    %dma_start3A_1111 = tpu.memref_slice %arg9[%dma_start3A_1106, %dma_start3A_1110] : memref<4x128xi32, #tpu.memory_space<vmem>> -> memref<1x128xi32, #tpu.memory_space<vmem>>
    %dma_start3A_1112 = tpu.memref_squeeze %dma_start3A_1111 : memref<1x128xi32, #tpu.memory_space<vmem>> -> memref<128xi32, #tpu.memory_space<vmem>>
    %dma_start3A_1113 = arith.constant 0 : i32
    %dma_start3A_1114 = arith.constant 0 : i32
    %dma_start3A_1115 = tpu.memref_slice %arg4[%dma_start3A_1113, %dma_start3A_1114] : memref<262144x128xf32, #tpu.memory_space<hbm>> -> memref<262144x128xf32, #tpu.memory_space<hbm>>
    tpu.enqueue_indirect_dma source(%dma_start3A_1115 : memref<262144x128xf32, #tpu.memory_space<hbm>>) target(%dma_start3A_1109 : memref<128x128xf32, #tpu.memory_space<vmem>>) offsets(%dma_start3A_1112 : memref<128xi32, #tpu.memory_space<vmem>>) semaphore(%arg14 : memref<!tpu.dma_semaphore, #tpu.memory_space<semaphore_mem>>)
    %dma_start3A_1116 = arith.constant 2 : i32
    %dma_start3A_1117 = arith.constant 0 : i32
    %dma_start3A_1118 = arith.constant 0 : i32
    %dma_start3A_1119 = tpu.memref_slice %arg12[%dma_start3A_1117, %dma_start3A_1118] : memref<256x128xf32, #tpu.memory_space<vmem>> -> memref<128x128xf32, #tpu.memory_space<vmem>>
    %dma_start3A_1120 = arith.constant 0 : i32
    %dma_start3A_1121 = tpu.memref_slice %arg10[%dma_start3A_1116, %dma_start3A_1120] : memref<4x128xi32, #tpu.memory_space<vmem>> -> memref<1x128xi32, #tpu.memory_space<vmem>>
    %dma_start3A_1122 = tpu.memref_squeeze %dma_start3A_1121 : memref<1x128xi32, #tpu.memory_space<vmem>> -> memref<128xi32, #tpu.memory_space<vmem>>
    %dma_start3A_1123 = arith.constant 0 : i32
    %dma_start3A_1124 = arith.constant 0 : i32
    %dma_start3A_1125 = tpu.memref_slice %arg5[%dma_start3A_1123, %dma_start3A_1124] : memref<32768x128xf32, #tpu.memory_space<hbm>> -> memref<32768x128xf32, #tpu.memory_space<hbm>>
    tpu.enqueue_indirect_dma source(%dma_start3A_1125 : memref<32768x128xf32, #tpu.memory_space<hbm>>) target(%dma_start3A_1119 : memref<128x128xf32, #tpu.memory_space<vmem>>) offsets(%dma_start3A_1122 : memref<128xi32, #tpu.memory_space<vmem>>) semaphore(%arg14 : memref<!tpu.dma_semaphore, #tpu.memory_space<semaphore_mem>>)
    %dma_start3A_1126 = arith.constant 3 : i32
    %dma_start3A_1127 = arith.constant 128 : i32
    %dma_start3A_1128 = arith.constant 0 : i32
    %dma_start3A_1129 = tpu.memref_slice %arg11[%dma_start3A_1127, %dma_start3A_1128] : memref<256x128xf32, #tpu.memory_space<vmem>> -> memref<128x128xf32, #tpu.memory_space<vmem>>
    %dma_start3A_1130 = arith.constant 0 : i32
    %dma_start3A_1131 = tpu.memref_slice %arg9[%dma_start3A_1126, %dma_start3A_1130] : memref<4x128xi32, #tpu.memory_space<vmem>> -> memref<1x128xi32, #tpu.memory_space<vmem>>
    %dma_start3A_1132 = tpu.memref_squeeze %dma_start3A_1131 : memref<1x128xi32, #tpu.memory_space<vmem>> -> memref<128xi32, #tpu.memory_space<vmem>>
    %dma_start3A_1133 = arith.constant 0 : i32
    %dma_start3A_1134 = arith.constant 0 : i32
    %dma_start3A_1135 = tpu.memref_slice %arg4[%dma_start3A_1133, %dma_start3A_1134] : memref<262144x128xf32, #tpu.memory_space<hbm>> -> memref<262144x128xf32, #tpu.memory_space<hbm>>
    tpu.enqueue_indirect_dma source(%dma_start3A_1135 : memref<262144x128xf32, #tpu.memory_space<hbm>>) target(%dma_start3A_1129 : memref<128x128xf32, #tpu.memory_space<vmem>>) offsets(%dma_start3A_1132 : memref<128xi32, #tpu.memory_space<vmem>>) semaphore(%arg14 : memref<!tpu.dma_semaphore, #tpu.memory_space<semaphore_mem>>)
    %dma_start3A_1136 = arith.constant 3 : i32
    %dma_start3A_1137 = arith.constant 128 : i32
    %dma_start3A_1138 = arith.constant 0 : i32
    %dma_start3A_1139 = tpu.memref_slice %arg12[%dma_start3A_1137, %dma_start3A_1138] : memref<256x128xf32, #tpu.memory_space<vmem>> -> memref<128x128xf32, #tpu.memory_space<vmem>>
    %dma_start3A_1140 = arith.constant 0 : i32
    %dma_start3A_1141 = tpu.memref_slice %arg10[%dma_start3A_1136, %dma_start3A_1140] : memref<4x128xi32, #tpu.memory_space<vmem>> -> memref<1x128xi32, #tpu.memory_space<vmem>>
    %dma_start3A_1142 = tpu.memref_squeeze %dma_start3A_1141 : memref<1x128xi32, #tpu.memory_space<vmem>> -> memref<128xi32, #tpu.memory_space<vmem>>
    %dma_start3A_1143 = arith.constant 0 : i32
    %dma_start3A_1144 = arith.constant 0 : i32
    %dma_start3A_1145 = tpu.memref_slice %arg5[%dma_start3A_1143, %dma_start3A_1144] : memref<32768x128xf32, #tpu.memory_space<hbm>> -> memref<32768x128xf32, #tpu.memory_space<hbm>>
    tpu.enqueue_indirect_dma source(%dma_start3A_1145 : memref<32768x128xf32, #tpu.memory_space<hbm>>) target(%dma_start3A_1139 : memref<128x128xf32, #tpu.memory_space<vmem>>) offsets(%dma_start3A_1142 : memref<128xi32, #tpu.memory_space<vmem>>) semaphore(%arg14 : memref<!tpu.dma_semaphore, #tpu.memory_space<semaphore_mem>>)
    %dma_wait3A_1146 = arith.constant 2 : i32
    %dma_wait3A_1147 = arith.constant 0 : i32
    %dma_wait3A_1148 = arith.constant 0 : i32
    %dma_wait3A_1149 = tpu.memref_slice %arg11[%dma_wait3A_1147, %dma_wait3A_1148] : memref<256x128xf32, #tpu.memory_space<vmem>> -> memref<128x128xf32, #tpu.memory_space<vmem>>
    %dma_wait3A_1150 = arith.constant 0 : i32
    %dma_wait3A_1151 = tpu.memref_slice %arg9[%dma_wait3A_1146, %dma_wait3A_1150] : memref<4x128xi32, #tpu.memory_space<vmem>> -> memref<1x128xi32, #tpu.memory_space<vmem>>
    %dma_wait3A_1152 = tpu.memref_squeeze %dma_wait3A_1151 : memref<1x128xi32, #tpu.memory_space<vmem>> -> memref<128xi32, #tpu.memory_space<vmem>>
    %dma_wait3A_1153 = arith.constant 0 : i32
    %dma_wait3A_1154 = arith.constant 0 : i32
    %dma_wait3A_1155 = tpu.memref_slice %arg4[%dma_wait3A_1153, %dma_wait3A_1154] : memref<262144x128xf32, #tpu.memory_space<hbm>> -> memref<262144x128xf32, #tpu.memory_space<hbm>>
    tpu.wait_indirect_dma semaphore(%arg14 : memref<!tpu.dma_semaphore, #tpu.memory_space<semaphore_mem>>) src(%dma_wait3A_1155 : memref<262144x128xf32, #tpu.memory_space<hbm>>) dst(%dma_wait3A_1149 : memref<128x128xf32, #tpu.memory_space<vmem>>)
    %dma_wait3A_1156 = arith.constant 2 : i32
    %dma_wait3A_1157 = arith.constant 0 : i32
    %dma_wait3A_1158 = arith.constant 0 : i32
    %dma_wait3A_1159 = tpu.memref_slice %arg12[%dma_wait3A_1157, %dma_wait3A_1158] : memref<256x128xf32, #tpu.memory_space<vmem>> -> memref<128x128xf32, #tpu.memory_space<vmem>>
    %dma_wait3A_1160 = arith.constant 0 : i32
    %dma_wait3A_1161 = tpu.memref_slice %arg10[%dma_wait3A_1156, %dma_wait3A_1160] : memref<4x128xi32, #tpu.memory_space<vmem>> -> memref<1x128xi32, #tpu.memory_space<vmem>>
    %dma_wait3A_1162 = tpu.memref_squeeze %dma_wait3A_1161 : memref<1x128xi32, #tpu.memory_space<vmem>> -> memref<128xi32, #tpu.memory_space<vmem>>
    %dma_wait3A_1163 = arith.constant 0 : i32
    %dma_wait3A_1164 = arith.constant 0 : i32
    %dma_wait3A_1165 = tpu.memref_slice %arg5[%dma_wait3A_1163, %dma_wait3A_1164] : memref<32768x128xf32, #tpu.memory_space<hbm>> -> memref<32768x128xf32, #tpu.memory_space<hbm>>
    tpu.wait_indirect_dma semaphore(%arg14 : memref<!tpu.dma_semaphore, #tpu.memory_space<semaphore_mem>>) src(%dma_wait3A_1165 : memref<32768x128xf32, #tpu.memory_space<hbm>>) dst(%dma_wait3A_1159 : memref<128x128xf32, #tpu.memory_space<vmem>>)
    %dma_wait3A_1166 = arith.constant 3 : i32
    %dma_wait3A_1167 = arith.constant 128 : i32
    %dma_wait3A_1168 = arith.constant 0 : i32
    %dma_wait3A_1169 = tpu.memref_slice %arg11[%dma_wait3A_1167, %dma_wait3A_1168] : memref<256x128xf32, #tpu.memory_space<vmem>> -> memref<128x128xf32, #tpu.memory_space<vmem>>
    %dma_wait3A_1170 = arith.constant 0 : i32
    %dma_wait3A_1171 = tpu.memref_slice %arg9[%dma_wait3A_1166, %dma_wait3A_1170] : memref<4x128xi32, #tpu.memory_space<vmem>> -> memref<1x128xi32, #tpu.memory_space<vmem>>
    %dma_wait3A_1172 = tpu.memref_squeeze %dma_wait3A_1171 : memref<1x128xi32, #tpu.memory_space<vmem>> -> memref<128xi32, #tpu.memory_space<vmem>>
    %dma_wait3A_1173 = arith.constant 0 : i32
    %dma_wait3A_1174 = arith.constant 0 : i32
    %dma_wait3A_1175 = tpu.memref_slice %arg4[%dma_wait3A_1173, %dma_wait3A_1174] : memref<262144x128xf32, #tpu.memory_space<hbm>> -> memref<262144x128xf32, #tpu.memory_space<hbm>>
    tpu.wait_indirect_dma semaphore(%arg14 : memref<!tpu.dma_semaphore, #tpu.memory_space<semaphore_mem>>) src(%dma_wait3A_1175 : memref<262144x128xf32, #tpu.memory_space<hbm>>) dst(%dma_wait3A_1169 : memref<128x128xf32, #tpu.memory_space<vmem>>)
    %dma_wait3A_1176 = arith.constant 3 : i32
    %dma_wait3A_1177 = arith.constant 128 : i32
    %dma_wait3A_1178 = arith.constant 0 : i32
    %dma_wait3A_1179 = tpu.memref_slice %arg12[%dma_wait3A_1177, %dma_wait3A_1178] : memref<256x128xf32, #tpu.memory_space<vmem>> -> memref<128x128xf32, #tpu.memory_space<vmem>>
    %dma_wait3A_1180 = arith.constant 0 : i32
    %dma_wait3A_1181 = tpu.memref_slice %arg10[%dma_wait3A_1176, %dma_wait3A_1180] : memref<4x128xi32, #tpu.memory_space<vmem>> -> memref<1x128xi32, #tpu.memory_space<vmem>>
    %dma_wait3A_1182 = tpu.memref_squeeze %dma_wait3A_1181 : memref<1x128xi32, #tpu.memory_space<vmem>> -> memref<128xi32, #tpu.memory_space<vmem>>
    %dma_wait3A_1183 = arith.constant 0 : i32
    %dma_wait3A_1184 = arith.constant 0 : i32
    %dma_wait3A_1185 = tpu.memref_slice %arg5[%dma_wait3A_1183, %dma_wait3A_1184] : memref<32768x128xf32, #tpu.memory_space<hbm>> -> memref<32768x128xf32, #tpu.memory_space<hbm>>
    tpu.wait_indirect_dma semaphore(%arg14 : memref<!tpu.dma_semaphore, #tpu.memory_space<semaphore_mem>>) src(%dma_wait3A_1185 : memref<32768x128xf32, #tpu.memory_space<hbm>>) dst(%dma_wait3A_1179 : memref<128x128xf32, #tpu.memory_space<vmem>>)
    %scan3A_1186 = arith.constant 0 : i32
    %scan3A_1187 = arith.constant 0 : i32
    %scan3A_1188 = arith.constant 16 : i32
    %scan3A_1189 = arith.addi %scan3A_1187, %scan3A_1188 : i32
    %scan3A_1190 = arith.constant 1 : i32
    %scan3A_1191 = scf.for %scan3A_1193 = %scan3A_1187 to %scan3A_1189 step %scan3A_1190 iter_args(%scan3A_1194 = %scan3A_1186) -> (i32)  : i32 {
      %mul3A_1195 = arith.constant 16 : i32
      %mul3A_1196 = arith.muli %scan3A_1193, %mul3A_1195 : i32
      %iota3A = tpu.iota {dimensions = array<i32: 0>} : vector<16xi32>
      %add3A_1197 = vector.broadcast %mul3A_1196 : i32 to vector<16xi32>
      %add3A_1198 = arith.addi %add3A_1197, %iota3A : vector<16xi32>
      %mul3A_1199 = arith.constant 16 : i32
      %mul3A_1200 = arith.muli %scan3A_1193, %mul3A_1199 : i32
      %add3A_1201 = arith.constant 256 : i32
      %add3A_1202 = arith.addi %add3A_1201, %mul3A_1200 : i32
      %get3A_1203 = arith.index_cast %add3A_1202 : i32 to index
      %get3A_1204 = tpu.vector_load %arg7[%get3A_1203] {strides = array<i32>} : memref<512xi32, #tpu.memory_space<vmem>>, vector<16xi32>,
      %mul3A_1205 = arith.constant 16 : i32
      %mul3A_1206 = arith.muli %scan3A_1193, %mul3A_1205 : i32
      %add3A_1207 = arith.constant 256 : i32
      %add3A_1208 = arith.addi %add3A_1207, %mul3A_1206 : i32
      %get3A_1209 = arith.index_cast %add3A_1208 : i32 to index
      %get3A_1210 = tpu.vector_load %arg8[%get3A_1209] {strides = array<i32>} : memref<512xi32, #tpu.memory_space<vmem>>, vector<16xi32>,
      %shift_right_arithmetic3A_1211 = arith.constant 14 : i32
      %shift_right_arithmetic3A_1212 = vector.broadcast %shift_right_arithmetic3A_1211 : i32 to vector<16xi32>
      %shift_right_arithmetic3A_1213 = arith.shrsi %get3A_1204, %shift_right_arithmetic3A_1212 : vector<16xi32>
      %and3A_1214 = arith.constant 3 : i32
      %and3A_1215 = vector.broadcast %and3A_1214 : i32 to vector<16xi32>
      %and3A_1216 = arith.andi %shift_right_arithmetic3A_1213, %and3A_1215 : vector<16xi32>
      %mul3A_1217 = arith.constant 32 : i32
      %mul3A_1218 = vector.broadcast %mul3A_1217 : i32 to vector<16xi32>
      %mul3A_1219 = arith.muli %and3A_1216, %mul3A_1218 : vector<16xi32>
      %shift_right_arithmetic3A_1220 = arith.constant 14 : i32
      %shift_right_arithmetic3A_1221 = vector.broadcast %shift_right_arithmetic3A_1220 : i32 to vector<16xi32>
      %shift_right_arithmetic3A_1222 = arith.shrsi %get3A_1210, %shift_right_arithmetic3A_1221 : vector<16xi32>
      %and3A_1223 = arith.constant 3 : i32
      %and3A_1224 = vector.broadcast %and3A_1223 : i32 to vector<16xi32>
      %and3A_1225 = arith.andi %shift_right_arithmetic3A_1222, %and3A_1224 : vector<16xi32>
      %mul3A_1226 = arith.constant 32 : i32
      %mul3A_1227 = vector.broadcast %mul3A_1226 : i32 to vector<16xi32>
      %mul3A_1228 = arith.muli %and3A_1225, %mul3A_1227 : vector<16xi32>
      %broadcast_in_dim3A = arith.constant 0.000000e+00 : f32
      %broadcast_in_dim3A_1229 = vector.broadcast %broadcast_in_dim3A : f32 to vector<16xf32>
      %add3A_1230 = arith.constant 0 : i32
      %add3A_1231 = vector.broadcast %add3A_1230 : i32 to vector<16xi32>
      %add3A_1232 = arith.addi %mul3A_1219, %add3A_1231 : vector<16xi32>
      %gather3A = tpu.vector_load_idx %arg11[%add3A_1198, %add3A_1232] : memref<256x128xf32, #tpu.memory_space<vmem>>[vector<16xi32>, vector<16xi32>], vector<16xf32>,
      %add3A_1233 = arith.constant 0 : i32
      %add3A_1234 = vector.broadcast %add3A_1233 : i32 to vector<16xi32>
      %add3A_1235 = arith.addi %mul3A_1228, %add3A_1234 : vector<16xi32>
      %gather3A_1236 = tpu.vector_load_idx %arg12[%add3A_1198, %add3A_1235] : memref<256x128xf32, #tpu.memory_space<vmem>>[vector<16xi32>, vector<16xi32>], vector<16xf32>,
      %mul3A_1237 = arith.mulf %gather3A, %gather3A_1236 : vector<16xf32>
      %add3A_1238 = arith.addf %broadcast_in_dim3A_1229, %mul3A_1237 : vector<16xf32>
      %add3A_1239 = arith.constant 1 : i32
      %add3A_1240 = vector.broadcast %add3A_1239 : i32 to vector<16xi32>
      %add3A_1241 = arith.addi %mul3A_1219, %add3A_1240 : vector<16xi32>
      %gather3A_1242 = tpu.vector_load_idx %arg11[%add3A_1198, %add3A_1241] : memref<256x128xf32, #tpu.memory_space<vmem>>[vector<16xi32>, vector<16xi32>], vector<16xf32>,
      %add3A_1243 = arith.constant 1 : i32
      %add3A_1244 = vector.broadcast %add3A_1243 : i32 to vector<16xi32>
      %add3A_1245 = arith.addi %mul3A_1228, %add3A_1244 : vector<16xi32>
      %gather3A_1246 = tpu.vector_load_idx %arg12[%add3A_1198, %add3A_1245] : memref<256x128xf32, #tpu.memory_space<vmem>>[vector<16xi32>, vector<16xi32>], vector<16xf32>,
      %mul3A_1247 = arith.mulf %gather3A_1242, %gather3A_1246 : vector<16xf32>
      %add3A_1248 = arith.addf %add3A_1238, %mul3A_1247 : vector<16xf32>
      %add3A_1249 = arith.constant 2 : i32
      %add3A_1250 = vector.broadcast %add3A_1249 : i32 to vector<16xi32>
      %add3A_1251 = arith.addi %mul3A_1219, %add3A_1250 : vector<16xi32>
      %gather3A_1252 = tpu.vector_load_idx %arg11[%add3A_1198, %add3A_1251] : memref<256x128xf32, #tpu.memory_space<vmem>>[vector<16xi32>, vector<16xi32>], vector<16xf32>,
      %add3A_1253 = arith.constant 2 : i32
      %add3A_1254 = vector.broadcast %add3A_1253 : i32 to vector<16xi32>
      %add3A_1255 = arith.addi %mul3A_1228, %add3A_1254 : vector<16xi32>
      %gather3A_1256 = tpu.vector_load_idx %arg12[%add3A_1198, %add3A_1255] : memref<256x128xf32, #tpu.memory_space<vmem>>[vector<16xi32>, vector<16xi32>], vector<16xf32>,
      %mul3A_1257 = arith.mulf %gather3A_1252, %gather3A_1256 : vector<16xf32>
      %add3A_1258 = arith.addf %add3A_1248, %mul3A_1257 : vector<16xf32>
      %add3A_1259 = arith.constant 3 : i32
      %add3A_1260 = vector.broadcast %add3A_1259 : i32 to vector<16xi32>
      %add3A_1261 = arith.addi %mul3A_1219, %add3A_1260 : vector<16xi32>
      %gather3A_1262 = tpu.vector_load_idx %arg11[%add3A_1198, %add3A_1261] : memref<256x128xf32, #tpu.memory_space<vmem>>[vector<16xi32>, vector<16xi32>], vector<16xf32>,
      %add3A_1263 = arith.constant 3 : i32
      %add3A_1264 = vector.broadcast %add3A_1263 : i32 to vector<16xi32>
      %add3A_1265 = arith.addi %mul3A_1228, %add3A_1264 : vector<16xi32>
      %gather3A_1266 = tpu.vector_load_idx %arg12[%add3A_1198, %add3A_1265] : memref<256x128xf32, #tpu.memory_space<vmem>>[vector<16xi32>, vector<16xi32>], vector<16xf32>,
      %mul3A_1267 = arith.mulf %gather3A_1262, %gather3A_1266 : vector<16xf32>
      %add3A_1268 = arith.addf %add3A_1258, %mul3A_1267 : vector<16xf32>
      %add3A_1269 = arith.constant 4 : i32
      %add3A_1270 = vector.broadcast %add3A_1269 : i32 to vector<16xi32>
      %add3A_1271 = arith.addi %mul3A_1219, %add3A_1270 : vector<16xi32>
      %gather3A_1272 = tpu.vector_load_idx %arg11[%add3A_1198, %add3A_1271] : memref<256x128xf32, #tpu.memory_space<vmem>>[vector<16xi32>, vector<16xi32>], vector<16xf32>,
      %add3A_1273 = arith.constant 4 : i32
      %add3A_1274 = vector.broadcast %add3A_1273 : i32 to vector<16xi32>
      %add3A_1275 = arith.addi %mul3A_1228, %add3A_1274 : vector<16xi32>
      %gather3A_1276 = tpu.vector_load_idx %arg12[%add3A_1198, %add3A_1275] : memref<256x128xf32, #tpu.memory_space<vmem>>[vector<16xi32>, vector<16xi32>], vector<16xf32>,
      %mul3A_1277 = arith.mulf %gather3A_1272, %gather3A_1276 : vector<16xf32>
      %add3A_1278 = arith.addf %add3A_1268, %mul3A_1277 : vector<16xf32>
      %add3A_1279 = arith.constant 5 : i32
      %add3A_1280 = vector.broadcast %add3A_1279 : i32 to vector<16xi32>
      %add3A_1281 = arith.addi %mul3A_1219, %add3A_1280 : vector<16xi32>
      %gather3A_1282 = tpu.vector_load_idx %arg11[%add3A_1198, %add3A_1281] : memref<256x128xf32, #tpu.memory_space<vmem>>[vector<16xi32>, vector<16xi32>], vector<16xf32>,
      %add3A_1283 = arith.constant 5 : i32
      %add3A_1284 = vector.broadcast %add3A_1283 : i32 to vector<16xi32>
      %add3A_1285 = arith.addi %mul3A_1228, %add3A_1284 : vector<16xi32>
      %gather3A_1286 = tpu.vector_load_idx %arg12[%add3A_1198, %add3A_1285] : memref<256x128xf32, #tpu.memory_space<vmem>>[vector<16xi32>, vector<16xi32>], vector<16xf32>,
      %mul3A_1287 = arith.mulf %gather3A_1282, %gather3A_1286 : vector<16xf32>
      %add3A_1288 = arith.addf %add3A_1278, %mul3A_1287 : vector<16xf32>
      %add3A_1289 = arith.constant 6 : i32
      %add3A_1290 = vector.broadcast %add3A_1289 : i32 to vector<16xi32>
      %add3A_1291 = arith.addi %mul3A_1219, %add3A_1290 : vector<16xi32>
      %gather3A_1292 = tpu.vector_load_idx %arg11[%add3A_1198, %add3A_1291] : memref<256x128xf32, #tpu.memory_space<vmem>>[vector<16xi32>, vector<16xi32>], vector<16xf32>,
      %add3A_1293 = arith.constant 6 : i32
      %add3A_1294 = vector.broadcast %add3A_1293 : i32 to vector<16xi32>
      %add3A_1295 = arith.addi %mul3A_1228, %add3A_1294 : vector<16xi32>
      %gather3A_1296 = tpu.vector_load_idx %arg12[%add3A_1198, %add3A_1295] : memref<256x128xf32, #tpu.memory_space<vmem>>[vector<16xi32>, vector<16xi32>], vector<16xf32>,
      %mul3A_1297 = arith.mulf %gather3A_1292, %gather3A_1296 : vector<16xf32>
      %add3A_1298 = arith.addf %add3A_1288, %mul3A_1297 : vector<16xf32>
      %add3A_1299 = arith.constant 7 : i32
      %add3A_1300 = vector.broadcast %add3A_1299 : i32 to vector<16xi32>
      %add3A_1301 = arith.addi %mul3A_1219, %add3A_1300 : vector<16xi32>
      %gather3A_1302 = tpu.vector_load_idx %arg11[%add3A_1198, %add3A_1301] : memref<256x128xf32, #tpu.memory_space<vmem>>[vector<16xi32>, vector<16xi32>], vector<16xf32>,
      %add3A_1303 = arith.constant 7 : i32
      %add3A_1304 = vector.broadcast %add3A_1303 : i32 to vector<16xi32>
      %add3A_1305 = arith.addi %mul3A_1228, %add3A_1304 : vector<16xi32>
      %gather3A_1306 = tpu.vector_load_idx %arg12[%add3A_1198, %add3A_1305] : memref<256x128xf32, #tpu.memory_space<vmem>>[vector<16xi32>, vector<16xi32>], vector<16xf32>,
      %mul3A_1307 = arith.mulf %gather3A_1302, %gather3A_1306 : vector<16xf32>
      %add3A_1308 = arith.addf %add3A_1298, %mul3A_1307 : vector<16xf32>
      %add3A_1309 = arith.constant 8 : i32
      %add3A_1310 = vector.broadcast %add3A_1309 : i32 to vector<16xi32>
      %add3A_1311 = arith.addi %mul3A_1219, %add3A_1310 : vector<16xi32>
      %gather3A_1312 = tpu.vector_load_idx %arg11[%add3A_1198, %add3A_1311] : memref<256x128xf32, #tpu.memory_space<vmem>>[vector<16xi32>, vector<16xi32>], vector<16xf32>,
      %add3A_1313 = arith.constant 8 : i32
      %add3A_1314 = vector.broadcast %add3A_1313 : i32 to vector<16xi32>
      %add3A_1315 = arith.addi %mul3A_1228, %add3A_1314 : vector<16xi32>
      %gather3A_1316 = tpu.vector_load_idx %arg12[%add3A_1198, %add3A_1315] : memref<256x128xf32, #tpu.memory_space<vmem>>[vector<16xi32>, vector<16xi32>], vector<16xf32>,
      %mul3A_1317 = arith.mulf %gather3A_1312, %gather3A_1316 : vector<16xf32>
      %add3A_1318 = arith.addf %add3A_1308, %mul3A_1317 : vector<16xf32>
      %add3A_1319 = arith.constant 9 : i32
      %add3A_1320 = vector.broadcast %add3A_1319 : i32 to vector<16xi32>
      %add3A_1321 = arith.addi %mul3A_1219, %add3A_1320 : vector<16xi32>
      %gather3A_1322 = tpu.vector_load_idx %arg11[%add3A_1198, %add3A_1321] : memref<256x128xf32, #tpu.memory_space<vmem>>[vector<16xi32>, vector<16xi32>], vector<16xf32>,
      %add3A_1323 = arith.constant 9 : i32
      %add3A_1324 = vector.broadcast %add3A_1323 : i32 to vector<16xi32>
      %add3A_1325 = arith.addi %mul3A_1228, %add3A_1324 : vector<16xi32>
      %gather3A_1326 = tpu.vector_load_idx %arg12[%add3A_1198, %add3A_1325] : memref<256x128xf32, #tpu.memory_space<vmem>>[vector<16xi32>, vector<16xi32>], vector<16xf32>,
      %mul3A_1327 = arith.mulf %gather3A_1322, %gather3A_1326 : vector<16xf32>
      %add3A_1328 = arith.addf %add3A_1318, %mul3A_1327 : vector<16xf32>
      %add3A_1329 = arith.constant 10 : i32
      %add3A_1330 = vector.broadcast %add3A_1329 : i32 to vector<16xi32>
      %add3A_1331 = arith.addi %mul3A_1219, %add3A_1330 : vector<16xi32>
      %gather3A_1332 = tpu.vector_load_idx %arg11[%add3A_1198, %add3A_1331] : memref<256x128xf32, #tpu.memory_space<vmem>>[vector<16xi32>, vector<16xi32>], vector<16xf32>,
      %add3A_1333 = arith.constant 10 : i32
      %add3A_1334 = vector.broadcast %add3A_1333 : i32 to vector<16xi32>
      %add3A_1335 = arith.addi %mul3A_1228, %add3A_1334 : vector<16xi32>
      %gather3A_1336 = tpu.vector_load_idx %arg12[%add3A_1198, %add3A_1335] : memref<256x128xf32, #tpu.memory_space<vmem>>[vector<16xi32>, vector<16xi32>], vector<16xf32>,
      %mul3A_1337 = arith.mulf %gather3A_1332, %gather3A_1336 : vector<16xf32>
      %add3A_1338 = arith.addf %add3A_1328, %mul3A_1337 : vector<16xf32>
      %add3A_1339 = arith.constant 11 : i32
      %add3A_1340 = vector.broadcast %add3A_1339 : i32 to vector<16xi32>
      %add3A_1341 = arith.addi %mul3A_1219, %add3A_1340 : vector<16xi32>
      %gather3A_1342 = tpu.vector_load_idx %arg11[%add3A_1198, %add3A_1341] : memref<256x128xf32, #tpu.memory_space<vmem>>[vector<16xi32>, vector<16xi32>], vector<16xf32>,
      %add3A_1343 = arith.constant 11 : i32
      %add3A_1344 = vector.broadcast %add3A_1343 : i32 to vector<16xi32>
      %add3A_1345 = arith.addi %mul3A_1228, %add3A_1344 : vector<16xi32>
      %gather3A_1346 = tpu.vector_load_idx %arg12[%add3A_1198, %add3A_1345] : memref<256x128xf32, #tpu.memory_space<vmem>>[vector<16xi32>, vector<16xi32>], vector<16xf32>,
      %mul3A_1347 = arith.mulf %gather3A_1342, %gather3A_1346 : vector<16xf32>
      %add3A_1348 = arith.addf %add3A_1338, %mul3A_1347 : vector<16xf32>
      %add3A_1349 = arith.constant 12 : i32
      %add3A_1350 = vector.broadcast %add3A_1349 : i32 to vector<16xi32>
      %add3A_1351 = arith.addi %mul3A_1219, %add3A_1350 : vector<16xi32>
      %gather3A_1352 = tpu.vector_load_idx %arg11[%add3A_1198, %add3A_1351] : memref<256x128xf32, #tpu.memory_space<vmem>>[vector<16xi32>, vector<16xi32>], vector<16xf32>,
      %add3A_1353 = arith.constant 12 : i32
      %add3A_1354 = vector.broadcast %add3A_1353 : i32 to vector<16xi32>
      %add3A_1355 = arith.addi %mul3A_1228, %add3A_1354 : vector<16xi32>
      %gather3A_1356 = tpu.vector_load_idx %arg12[%add3A_1198, %add3A_1355] : memref<256x128xf32, #tpu.memory_space<vmem>>[vector<16xi32>, vector<16xi32>], vector<16xf32>,
      %mul3A_1357 = arith.mulf %gather3A_1352, %gather3A_1356 : vector<16xf32>
      %add3A_1358 = arith.addf %add3A_1348, %mul3A_1357 : vector<16xf32>
      %add3A_1359 = arith.constant 13 : i32
      %add3A_1360 = vector.broadcast %add3A_1359 : i32 to vector<16xi32>
      %add3A_1361 = arith.addi %mul3A_1219, %add3A_1360 : vector<16xi32>
      %gather3A_1362 = tpu.vector_load_idx %arg11[%add3A_1198, %add3A_1361] : memref<256x128xf32, #tpu.memory_space<vmem>>[vector<16xi32>, vector<16xi32>], vector<16xf32>,
      %add3A_1363 = arith.constant 13 : i32
      %add3A_1364 = vector.broadcast %add3A_1363 : i32 to vector<16xi32>
      %add3A_1365 = arith.addi %mul3A_1228, %add3A_1364 : vector<16xi32>
      %gather3A_1366 = tpu.vector_load_idx %arg12[%add3A_1198, %add3A_1365] : memref<256x128xf32, #tpu.memory_space<vmem>>[vector<16xi32>, vector<16xi32>], vector<16xf32>,
      %mul3A_1367 = arith.mulf %gather3A_1362, %gather3A_1366 : vector<16xf32>
      %add3A_1368 = arith.addf %add3A_1358, %mul3A_1367 : vector<16xf32>
      %add3A_1369 = arith.constant 14 : i32
      %add3A_1370 = vector.broadcast %add3A_1369 : i32 to vector<16xi32>
      %add3A_1371 = arith.addi %mul3A_1219, %add3A_1370 : vector<16xi32>
      %gather3A_1372 = tpu.vector_load_idx %arg11[%add3A_1198, %add3A_1371] : memref<256x128xf32, #tpu.memory_space<vmem>>[vector<16xi32>, vector<16xi32>], vector<16xf32>,
      %add3A_1373 = arith.constant 14 : i32
      %add3A_1374 = vector.broadcast %add3A_1373 : i32 to vector<16xi32>
      %add3A_1375 = arith.addi %mul3A_1228, %add3A_1374 : vector<16xi32>
      %gather3A_1376 = tpu.vector_load_idx %arg12[%add3A_1198, %add3A_1375] : memref<256x128xf32, #tpu.memory_space<vmem>>[vector<16xi32>, vector<16xi32>], vector<16xf32>,
      %mul3A_1377 = arith.mulf %gather3A_1372, %gather3A_1376 : vector<16xf32>
      %add3A_1378 = arith.addf %add3A_1368, %mul3A_1377 : vector<16xf32>
      %add3A_1379 = arith.constant 15 : i32
      %add3A_1380 = vector.broadcast %add3A_1379 : i32 to vector<16xi32>
      %add3A_1381 = arith.addi %mul3A_1219, %add3A_1380 : vector<16xi32>
      %gather3A_1382 = tpu.vector_load_idx %arg11[%add3A_1198, %add3A_1381] : memref<256x128xf32, #tpu.memory_space<vmem>>[vector<16xi32>, vector<16xi32>], vector<16xf32>,
      %add3A_1383 = arith.constant 15 : i32
      %add3A_1384 = vector.broadcast %add3A_1383 : i32 to vector<16xi32>
      %add3A_1385 = arith.addi %mul3A_1228, %add3A_1384 : vector<16xi32>
      %gather3A_1386 = tpu.vector_load_idx %arg12[%add3A_1198, %add3A_1385] : memref<256x128xf32, #tpu.memory_space<vmem>>[vector<16xi32>, vector<16xi32>], vector<16xf32>,
      %mul3A_1387 = arith.mulf %gather3A_1382, %gather3A_1386 : vector<16xf32>
      %add3A_1388 = arith.addf %add3A_1378, %mul3A_1387 : vector<16xf32>
      %add3A_1389 = arith.constant 16 : i32
      %add3A_1390 = vector.broadcast %add3A_1389 : i32 to vector<16xi32>
      %add3A_1391 = arith.addi %mul3A_1219, %add3A_1390 : vector<16xi32>
      %gather3A_1392 = tpu.vector_load_idx %arg11[%add3A_1198, %add3A_1391] : memref<256x128xf32, #tpu.memory_space<vmem>>[vector<16xi32>, vector<16xi32>], vector<16xf32>,
      %add3A_1393 = arith.constant 16 : i32
      %add3A_1394 = vector.broadcast %add3A_1393 : i32 to vector<16xi32>
      %add3A_1395 = arith.addi %mul3A_1228, %add3A_1394 : vector<16xi32>
      %gather3A_1396 = tpu.vector_load_idx %arg12[%add3A_1198, %add3A_1395] : memref<256x128xf32, #tpu.memory_space<vmem>>[vector<16xi32>, vector<16xi32>], vector<16xf32>,
      %mul3A_1397 = arith.mulf %gather3A_1392, %gather3A_1396 : vector<16xf32>
      %add3A_1398 = arith.addf %add3A_1388, %mul3A_1397 : vector<16xf32>
      %add3A_1399 = arith.constant 17 : i32
      %add3A_1400 = vector.broadcast %add3A_1399 : i32 to vector<16xi32>
      %add3A_1401 = arith.addi %mul3A_1219, %add3A_1400 : vector<16xi32>
      %gather3A_1402 = tpu.vector_load_idx %arg11[%add3A_1198, %add3A_1401] : memref<256x128xf32, #tpu.memory_space<vmem>>[vector<16xi32>, vector<16xi32>], vector<16xf32>,
      %add3A_1403 = arith.constant 17 : i32
      %add3A_1404 = vector.broadcast %add3A_1403 : i32 to vector<16xi32>
      %add3A_1405 = arith.addi %mul3A_1228, %add3A_1404 : vector<16xi32>
      %gather3A_1406 = tpu.vector_load_idx %arg12[%add3A_1198, %add3A_1405] : memref<256x128xf32, #tpu.memory_space<vmem>>[vector<16xi32>, vector<16xi32>], vector<16xf32>,
      %mul3A_1407 = arith.mulf %gather3A_1402, %gather3A_1406 : vector<16xf32>
      %add3A_1408 = arith.addf %add3A_1398, %mul3A_1407 : vector<16xf32>
      %add3A_1409 = arith.constant 18 : i32
      %add3A_1410 = vector.broadcast %add3A_1409 : i32 to vector<16xi32>
      %add3A_1411 = arith.addi %mul3A_1219, %add3A_1410 : vector<16xi32>
      %gather3A_1412 = tpu.vector_load_idx %arg11[%add3A_1198, %add3A_1411] : memref<256x128xf32, #tpu.memory_space<vmem>>[vector<16xi32>, vector<16xi32>], vector<16xf32>,
      %add3A_1413 = arith.constant 18 : i32
      %add3A_1414 = vector.broadcast %add3A_1413 : i32 to vector<16xi32>
      %add3A_1415 = arith.addi %mul3A_1228, %add3A_1414 : vector<16xi32>
      %gather3A_1416 = tpu.vector_load_idx %arg12[%add3A_1198, %add3A_1415] : memref<256x128xf32, #tpu.memory_space<vmem>>[vector<16xi32>, vector<16xi32>], vector<16xf32>,
      %mul3A_1417 = arith.mulf %gather3A_1412, %gather3A_1416 : vector<16xf32>
      %add3A_1418 = arith.addf %add3A_1408, %mul3A_1417 : vector<16xf32>
      %add3A_1419 = arith.constant 19 : i32
      %add3A_1420 = vector.broadcast %add3A_1419 : i32 to vector<16xi32>
      %add3A_1421 = arith.addi %mul3A_1219, %add3A_1420 : vector<16xi32>
      %gather3A_1422 = tpu.vector_load_idx %arg11[%add3A_1198, %add3A_1421] : memref<256x128xf32, #tpu.memory_space<vmem>>[vector<16xi32>, vector<16xi32>], vector<16xf32>,
      %add3A_1423 = arith.constant 19 : i32
      %add3A_1424 = vector.broadcast %add3A_1423 : i32 to vector<16xi32>
      %add3A_1425 = arith.addi %mul3A_1228, %add3A_1424 : vector<16xi32>
      %gather3A_1426 = tpu.vector_load_idx %arg12[%add3A_1198, %add3A_1425] : memref<256x128xf32, #tpu.memory_space<vmem>>[vector<16xi32>, vector<16xi32>], vector<16xf32>,
      %mul3A_1427 = arith.mulf %gather3A_1422, %gather3A_1426 : vector<16xf32>
      %add3A_1428 = arith.addf %add3A_1418, %mul3A_1427 : vector<16xf32>
      %add3A_1429 = arith.constant 20 : i32
      %add3A_1430 = vector.broadcast %add3A_1429 : i32 to vector<16xi32>
      %add3A_1431 = arith.addi %mul3A_1219, %add3A_1430 : vector<16xi32>
      %gather3A_1432 = tpu.vector_load_idx %arg11[%add3A_1198, %add3A_1431] : memref<256x128xf32, #tpu.memory_space<vmem>>[vector<16xi32>, vector<16xi32>], vector<16xf32>,
      %add3A_1433 = arith.constant 20 : i32
      %add3A_1434 = vector.broadcast %add3A_1433 : i32 to vector<16xi32>
      %add3A_1435 = arith.addi %mul3A_1228, %add3A_1434 : vector<16xi32>
      %gather3A_1436 = tpu.vector_load_idx %arg12[%add3A_1198, %add3A_1435] : memref<256x128xf32, #tpu.memory_space<vmem>>[vector<16xi32>, vector<16xi32>], vector<16xf32>,
      %mul3A_1437 = arith.mulf %gather3A_1432, %gather3A_1436 : vector<16xf32>
      %add3A_1438 = arith.addf %add3A_1428, %mul3A_1437 : vector<16xf32>
      %add3A_1439 = arith.constant 21 : i32
      %add3A_1440 = vector.broadcast %add3A_1439 : i32 to vector<16xi32>
      %add3A_1441 = arith.addi %mul3A_1219, %add3A_1440 : vector<16xi32>
      %gather3A_1442 = tpu.vector_load_idx %arg11[%add3A_1198, %add3A_1441] : memref<256x128xf32, #tpu.memory_space<vmem>>[vector<16xi32>, vector<16xi32>], vector<16xf32>,
      %add3A_1443 = arith.constant 21 : i32
      %add3A_1444 = vector.broadcast %add3A_1443 : i32 to vector<16xi32>
      %add3A_1445 = arith.addi %mul3A_1228, %add3A_1444 : vector<16xi32>
      %gather3A_1446 = tpu.vector_load_idx %arg12[%add3A_1198, %add3A_1445] : memref<256x128xf32, #tpu.memory_space<vmem>>[vector<16xi32>, vector<16xi32>], vector<16xf32>,
      %mul3A_1447 = arith.mulf %gather3A_1442, %gather3A_1446 : vector<16xf32>
      %add3A_1448 = arith.addf %add3A_1438, %mul3A_1447 : vector<16xf32>
      %add3A_1449 = arith.constant 22 : i32
      %add3A_1450 = vector.broadcast %add3A_1449 : i32 to vector<16xi32>
      %add3A_1451 = arith.addi %mul3A_1219, %add3A_1450 : vector<16xi32>
      %gather3A_1452 = tpu.vector_load_idx %arg11[%add3A_1198, %add3A_1451] : memref<256x128xf32, #tpu.memory_space<vmem>>[vector<16xi32>, vector<16xi32>], vector<16xf32>,
      %add3A_1453 = arith.constant 22 : i32
      %add3A_1454 = vector.broadcast %add3A_1453 : i32 to vector<16xi32>
      %add3A_1455 = arith.addi %mul3A_1228, %add3A_1454 : vector<16xi32>
      %gather3A_1456 = tpu.vector_load_idx %arg12[%add3A_1198, %add3A_1455] : memref<256x128xf32, #tpu.memory_space<vmem>>[vector<16xi32>, vector<16xi32>], vector<16xf32>,
      %mul3A_1457 = arith.mulf %gather3A_1452, %gather3A_1456 : vector<16xf32>
      %add3A_1458 = arith.addf %add3A_1448, %mul3A_1457 : vector<16xf32>
      %add3A_1459 = arith.constant 23 : i32
      %add3A_1460 = vector.broadcast %add3A_1459 : i32 to vector<16xi32>
      %add3A_1461 = arith.addi %mul3A_1219, %add3A_1460 : vector<16xi32>
      %gather3A_1462 = tpu.vector_load_idx %arg11[%add3A_1198, %add3A_1461] : memref<256x128xf32, #tpu.memory_space<vmem>>[vector<16xi32>, vector<16xi32>], vector<16xf32>,
      %add3A_1463 = arith.constant 23 : i32
      %add3A_1464 = vector.broadcast %add3A_1463 : i32 to vector<16xi32>
      %add3A_1465 = arith.addi %mul3A_1228, %add3A_1464 : vector<16xi32>
      %gather3A_1466 = tpu.vector_load_idx %arg12[%add3A_1198, %add3A_1465] : memref<256x128xf32, #tpu.memory_space<vmem>>[vector<16xi32>, vector<16xi32>], vector<16xf32>,
      %mul3A_1467 = arith.mulf %gather3A_1462, %gather3A_1466 : vector<16xf32>
      %add3A_1468 = arith.addf %add3A_1458, %mul3A_1467 : vector<16xf32>
      %add3A_1469 = arith.constant 24 : i32
      %add3A_1470 = vector.broadcast %add3A_1469 : i32 to vector<16xi32>
      %add3A_1471 = arith.addi %mul3A_1219, %add3A_1470 : vector<16xi32>
      %gather3A_1472 = tpu.vector_load_idx %arg11[%add3A_1198, %add3A_1471] : memref<256x128xf32, #tpu.memory_space<vmem>>[vector<16xi32>, vector<16xi32>], vector<16xf32>,
      %add3A_1473 = arith.constant 24 : i32
      %add3A_1474 = vector.broadcast %add3A_1473 : i32 to vector<16xi32>
      %add3A_1475 = arith.addi %mul3A_1228, %add3A_1474 : vector<16xi32>
      %gather3A_1476 = tpu.vector_load_idx %arg12[%add3A_1198, %add3A_1475] : memref<256x128xf32, #tpu.memory_space<vmem>>[vector<16xi32>, vector<16xi32>], vector<16xf32>,
      %mul3A_1477 = arith.mulf %gather3A_1472, %gather3A_1476 : vector<16xf32>
      %add3A_1478 = arith.addf %add3A_1468, %mul3A_1477 : vector<16xf32>
      %add3A_1479 = arith.constant 25 : i32
      %add3A_1480 = vector.broadcast %add3A_1479 : i32 to vector<16xi32>
      %add3A_1481 = arith.addi %mul3A_1219, %add3A_1480 : vector<16xi32>
      %gather3A_1482 = tpu.vector_load_idx %arg11[%add3A_1198, %add3A_1481] : memref<256x128xf32, #tpu.memory_space<vmem>>[vector<16xi32>, vector<16xi32>], vector<16xf32>,
      %add3A_1483 = arith.constant 25 : i32
      %add3A_1484 = vector.broadcast %add3A_1483 : i32 to vector<16xi32>
      %add3A_1485 = arith.addi %mul3A_1228, %add3A_1484 : vector<16xi32>
      %gather3A_1486 = tpu.vector_load_idx %arg12[%add3A_1198, %add3A_1485] : memref<256x128xf32, #tpu.memory_space<vmem>>[vector<16xi32>, vector<16xi32>], vector<16xf32>,
      %mul3A_1487 = arith.mulf %gather3A_1482, %gather3A_1486 : vector<16xf32>
      %add3A_1488 = arith.addf %add3A_1478, %mul3A_1487 : vector<16xf32>
      %add3A_1489 = arith.constant 26 : i32
      %add3A_1490 = vector.broadcast %add3A_1489 : i32 to vector<16xi32>
      %add3A_1491 = arith.addi %mul3A_1219, %add3A_1490 : vector<16xi32>
      %gather3A_1492 = tpu.vector_load_idx %arg11[%add3A_1198, %add3A_1491] : memref<256x128xf32, #tpu.memory_space<vmem>>[vector<16xi32>, vector<16xi32>], vector<16xf32>,
      %add3A_1493 = arith.constant 26 : i32
      %add3A_1494 = vector.broadcast %add3A_1493 : i32 to vector<16xi32>
      %add3A_1495 = arith.addi %mul3A_1228, %add3A_1494 : vector<16xi32>
      %gather3A_1496 = tpu.vector_load_idx %arg12[%add3A_1198, %add3A_1495] : memref<256x128xf32, #tpu.memory_space<vmem>>[vector<16xi32>, vector<16xi32>], vector<16xf32>,
      %mul3A_1497 = arith.mulf %gather3A_1492, %gather3A_1496 : vector<16xf32>
      %add3A_1498 = arith.addf %add3A_1488, %mul3A_1497 : vector<16xf32>
      %add3A_1499 = arith.constant 27 : i32
      %add3A_1500 = vector.broadcast %add3A_1499 : i32 to vector<16xi32>
      %add3A_1501 = arith.addi %mul3A_1219, %add3A_1500 : vector<16xi32>
      %gather3A_1502 = tpu.vector_load_idx %arg11[%add3A_1198, %add3A_1501] : memref<256x128xf32, #tpu.memory_space<vmem>>[vector<16xi32>, vector<16xi32>], vector<16xf32>,
      %add3A_1503 = arith.constant 27 : i32
      %add3A_1504 = vector.broadcast %add3A_1503 : i32 to vector<16xi32>
      %add3A_1505 = arith.addi %mul3A_1228, %add3A_1504 : vector<16xi32>
      %gather3A_1506 = tpu.vector_load_idx %arg12[%add3A_1198, %add3A_1505] : memref<256x128xf32, #tpu.memory_space<vmem>>[vector<16xi32>, vector<16xi32>], vector<16xf32>,
      %mul3A_1507 = arith.mulf %gather3A_1502, %gather3A_1506 : vector<16xf32>
      %add3A_1508 = arith.addf %add3A_1498, %mul3A_1507 : vector<16xf32>
      %add3A_1509 = arith.constant 28 : i32
      %add3A_1510 = vector.broadcast %add3A_1509 : i32 to vector<16xi32>
      %add3A_1511 = arith.addi %mul3A_1219, %add3A_1510 : vector<16xi32>
      %gather3A_1512 = tpu.vector_load_idx %arg11[%add3A_1198, %add3A_1511] : memref<256x128xf32, #tpu.memory_space<vmem>>[vector<16xi32>, vector<16xi32>], vector<16xf32>,
      %add3A_1513 = arith.constant 28 : i32
      %add3A_1514 = vector.broadcast %add3A_1513 : i32 to vector<16xi32>
      %add3A_1515 = arith.addi %mul3A_1228, %add3A_1514 : vector<16xi32>
      %gather3A_1516 = tpu.vector_load_idx %arg12[%add3A_1198, %add3A_1515] : memref<256x128xf32, #tpu.memory_space<vmem>>[vector<16xi32>, vector<16xi32>], vector<16xf32>,
      %mul3A_1517 = arith.mulf %gather3A_1512, %gather3A_1516 : vector<16xf32>
      %add3A_1518 = arith.addf %add3A_1508, %mul3A_1517 : vector<16xf32>
      %add3A_1519 = arith.constant 29 : i32
      %add3A_1520 = vector.broadcast %add3A_1519 : i32 to vector<16xi32>
      %add3A_1521 = arith.addi %mul3A_1219, %add3A_1520 : vector<16xi32>
      %gather3A_1522 = tpu.vector_load_idx %arg11[%add3A_1198, %add3A_1521] : memref<256x128xf32, #tpu.memory_space<vmem>>[vector<16xi32>, vector<16xi32>], vector<16xf32>,
      %add3A_1523 = arith.constant 29 : i32
      %add3A_1524 = vector.broadcast %add3A_1523 : i32 to vector<16xi32>
      %add3A_1525 = arith.addi %mul3A_1228, %add3A_1524 : vector<16xi32>
      %gather3A_1526 = tpu.vector_load_idx %arg12[%add3A_1198, %add3A_1525] : memref<256x128xf32, #tpu.memory_space<vmem>>[vector<16xi32>, vector<16xi32>], vector<16xf32>,
      %mul3A_1527 = arith.mulf %gather3A_1522, %gather3A_1526 : vector<16xf32>
      %add3A_1528 = arith.addf %add3A_1518, %mul3A_1527 : vector<16xf32>
      %add3A_1529 = arith.constant 30 : i32
      %add3A_1530 = vector.broadcast %add3A_1529 : i32 to vector<16xi32>
      %add3A_1531 = arith.addi %mul3A_1219, %add3A_1530 : vector<16xi32>
      %gather3A_1532 = tpu.vector_load_idx %arg11[%add3A_1198, %add3A_1531] : memref<256x128xf32, #tpu.memory_space<vmem>>[vector<16xi32>, vector<16xi32>], vector<16xf32>,
      %add3A_1533 = arith.constant 30 : i32
      %add3A_1534 = vector.broadcast %add3A_1533 : i32 to vector<16xi32>
      %add3A_1535 = arith.addi %mul3A_1228, %add3A_1534 : vector<16xi32>
      %gather3A_1536 = tpu.vector_load_idx %arg12[%add3A_1198, %add3A_1535] : memref<256x128xf32, #tpu.memory_space<vmem>>[vector<16xi32>, vector<16xi32>], vector<16xf32>,
      %mul3A_1537 = arith.mulf %gather3A_1532, %gather3A_1536 : vector<16xf32>
      %add3A_1538 = arith.addf %add3A_1528, %mul3A_1537 : vector<16xf32>
      %add3A_1539 = arith.constant 31 : i32
      %add3A_1540 = vector.broadcast %add3A_1539 : i32 to vector<16xi32>
      %add3A_1541 = arith.addi %mul3A_1219, %add3A_1540 : vector<16xi32>
      %gather3A_1542 = tpu.vector_load_idx %arg11[%add3A_1198, %add3A_1541] : memref<256x128xf32, #tpu.memory_space<vmem>>[vector<16xi32>, vector<16xi32>], vector<16xf32>,
      %add3A_1543 = arith.constant 31 : i32
      %add3A_1544 = vector.broadcast %add3A_1543 : i32 to vector<16xi32>
      %add3A_1545 = arith.addi %mul3A_1228, %add3A_1544 : vector<16xi32>
      %gather3A_1546 = tpu.vector_load_idx %arg12[%add3A_1198, %add3A_1545] : memref<256x128xf32, #tpu.memory_space<vmem>>[vector<16xi32>, vector<16xi32>], vector<16xf32>,
      %mul3A_1547 = arith.mulf %gather3A_1542, %gather3A_1546 : vector<16xf32>
      %add3A_1548 = arith.addf %add3A_1538, %mul3A_1547 : vector<16xf32>
      %neg3A = arith.constant 0.000000e+00 : f32
      %neg3A_1549 = vector.broadcast %neg3A : f32 to vector<16xf32>
      %neg3A_1550 = arith.subf %neg3A_1549, %add3A_1548 : vector<16xf32>
      %exp3A = math.exp %neg3A_1550 : vector<16xf32>
      %add3A_1551 = arith.constant 1.000000e+00 : f32
      %add3A_1552 = vector.broadcast %add3A_1551 : f32 to vector<16xf32>
      %add3A_1553 = arith.addf %add3A_1552, %exp3A : vector<16xf32>
      %div3A = arith.constant 1.000000e+00 : f32
      %div3A_1554 = vector.broadcast %div3A : f32 to vector<16xf32>
      %div3A_1555 = arith.divf %div3A_1554, %add3A_1553 : vector<16xf32>
      %mul3A_1556 = arith.constant 16 : i32
      %mul3A_1557 = arith.muli %scan3A_1193, %mul3A_1556 : i32
      %add3A_1558 = arith.constant 256 : i32
      %add3A_1559 = arith.addi %add3A_1558, %mul3A_1557 : i32
      %iota3A_1560 = tpu.iota {dimensions = array<i32: 0>} : vector<16xi32>
      %add3A_1561 = vector.broadcast %add3A_1559 : i32 to vector<16xi32>
      %add3A_1562 = arith.addi %add3A_1561, %iota3A_1560 : vector<16xi32>
      tpu.vector_store_idx %arg13[%add3A_1562], %div3A_1555 : memref<512xf32, #tpu.memory_space<vmem>>[vector<16xi32>], vector<16xf32>,
      %scan3A_1563 = arith.constant 0 : i32
      scf.yield %scan3A_1563 : i32
    }
    %scan3A_1192 = arith.constant 16 : i32
    "tpu.region"() ({
      %run_scoped3A = tpu.sem_alloc : memref<!tpu.dma_semaphore, #tpu.memory_space<semaphore_mem>>
      %dma_start3A_1193 = tpu.memref_slice %arg6[%mul3A_2] : memref<16384xf32, #tpu.memory_space<hbm>> -> memref<512xf32, #tpu.memory_space<hbm>>
      %dma_start3A_1194 = tpu.memref_slice %arg6[%mul3A_2] : memref<16384xf32, #tpu.memory_space<hbm>> -> memref<512xf32, #tpu.memory_space<hbm>>
      tpu.enqueue_dma source(%arg13 : memref<512xf32, #tpu.memory_space<vmem>>) target(%dma_start3A_1194 : memref<512xf32, #tpu.memory_space<hbm>>) target_semaphore(%run_scoped3A : memref<!tpu.dma_semaphore, #tpu.memory_space<semaphore_mem>>)
      %dma_wait3A_1195 = tpu.memref_slice %arg6[%mul3A_2] : memref<16384xf32, #tpu.memory_space<hbm>> -> memref<512xf32, #tpu.memory_space<hbm>>
      %dma_wait3A_1196 = tpu.memref_slice %arg6[%mul3A_2] : memref<16384xf32, #tpu.memory_space<hbm>> -> memref<512xf32, #tpu.memory_space<hbm>>
      tpu.wait_dma2 semaphore(%run_scoped3A : memref<!tpu.dma_semaphore, #tpu.memory_space<semaphore_mem>>) src(%arg13 : memref<512xf32, #tpu.memory_space<vmem>>) dst(%dma_wait3A_1196 : memref<512xf32, #tpu.memory_space<hbm>>)
      tpu.yield
    }) : () -> ()
    return
  }
}

module attributes {stable_mosaic.version = 14 : i64} {
  func.func @_detile_body(%arg0: i32, %arg1: memref<32x65536xf32, #tpu.memory_space<vmem>>, %arg2: memref<16384x128xf32, #tpu.memory_space<vmem>>) attributes {dimension_semantics = [#tpu.dimension_semantics<arbitrary>], iteration_bounds = array<i64: 2>, scalar_prefetch = 0 : i64, scratch_operands = 0 : i64, tpu.core_type = #tpu.core_type<tc>, window_params = [{transform_indices = @transform_0, window_bounds = array<i64: 32, 65536>}, {transform_indices = @transform_1, window_bounds = array<i64: 16384, 128>}]} {
    %get3A = arith.constant 0 : index
    %get3A_0 = arith.constant 0 : index
    %get3A_1 = vector.load %arg1[%get3A, %get3A_0] : memref<32x65536xf32, #tpu.memory_space<vmem>>, vector<32x65536xf32>
    %reshape3A = vector.shape_cast %get3A_1 : vector<32x65536xf32> to vector<32x4x16384xf32>
    %transpose3A = tpu.transpose %reshape3A, [1, 0, 2] : vector<32x4x16384xf32> -> vector<4x32x16384xf32>
    %reshape3A_2 = vector.shape_cast %transpose3A : vector<4x32x16384xf32> to vector<128x16384xf32>
    %transpose3A_3 = tpu.transpose %reshape3A_2, [1, 0] : vector<128x16384xf32> -> vector<16384x128xf32>
    %swap3A = arith.constant 0 : index
    %swap3A_4 = arith.constant 0 : index
    %swap3A_5 = vector.load %arg2[%swap3A, %swap3A_4] : memref<16384x128xf32, #tpu.memory_space<vmem>>, vector<16384x128xf32>
    tpu.vector_store %arg2[%swap3A, %swap3A_4], %transpose3A_3 {strides = array<i32>} : memref<16384x128xf32, #tpu.memory_space<vmem>>, vector<16384x128xf32>,
    return
  }
  func.func @transform_0(%arg0: i32) -> (i32, i32) {
    %c0_i32 = arith.constant 0 : i32
    %c0_i32_0 = arith.constant 0 : i32
    return %c0_i32, %arg0 : i32, i32
  }
  func.func @transform_1(%arg0: i32) -> (i32, i32) {
    %c0_i32 = arith.constant 0 : i32
    %c0_i32_0 = arith.constant 0 : i32
    return %arg0, %c0_i32 : i32, i32
  }
}

module attributes {stable_mosaic.version = 14 : i64} {
  func.func @_detile_body(%arg0: i32, %arg1: memref<32x65536xf32, #tpu.memory_space<vmem>>, %arg2: memref<16384x128xf32, #tpu.memory_space<vmem>>) attributes {dimension_semantics = [#tpu.dimension_semantics<arbitrary>], iteration_bounds = array<i64: 16>, scalar_prefetch = 0 : i64, scratch_operands = 0 : i64, tpu.core_type = #tpu.core_type<tc>, window_params = [{transform_indices = @transform_0, window_bounds = array<i64: 32, 65536>}, {transform_indices = @transform_1, window_bounds = array<i64: 16384, 128>}]} {
    %get3A = arith.constant 0 : index
    %get3A_0 = arith.constant 0 : index
    %get3A_1 = vector.load %arg1[%get3A, %get3A_0] : memref<32x65536xf32, #tpu.memory_space<vmem>>, vector<32x65536xf32>
    %reshape3A = vector.shape_cast %get3A_1 : vector<32x65536xf32> to vector<32x4x16384xf32>
    %transpose3A = tpu.transpose %reshape3A, [1, 0, 2] : vector<32x4x16384xf32> -> vector<4x32x16384xf32>
    %reshape3A_2 = vector.shape_cast %transpose3A : vector<4x32x16384xf32> to vector<128x16384xf32>
    %transpose3A_3 = tpu.transpose %reshape3A_2, [1, 0] : vector<128x16384xf32> -> vector<16384x128xf32>
    %swap3A = arith.constant 0 : index
    %swap3A_4 = arith.constant 0 : index
    %swap3A_5 = vector.load %arg2[%swap3A, %swap3A_4] : memref<16384x128xf32, #tpu.memory_space<vmem>>, vector<16384x128xf32>
    tpu.vector_store %arg2[%swap3A, %swap3A_4], %transpose3A_3 {strides = array<i32>} : memref<16384x128xf32, #tpu.memory_space<vmem>>, vector<16384x128xf32>,
    return
  }
  func.func @transform_0(%arg0: i32) -> (i32, i32) {
    %c0_i32 = arith.constant 0 : i32
    %c0_i32_0 = arith.constant 0 : i32
    return %c0_i32, %arg0 : i32, i32
  }
  func.func @transform_1(%arg0: i32) -> (i32, i32) {
    %c0_i32 = arith.constant 0 : i32
    %c0_i32_0 = arith.constant 0 : i32
    return %arg0, %c0_i32 : i32, i32
  }
}

</mosaic_0001>

<sc_bundles>
// kernel: kernel.5.cloned.1.call-start
scs
__scs_entry_jumppad:
0x0: {  	(pc) =	sbr.rel $0x88, $3  }
0x1: {  	(tag) =	ssettag $0x0;
	lr =	simm.s32 $0x1  }
0x2: {  	[smem:$0x3F9D] =	sst lr;
	_ =	strace $0xD0000000  }
0x3: {  	_ = 	snop  }
0x4: {  	_ = 	snop  }
0x5: {  	_ = 	snop  }
0x6: {  	_ = 	snop  }
0x7: {  	_ = 	snop  }
__scs_overlays_trampoline_lowered:
0x8: {  	[smem:$0x3FAC] =	sst s0  }
0x9: {  	[smem:$0x3FAD] =	sst s1  }
0xa: {  	[smem:$0x3FAE] =	sst s2  }
0xb: {  	[smem:$0x3FAF] =	sst s3  }
0xc: {  	[smem:$0x3FB0] =	sst s4  }
0xd: {  	[smem:$0x3FB1] =	sst s5  }
0xe: {  	[smem:$0x3FB2] =	sst s6  }
0xf: {  	[smem:$0x3FB3] =	sst s7  }
0x10: {  	[smem:$0x3FB4] =	sst s8  }
0x11: {  	[smem:$0x3FB5] =	sst s9;
	s0 =	simm.s32 @!p0 $0x0  }
0x12: {  	s1 =	sld [smem:$0x3F9B];
	s0 =	simm.s32 @p0 $0x1  }
0x13: {  	[smem:$0x3FB6] =	sst s0;
	s0 =	simm.s32 @!p1 $0x0  }
0x14: {  	s2 =	sld [smem:$0x3F9A];
	s0 =	simm.s32 @p1 $0x1  }
0x15: {  	[smem:$0x3FB7] =	sst s0;
	s0 =	simm.s32 @!p2 $0x0  }
0x16: {  	s3 =	sld [smem:$0x3FDB];
	s0 =	simm.s32 @p2 $0x1  }
0x17: {  	s4 =	simm.s32 $0x1BF5;
	[smem:$0x3FB9] =	sst s0  }
0x18: {  	s0 =	sld [smem:$0x3F9C];
	_ =	swait.ge [sflag:s4], $0x0  }
0x19: {  	s7 =	sld [smem:$0x3F9D]  }
0x1a: {  	s8 =	sadd.s32 $0xFFFFE003, lr  }
0x1b: {  	s9 =	sadd.s32 $0xFFFFFEF7, lr;
	s5 =	simm.s32 $0xFFFFFFFF;
	p2 =	slt.u32 s8, $0xFFFFF086  }
0x1c: {  	p1 =	slt.u32 s9, $0xF7A;
	s5 =	simm.s32 @!p2 $0x0  }
0x1d: {  	s5 =	simm.s32 @p1 $0x1;
	p0 =	seq.s32 s7, s2  }
0x1e: {  	s7 =	smul.u32 @!p0 $0xF7A, s2;
	p2 =	seq.s32 @!p0 s5, $0x0  }
0x1f: {  	s9 =	smul.u32 $0xF7A, s1;
	s8 =	simm.s32 @!p0 $0x1BF5;
	p2 =	por !p2, p0  }
0x20: {  	[sflag:s8] =	ssyncset.s32 @!p0 $0xFFFFF086;
	s6 =	sadd.s32 @!p0 s3, s7;
	s7 =	simm.s32 @!p0 $0x108  }
0x21: {  	s3 =	sadd.s32 s3, s9;
	s6 =	sadd.s32 @!p0 $0x88, s6;
	s7 =	simm.s32 @p2 $0x1082  }
0x22: {  	[simem:s7], [sflag:s8] =	dma.local @!p0 [hbm:s6], $0xF7A  }
0x23: {  	s9 =	sor.u32 $0xD0000000, s2;
	s6 =	simm.s32 $0x108;
	_ =	swait.ge @!p0 [sflag:s8], $0x0  }
0x24: {  	s3 =	sadd.s32 $0x88, s3;
	s6 =	simm.s32 @!p1 $0x1082;
	[sflag:s4] =	ssyncset.s32 $0xFFFFF086  }
0x25: {  	[simem:s6], [sflag:s4] =	dma.local [hbm:s3], $0xF7A  }
0x26: {  	[smem:$0x3F9D] =	sst s1;
	(tag) =	ssettag s2;
	_ =	strace s9  }
0x27: {  	s1 =	sld [smem:$0x3FAD]  }
0x28: {  	s2 =	sld [smem:$0x3FAE]  }
0x29: {  	s4 =	sld [smem:$0x3FB0]  }
0x2a: {  	p0 =	seq.s32 s5, $0x0;
	s5 =	sld [smem:$0x3FB1]  }
0x2b: {  	s6 =	sld [smem:$0x3FB2]  }
0x2c: {  	s7 =	sld [smem:$0x3FB3]  }
0x2d: {  	s3 =	simm.s32 $0x108;
	s8 =	sld [smem:$0x3FB4]  }
0x2e: {  	s3 =	simm.s32 @!p0 $0x1082;
	s9 =	sld [smem:$0x3FB5]  }
0x2f: {  	lr =	sadd.s32 s0, s3;
	s0 =	sld [smem:$0x3FAC]  }
0x30: {  	s3 =	sld [smem:$0x3FAF]  }
0x31: {  	[smem:$0x3FB8] =	sst s10  }
0x32: {  	s10 =	sld [smem:$0x3FB6];
	_ =	sdelay $0x3  }
0x33: {  	p0 =	seq.s32 s10, $0x1;
	s10 =	sld [smem:$0x3FB8];
	_ =	sdelay $0x3  }
0x34: {  	[smem:$0x3FB8] =	sst s10  }
0x35: {  	s10 =	sld [smem:$0x3FB7];
	_ =	sdelay $0x3  }
0x36: {  	p1 =	seq.s32 s10, $0x1;
	s10 =	sld [smem:$0x3FB8];
	_ =	sdelay $0x3  }
0x37: {  	[smem:$0x3FB8] =	sst s10  }
0x38: {  	s10 =	sld [smem:$0x3FB9]  }
0x39: {  	_ = 	snop;
	(pc) =	sbr.ind lr, $3  }
0x3a: {  	_ = 	snop  }
0x3b: {  	_ = 	snop  }
0x3c: {  	p2 =	seq.s32 s10, $0x1;
	s10 =	sld [smem:$0x3FB8]  }
0x3d: {  	_ =	shalt  }
0x3e: {  	_ =	shalt  }
0x3f: {  	_ =	shalt  }
0x40: {  	_ =	shalt  }
0x41: {  	_ =	shalt  }
0x42: {  	_ =	shalt  }
0x43: {  	_ =	shalt  }
0x44: {  	_ =	shalt  }
0x45: {  	_ =	shalt  }
0x46: {  	_ =	shalt  }
0x47: {  	_ =	shalt  }
0x48: {  	_ =	shalt  }
0x49: {  	_ =	shalt  }
0x4a: {  	_ =	shalt  }
0x4b: {  	_ =	shalt  }
0x4c: {  	_ =	shalt  }
0x4d: {  	_ =	shalt  }
0x4e: {  	_ =	shalt  }
0x4f: {  	_ =	shalt  }
0x50: {  	_ =	shalt  }
0x51: {  	_ =	shalt  }
0x52: {  	_ =	shalt  }
0x53: {  	_ =	shalt  }
0x54: {  	_ =	shalt  }
0x55: {  	_ =	shalt  }
0x56: {  	_ =	shalt  }
0x57: {  	_ =	shalt  }
0x58: {  	_ =	shalt  }
0x59: {  	_ =	shalt  }
0x5a: {  	_ =	shalt  }
0x5b: {  	_ =	shalt  }
0x5c: {  	_ =	shalt  }
0x5d: {  	_ =	shalt  }
0x5e: {  	_ =	shalt  }
0x5f: {  	_ =	shalt  }
0x60: {  	_ =	shalt  }
0x61: {  	_ =	shalt  }
0x62: {  	_ =	shalt  }
0x63: {  	_ =	shalt  }
0x64: {  	_ =	shalt  }
0x65: {  	_ =	shalt  }
0x66: {  	_ =	shalt  }
0x67: {  	_ =	shalt  }
0x68: {  	_ =	shalt  }
0x69: {  	_ =	shalt  }
0x6a: {  	_ =	shalt  }
0x6b: {  	_ =	shalt  }
0x6c: {  	_ =	shalt  }
0x6d: {  	_ =	shalt  }
0x6e: {  	_ =	shalt  }
0x6f: {  	_ =	shalt  }
0x70: {  	_ =	shalt  }
0x71: {  	_ =	shalt  }
0x72: {  	_ =	shalt  }
0x73: {  	_ =	shalt  }
0x74: {  	_ =	shalt  }
0x75: {  	_ =	shalt  }
0x76: {  	_ =	shalt  }
0x77: {  	_ =	shalt  }
0x78: {  	_ =	shalt  }
0x79: {  	_ =	shalt  }
0x7a: {  	_ =	shalt  }
0x7b: {  	_ =	shalt  }
0x7c: {  	_ =	shalt  }
0x7d: {  	_ =	shalt  }
0x7e: {  	_ =	shalt  }
0x7f: {  	_ =	shalt  }
0x80: {  	_ =	shalt  }
0x81: {  	_ =	shalt  }
0x82: {  	_ =	shalt  }
0x83: {  	_ =	shalt  }
0x84: {  	_ =	shalt  }
0x85: {  	_ =	shalt  }
0x86: {  	_ =	shalt  }
0x87: {  	_ =	shalt  }
.Lfunc_end0:
.L_simem_size_0:
called_computation_lowered:
.L_overlay_start_0:
0x88: {  	s2 =	sld [smem:$0x3FD9]  }
0x89: {  	s3 =	sld [smem:$0x3FFE];
	_ =	sdelay $0x1  }
0x8a: {  	s1 =	srdreg.scid  }
0x8b: {  	s0 =	sand.u32 $0x1, s1  }
0x8c: {  	s17 =	sshll.u32 s0, $0xA;
	s2 =	sadd.s32 s3, s2  }
0x8d: {  	s2 =	sadd.s32 s2, s17  }
0x8e: {  	[smem:$0x3FC4] =	sst s2  }
0x8f: {  	_ = 	snop  }
0x90: {  	s2 =	sld [smem:$0x3FC9]  }
0x91: {  	s18 =	sld [smem:$0x3FC8]  }
0x92: {  	s4 =	sld [smem:$0x3FD0];
	(tm) =	ssettm $0x1  }
0x93: {  	s5 =	sld [smem:$0x3FFB];
	_ =	sdelay $0x3  }
0x94: {  	_ =	strace s5  }
0x95: {  	s5 =	sld [smem:$0x3FFC];
	_ =	sdelay $0x3  }
0x96: {  	_ =	strace s5  }
0x97: {  	s5 =	sld [smem:$0x3FFD];
	_ =	sdelay $0x3  }
0x98: {  	_ =	strace s5  }
0x99: {  	_ =	strace $0x8FFFFFFF  }
0x9a: {  	s19 =	sld [smem:$0x3FDB];
	_ =	sdelay $0x1  }
0x9b: {  	s6 =	simm.s32 $_scs_section_size  }
0x9c: {  	s7 =	simm.s32 $_size__tile_overlayer_lowered;
	s8 =	simm.s32 $_tile_overlayer_lowered  }
0x9d: {  	s22 =	simm.s32 $0x1BFF;
	s21 =	sshll.u32 s8, $0x1;
	s5 =	sadd.s32 s6, s19  }
0x9e: {  	s9 =	simm.s32 $0x0;
	s20 =	sshll.u32 s7, $0x1;
	s7 =	sadd.s32 s21, s5  }
0x9f: {  	[timem:s9], [sflag:s22] =	dma.local [hbm:s7], s20  }
0xa0: {  	_ =	swait.ge [sflag:s22], s20  }
0xa1: {  	s6 =	ssub.s32 $0x0, s20;
	[sflag:s22] =	ssyncset.done $0x0  }
0xa2: {  	[sflag:s22] =	ssyncadd.s32 s6;
	_ =	sdelay $0x1  }
0xa3: {  	s23 =	simm.s32 $0x1B8B  }
0xa4: {  	_ =	swait.ge [sflag:s23], $0x1  }
0xa5: {  	[sflag:s23] =	ssyncset.done $0x0  }
0xa6: {  	s25 =	simm.s32 $0x1B8E;
	s24 =	sld [smem:$0x3FFE];
	[sflag:s23] =	ssyncadd.s32 $0xFFFFFFFF  }
0xa7: {  	s26 =	simm.s32 $execute0_lowered;
	[smem:$0x3FD2] =	sst s25  }
0xa8: {  	s7 =	sshll.u32 s26, $0x1;
	_ =	strace $0x80000046;
	[dreg:$0x1] =	wrdreg $0xFFFFFFFF  }
0xa9: {  	s28 =	simm.s32 $_size_execute0_lowered;
	s5 =	sadd.s32 s5, s7;
	[dreg:$0x0] =	wrdreg $0x0  }
0xaa: {  	s7 =	sshll.u32 s28, $0x1;
	[dreg:$0x2] =	wrdreg s5  }
0xab: {  	[dreg:$0x3] =	wrdreg s7  }
0xac: {  	[dreg:$0x4] =	wrdreg $0xC0  }
0xad: {  	_ =	task [dreg:s9], $0x5FFFF  }
0xae: {  	[dreg:$0x1] =	wrdreg $0xFFFFFFFF  }
0xaf: {  	[dreg:$0x0] =	wrdreg $0x60  }
0xb0: {  	[dreg:$0x2] =	wrdreg s2  }
0xb1: {  	[dreg:$0x3] =	wrdreg s18  }
0xb2: {  	[dreg:$0x4] =	wrdreg s24  }
0xb3: {  	[dreg:$0x5] =	wrdreg s4  }
0xb4: {  	[dreg:$0x6] =	wrdreg $0x9  }
0xb5: {  	_ =	task.clear_ibuf [dreg:s9], $0x7FFFF;
	_ =	strace $0x90000046  }
0xb6: {  	s29 =	simm.s32 $0x9;
	_ =	strace $0x80000048  }
0xb7: {  	_ =	swait.ge [sflag:s29], $0x1  }
0xb8: {  	[sflag:s29] =	ssyncadd.s32 $0xFFFFFFFF  }
0xb9: {  	_ =	strace $0x90000048  }
0xba: {  	_ =	sfence  }
0xbb: {  	s30 =	sld [smem:$0x0];
	_ =	sdelay $0x2  }
0xbc: {  	s31 =	sshll.u32 s1, $0xD;
	s1 =	sshrl.u32 s1, $0x2  }
0xbd: {  	s3 =	sand.u32 $0x4000, s31;
	s1 =	sadd.s32 s1, s30  }
0xbe: {  	s0 =	sor.u32 s3, s0;
	s1 =	sshll.u32 s1, $0x11  }
0xbf: {  	s0 =	sor.u32 s1, s0  }
0xc0: {  	s0 =	sadd.s32 $0x8F2B, s0  }
0xc1: {  	[sflag:s0] =	ssyncadd.remote.s32 $0x1  }
0xc2: {  	_ =	sfence.sel $0xFFFF  }
0xc3: {  	[dreg:$0x0] =	wrdreg $0xFFFFFFFF;
	(pc) =	sbr.abs _section_cstart, $3  }
0xc4: {  	[dreg:$0x1] =	wrdreg $0xFFFFFFFF  }
0xc5: {  	_ =	task.clear_ibuf [dreg:s9], $0x2FFFF;
	_ =	strace $0x9FFFFFFF  }
0xc6: {  	(tm) =	ssettm $0x7FFFFFFF  }
0xc7: {  	_ =	shalt  }
tec
execute0_lowered:
.L_overlay_start_1:
0x0: {  	(tag) =	ssettag $0x1  }
0x1: {  	s5 =	rddreg [dreg:$0x0]  }
0x2: {  	s6 =	rddreg [dreg:$0x1]  }
0x3: {  	s4 =	rddreg [dreg:$0x2]  }
0x4: {  	s7 =	rddreg [dreg:$0x3]  }
0x5: {  	s0 =	rddreg [dreg:$0x4];
	s1 =	simm.s32 $0x0;
	s2 =	srdreg.scid  }
0x6: {  	s12 =	simm.s32 $0x800;
	s13 =	simm.s32 $0x600;
	s14 =	simm.s32 $0x8800  }
0x7: {  	s15 =	simm.s32 $0x480;
	s16 =	simm.s32 $0x4800;
	s17 =	simm.s32 $0x680  }
0x8: {  	s18 =	simm.s32 $0xC800;
	s19 =	simm.s32 $0x1;
	s20 =	simm.s32 $0x10800  }
0x9: {  	s21 =	simm.s32 $0x500;
	s22 =	simm.s32 $0x700;
	s23 =	simm.s32 $0x580  }
0xa: {  	s24 =	simm.s32 $0x780;
	s25 =	simm.s32 $0x0;
	[smem:$0x7FF] =	sst s1  }
0xb: {  	s8 =	sand.u32 $0x1, s2;
	s3 =	sadd.s32 $0x80600, s4;
	s2 =	stileid.u32  }
0xc: {  	s4 =	sadd.s32 $0x600, s4;
	_ =	strace $0x80000047;
	s9 =	ssub.s32 $0x2, s8  }
0xd: {  	s11 =	sshll.u32 s2, $0x7;
	s8 =	sshll.u32 s8, $0x6;
	s10 =	sshrl.u32 s9, $0x1  }
0xe: {  	s8 =	sor.u32 s8, s11;
	s11 =	simm.s32 $0x400;
	s9 =	ssub.s32 s9, s10  }
0xf: {  	s5 =	sadd.s32 s5, s8;
	s6 =	sadd.s32 s6, s8;
	s7 =	sadd.s32 s7, s8  }
0x10: {  	v0 =	vlaneseq.u32;
	s10 =	simm.s32 $0x80;
	s8 =	smax.u32 s9, $0x1;
	s9 =	simm.s32 $0x2  }
.LBB2_1:
0x11: {  	[tilespmem:s1], [sflag:$0x2] =	stream.linear.gather [hbm4b:s5+s1], $0x200, $0x38;
	[tilespmem:$0x10A00] =	vst v63  }
0x12: {  	_ =	swait.ge [sflag:s9], $0x200  }
0x13: {  	[sflag:s9] =	ssyncset.done $0x0  }
0x14: {  	s26 =	simm.s32 $0x200;
	[sflag:s9] =	ssyncadd.s32 $0xFFFFFE00  }
0x15: {  	[tilespmem:s26], [sflag:$0x2] =	stream.linear.gather [hbm4b:s6+s1], $0x200, $0x38;
	[tilespmem:$0x10A00] =	vst v63  }
0x16: {  	_ =	swait.ge [sflag:s9], $0x200  }
0x17: {  	[sflag:s9] =	ssyncset.done $0x0  }
0x18: {  	[sflag:s9] =	ssyncadd.s32 $0xFFFFFE00  }
0x19: {  	v1 =	vld [tilespmem:$0x0]  }
0x1a: {  	v2 =	vld [tilespmem:$0x200]  }
0x1b: {  	v4 =	vld [tilespmem:$0x210]  }
0x1c: {  	v6 =	vld [tilespmem:$0x20]  }
0x1d: {  	v10 =	vld [tilespmem:$0x230]  }
0x1e: {  	v11 =	vld [tilespmem:$0x40]  }
0x1f: {  	v25 =	vld [tilespmem:$0x240]  }
0x20: {  	v13 =	vld [tilespmem:$0x50]  }
0x21: {  	v14 =	vld [tilespmem:$0x250]  }
0x22: {  	v30 =	vld [tilespmem:$0x60]  }
0x23: {  	v16 =	vld [tilespmem:$0x260]  }
0x24: {  	v17 =	vld [tilespmem:$0x70]  }
0x25: {  	v35 =	vld [tilespmem:$0x270]  }
0x26: {  	v19 =	vld [tilespmem:$0x80]  }
0x27: {  	v20 =	vld [tilespmem:$0x280];
	v5 =	vshra.s32 v1, $0x2;
	v7 =	vshra.s32 v2, $0x2  }
0x28: {  	v40 =	vld [tilespmem:$0x90];
	v1 =	vand.u32 $0x3FFF, v1;
	v2 =	vand.u32 $0x3FFF, v2;
	v9 =	vshra.s32 v4, $0x2  }
0x29: {  	v22 =	vld [tilespmem:$0x290];
	v24 =	vshra.s32 v6, $0x2;
	v4 =	vand.u32 $0x3FFF, v4;
	v6 =	vand.u32 $0x3FFF, v6  }
0x2a: {  	v45 =	vld [tilespmem:$0x2A0];
	v27 =	vshra.s32 v10, $0x2;
	v10 =	vand.u32 $0x3FFF, v10;
	v29 =	vshra.s32 v11, $0x2  }
0x2b: {  	v51 =	vld [tilespmem:$0x2B0];
	v11 =	vand.u32 $0x3FFF, v11;
	v15 =	vshra.s32 v25, $0x2;
	v32 =	vshra.s32 v13, $0x2  }
0x2c: {  	v52 =	vld [tilespmem:$0xC0];
	v13 =	vand.u32 $0x3FFF, v13;
	v34 =	vshra.s32 v14, $0x2;
	v14 =	vand.u32 $0x3FFF, v14  }
0x2d: {  	v54 =	vld [tilespmem:$0x2C0];
	v18 =	vshra.s32 v30, $0x2;
	v37 =	vshra.s32 v16, $0x2;
	v16 =	vand.u32 $0x3FFF, v16  }
0x2e: {  	v39 =	vshra.s32 v17, $0x2;
	v17 =	vand.u32 $0x3FFF, v17;
	v21 =	vshra.s32 v35, $0x2  }
0x2f: {  	v42 =	vshra.s32 v19, $0x2;
	v19 =	vand.u32 $0x3FFF, v19;
	v44 =	vshra.s32 v20, $0x2  }
0x30: {  	v46 =	vand.u32 $0x3FFF, v20;
	v47 =	vshra.s32 v40, $0x2;
	v48 =	vshra.s32 v22, $0x2  }
0x31: {  	v60 =	vld [tilespmem:$0xE0];
	v50 =	vand.u32 $0x3FFF, v22;
	v53 =	vshra.s32 v45, $0x2;
	v58 =	vand.u32 $0x3FFF, v51  }
0x32: {  	v3 =	vld [tilespmem:$0x10];
	v59 =	vshra.s32 v52, $0x2;
	v62 =	vshra.s32 v54, $0x2;
	v63 =	vand.u32 $0x3FFF, v52  }
0x33: {  	v5 =	vand.u32 $0xFFFFC000, v5;
	v7 =	vand.u32 $0xFFFFC000, v7;
	v31 =	vand.u32 $0xFFFFC000, v15  }
0x34: {  	v15 =	vand.u32 $0xFFFFC000, v32;
	v36 =	vand.u32 $0xFFFFC000, v18;
	v18 =	vand.u32 $0xFFFFC000, v37  }
0x35: {  	v41 =	vand.u32 $0xFFFFC000, v21;
	v21 =	vand.u32 $0xFFFFC000, v42;
	v49 =	vand.u32 $0xFFFFC000, v48  }
0x36: {  	v61 =	vand.u32 $0xFFFFC000, v59;
	v32 =	vand.u32 $0x3FFF, v60;
	v1 =	vor.u32 v1, v5  }
0x37: {  	v2 =	vor.u32 v2, v7;
	v5 =	vshra.s32 v3, $0x2;
	v3 =	vand.u32 $0x3FFF, v3  }
0x38: {  	v8 =	vld [tilespmem:$0x220];
	v33 =	vor.u32 v13, v15;
	v13 =	vand.u32 $0xFFFFC000, v34;
	v38 =	vor.u32 v16, v18  }
0x39: {  	v56 =	vld [tilespmem:$0xD0];
	v16 =	vand.u32 $0xFFFFC000, v39;
	v15 =	vand.u32 $0x3FFF, v35;
	v43 =	vor.u32 v19, v21  }
0x3a: {  	v52 =	vld [tilespmem:$0x130];
	v5 =	vand.u32 $0xFFFFC000, v5;
	v13 =	vor.u32 v14, v13;
	v16 =	vor.u32 v17, v16;
	[tilespmem:$0x400] =	vst v1  }
0x3b: {  	v15 =	vor.u32 v15, v41;
	v1 =	vand.u32 $0xFFFFC000, v44;
	[tilespmem:$0x600] =	vst v2;
	v2 =	vand.u32 $0xFFFFC000, v47  }
0x3c: {  	v23 =	vld [tilespmem:$0xA0];
	v3 =	vor.u32 v3, v5;
	v5 =	vand.u32 $0xFFFFC000, v9;
	v9 =	vand.u32 $0xFFFFC000, v24  }
0x3d: {  	v57 =	vld [tilespmem:$0x2D0];
	v1 =	vor.u32 v46, v1;
	v4 =	vor.u32 v4, v5;
	v5 =	vor.u32 v6, v9  }
0x3e: {  	v7 =	vld [tilespmem:$0x30];
	v6 =	vshra.s32 v8, $0x2;
	v8 =	vand.u32 $0x3FFF, v8;
	v9 =	vand.u32 $0x3FFF, v25  }
0x3f: {  	v20 =	vld [tilespmem:$0x150];
	[tilespmem:$0x410] =	vst v3;
	v3 =	vand.u32 $0x3FFF, v40;
	v25 =	vshra.s32 v56, $0x2;
	v19 =	vshra.s32 v52, $0x2  }
0x40: {  	v39 =	vld [tilespmem:$0x110];
	[tilespmem:$0x450] =	vst v33;
	v21 =	vand.u32 $0x3FFF, v52;
	v6 =	vand.u32 $0xFFFFC000, v6;
	v9 =	vor.u32 v9, v31  }
0x41: {  	[tilespmem:$0x610] =	vst v4;
	v2 =	vor.u32 v3, v2;
	v3 =	vor.u32 v50, v49;
	v4 =	vshra.s32 v23, $0x2  }
0x42: {  	v33 =	vld [tilespmem:$0x100];
	[tilespmem:$0x420] =	vst v5;
	v5 =	vand.u32 $0x3FFF, v23;
	v23 =	vand.u32 $0x3FFF, v54;
	v31 =	vshra.s32 v60, $0x2  }
0x43: {  	v44 =	vld [tilespmem:$0x310];
	v12 =	vshra.s32 v7, $0x2;
	v6 =	vor.u32 v8, v6;
	v7 =	vand.u32 $0x3FFF, v7  }
0x44: {  	v4 =	vand.u32 $0xFFFFC000, v4;
	[tilespmem:$0x640] =	vst v9;
	v9 =	vor.u32 v63, v61;
	v8 =	vand.u32 $0x3FFF, v57  }
0x45: {  	v24 =	vld [tilespmem:$0xB0];
	v14 =	vand.u32 $0xFFFFC000, v31;
	v50 =	vshra.s32 v39, $0x2;
	v31 =	vshra.s32 v20, $0x2  }
0x46: {  	[tilespmem:$0x660] =	vst v38;
	v46 =	vld [tilespmem:$0x120];
	v26 =	vand.u32 $0xFFFFC000, v12;
	v12 =	vand.u32 $0xFFFFC000, v27;
	v4 =	vor.u32 v5, v4  }
0x47: {  	[tilespmem:$0x480] =	vst v43;
	v5 =	vand.u32 $0xFFFFC000, v53;
	v27 =	vand.u32 $0x3FFF, v56;
	v34 =	vor.u32 v32, v14  }
0x48: {  	[tilespmem:$0x650] =	vst v13;
	v47 =	vand.u32 $0x3FFF, v33;
	v13 =	vand.u32 $0xFFFFC000, v50;
	v54 =	vand.u32 $0x3FFF, v44  }
0x49: {  	[tilespmem:$0x470] =	vst v16;
	v7 =	vor.u32 v7, v26;
	v28 =	vor.u32 v10, v12;
	v10 =	vand.u32 $0xFFFFC000, v29  }
0x4a: {  	v52 =	vld [tilespmem:$0x1B0];
	[tilespmem:$0x620] =	vst v6;
	v12 =	vand.u32 $0x3FFF, v30;
	v6 =	vshra.s32 v24, $0x2;
	v55 =	vand.u32 $0x3FFF, v24  }
0x4b: {  	[tilespmem:$0x670] =	vst v15;
	v49 =	vld [tilespmem:$0x320];
	v59 =	vand.u32 $0x3FFF, v46;
	v10 =	vor.u32 v11, v10;
	v12 =	vor.u32 v12, v36  }
0x4c: {  	v61 =	vld [tilespmem:$0x340];
	[tilespmem:$0x430] =	vst v7;
	v7 =	vand.u32 $0x3FFF, v45;
	v6 =	vand.u32 $0xFFFFC000, v6;
	v11 =	vand.u32 $0xFFFFC000, v25  }
0x4d: {  	v53 =	vld [tilespmem:$0x330];
	[tilespmem:$0x630] =	vst v28;
	v28 =	vshra.s32 v57, $0x2;
	v45 =	vshra.s32 v33, $0x2;
	v5 =	vor.u32 v7, v5  }
0x4e: {  	v56 =	vld [tilespmem:$0x140];
	v6 =	vor.u32 v55, v6;
	v7 =	vshra.s32 v51, $0x2;
	[tilespmem:$0x440] =	vst v10;
	v10 =	vand.u32 $0xFFFFC000, v62  }
0x4f: {  	v24 =	vld [tilespmem:$0x2E0];
	[tilespmem:$0x4A0] =	vst v4;
	v11 =	vor.u32 v27, v11;
	v30 =	vand.u32 $0xFFFFC000, v28;
	v4 =	vand.u32 $0xFFFFC000, v45  }
0x50: {  	[tilespmem:$0x680] =	vst v1;
	v26 =	vld [tilespmem:$0xF0];
	v51 =	vand.u32 $0x3FFF, v39;
	v55 =	vshra.s32 v46, $0x2;
	v60 =	vand.u32 $0x3FFF, v49  }
0x51: {  	[tilespmem:$0x490] =	vst v2;
	v29 =	vld [tilespmem:$0x2F0];
	v7 =	vand.u32 $0xFFFFC000, v7;
	v10 =	vor.u32 v23, v10;
	v8 =	vor.u32 v8, v30  }
0x52: {  	[tilespmem:$0x690] =	vst v3;
	v4 =	vor.u32 v47, v4;
	v57 =	vand.u32 $0xFFFFC000, v55;
	v28 =	vshra.s32 v61, $0x2  }
0x53: {  	[tilespmem:$0x4C0] =	vst v9;
	v30 =	vand.u32 $0x3FFF, v61;
	v7 =	vor.u32 v58, v7;
	v58 =	vshra.s32 v49, $0x2  }
0x54: {  	[tilespmem:$0x4E0] =	vst v34;
	v62 =	vor.u32 v59, v57;
	v22 =	vshra.s32 v53, $0x2;
	v25 =	vshra.s32 v56, $0x2  }
0x55: {  	v36 =	vld [tilespmem:$0x300];
	[tilespmem:$0x500] =	vst v4;
	v4 =	vand.u32 $0xFFFFC000, v28;
	v57 =	vshra.s32 v52, $0x2;
	v35 =	vshra.s32 v24, $0x2  }
0x56: {  	[tilespmem:$0x460] =	vst v12;
	v37 =	vand.u32 $0x3FFF, v24;
	v38 =	vshra.s32 v26, $0x2;
	v41 =	vshra.s32 v29, $0x2  }
0x57: {  	v32 =	vld [tilespmem:$0x170];
	v2 =	vand.u32 $0x3FFF, v26;
	v43 =	vand.u32 $0x3FFF, v29;
	[tilespmem:$0x6B0] =	vst v7;
	v7 =	vshra.s32 v44, $0x2  }
0x58: {  	[tilespmem:$0x6C0] =	vst v10;
	v10 =	vand.u32 $0xFFFFC000, v58;
	v24 =	vand.u32 $0xFFFFC000, v22;
	v12 =	vand.u32 $0xFFFFC000, v25  }
0x59: {  	v27 =	vld [tilespmem:$0x160];
	[tilespmem:$0x6A0] =	vst v5;
	v26 =	vand.u32 $0x3FFF, v56;
	v4 =	vor.u32 v30, v4;
	v14 =	vand.u32 $0xFFFFC000, v35  }
0x5a: {  	v39 =	vld [tilespmem:$0x380];
	[tilespmem:$0x4B0] =	vst v6;
	v40 =	vand.u32 $0xFFFFC000, v38;
	v42 =	vand.u32 $0xFFFFC000, v41;
	v48 =	vshra.s32 v36, $0x2  }
0x5b: {  	[tilespmem:$0x6D0] =	vst v8;
	v6 =	vand.u32 $0x3FFF, v36;
	v7 =	vand.u32 $0xFFFFC000, v7;
	v63 =	vor.u32 v60, v10  }
0x5c: {  	v23 =	vld [tilespmem:$0x350];
	[tilespmem:$0x520] =	vst v62;
	v10 =	vand.u32 $0xFFFFC000, v19;
	v41 =	vshra.s32 v32, $0x2;
	v1 =	vor.u32 v37, v14  }
0x5d: {  	[tilespmem:$0x740] =	vst v4;
	v2 =	vor.u32 v2, v40;
	v3 =	vor.u32 v43, v42;
	v5 =	vand.u32 $0xFFFFC000, v48  }
0x5e: {  	v45 =	vld [tilespmem:$0x390];
	v7 =	vor.u32 v54, v7;
	v37 =	vand.u32 $0x3FFF, v27;
	v9 =	vand.u32 $0xFFFFC000, v41;
	[tilespmem:$0x6E0] =	vst v1  }
0x5f: {  	v42 =	vand.u32 $0x3FFF, v32;
	v49 =	vshra.s32 v39, $0x2;
	v50 =	vand.u32 $0x3FFF, v39;
	[tilespmem:$0x4F0] =	vst v2  }
0x60: {  	v29 =	vld [tilespmem:$0x360];
	v5 =	vor.u32 v6, v5;
	v6 =	vor.u32 v51, v13;
	v1 =	vor.u32 v21, v10;
	[tilespmem:$0x6F0] =	vst v3  }
0x61: {  	v2 =	vand.u32 $0x3FFF, v53;
	v3 =	vor.u32 v26, v12;
	v33 =	vshra.s32 v23, $0x2;
	[tilespmem:$0x710] =	vst v7  }
0x62: {  	v35 =	vld [tilespmem:$0x370];
	v34 =	vand.u32 $0x3FFF, v23;
	v7 =	vshra.s32 v27, $0x2;
	v8 =	vand.u32 $0xFFFFC000, v49;
	[tilespmem:$0x700] =	vst v5  }
0x63: {  	v36 =	vld [tilespmem:$0x180];
	v53 =	vshra.s32 v45, $0x2;
	v2 =	vor.u32 v2, v24;
	v5 =	vand.u32 $0xFFFFC000, v31;
	[tilespmem:$0x510] =	vst v6  }
0x64: {  	v43 =	vld [tilespmem:$0x190];
	v6 =	vand.u32 $0x3FFF, v20;
	v10 =	vand.u32 $0xFFFFC000, v33;
	v7 =	vand.u32 $0xFFFFC000, v7;
	[tilespmem:$0x530] =	vst v1  }
0x65: {  	v48 =	vld [tilespmem:$0x1A0];
	[tilespmem:$0x540] =	vst v3;
	v5 =	vor.u32 v6, v5;
	v6 =	vor.u32 v34, v10;
	v38 =	vshra.s32 v29, $0x2  }
0x66: {  	v54 =	vld [tilespmem:$0x3B0];
	v7 =	vor.u32 v37, v7;
	v1 =	vand.u32 $0x3FFF, v29;
	[tilespmem:$0x730] =	vst v2;
	v2 =	vor.u32 v42, v9  }
0x67: {  	v40 =	vand.u32 $0xFFFFC000, v38;
	v44 =	vshra.s32 v35, $0x2;
	v46 =	vand.u32 $0x3FFF, v35;
	[tilespmem:$0x550] =	vst v5  }
0x68: {  	v47 =	vshra.s32 v36, $0x2;
	v5 =	vand.u32 $0x3FFF, v36;
	[tilespmem:$0x570] =	vst v2;
	v2 =	vand.u32 $0x3FFF, v45  }
0x69: {  	v51 =	vld [tilespmem:$0x3A0];
	[tilespmem:$0x750] =	vst v6;
	v1 =	vor.u32 v1, v40;
	v3 =	vand.u32 $0xFFFFC000, v44;
	v4 =	vand.u32 $0xFFFFC000, v47  }
0x6a: {  	[tilespmem:$0x560] =	vst v7;
	v6 =	vshra.s32 v43, $0x2;
	v7 =	vand.u32 $0x3FFF, v43;
	v55 =	vand.u32 $0x3FFF, v48  }
0x6b: {  	[tilespmem:$0x720] =	vst v63;
	v59 =	vand.u32 $0x3FFF, v54;
	v3 =	vor.u32 v46, v3;
	v6 =	vand.u32 $0xFFFFC000, v6  }
0x6c: {  	v56 =	vld [tilespmem:$0x1C0];
	v4 =	vor.u32 v5, v4;
	v5 =	vor.u32 v50, v8;
	[tilespmem:$0x760] =	vst v1;
	v1 =	vor.u32 v7, v6  }
0x6d: {  	v6 =	vand.u32 $0xFFFFC000, v53;
	v7 =	vshra.s32 v48, $0x2;
	[tilespmem:$0x780] =	vst v5;
	v5 =	vand.u32 $0xFFFFC000, v57  }
0x6e: {  	v58 =	vld [tilespmem:$0x1D0];
	[tilespmem:$0x770] =	vst v3;
	v7 =	vand.u32 $0xFFFFC000, v7;
	v2 =	vor.u32 v2, v6;
	v6 =	vshra.s32 v51, $0x2  }
0x6f: {  	[tilespmem:$0x580] =	vst v4;
	v3 =	vor.u32 v55, v7;
	v7 =	vld [tilespmem:$0x3C0];
	v4 =	vand.u32 $0xFFFFC000, v6;
	v6 =	vand.u32 $0x3FFF, v51  }
0x70: {  	[tilespmem:$0x590] =	vst v1;
	v1 =	vand.u32 $0x3FFF, v52;
	v4 =	vor.u32 v6, v4;
	v6 =	vshra.s32 v54, $0x2  }
0x71: {  	v60 =	vld [tilespmem:$0x3D0];
	[tilespmem:$0x790] =	vst v2;
	v1 =	vor.u32 v1, v5;
	v5 =	vshra.s32 v56, $0x2;
	v6 =	vand.u32 $0xFFFFC000, v6  }
0x72: {  	[tilespmem:$0x5A0] =	vst v3;
	v3 =	vand.u32 $0xFFFFC000, v5;
	v5 =	vand.u32 $0x3FFF, v56;
	v2 =	vor.u32 v59, v6;
	v6 =	vld [tilespmem:$0x1E0]  }
0x73: {  	v62 =	vld [tilespmem:$0x3E0];
	[tilespmem:$0x5B0] =	vst v1;
	v3 =	vor.u32 v5, v3;
	v5 =	vshra.s32 v58, $0x2  }
0x74: {  	[tilespmem:$0x7A0] =	vst v4;
	v5 =	vand.u32 $0xFFFFC000, v5;
	v61 =	vshra.s32 v7, $0x2  }
0x75: {  	v63 =	vld [tilespmem:$0x1F0];
	[tilespmem:$0x5C0] =	vst v3;
	v1 =	vand.u32 $0x3FFF, v7;
	v7 =	vand.u32 $0x3FFF, v58;
	v4 =	vand.u32 $0xFFFFC000, v61  }
0x76: {  	[tilespmem:$0x7B0] =	vst v2;
	v2 =	vor.u32 v7, v5;
	v5 =	vld [tilespmem:$0x3F0];
	v1 =	vor.u32 v1, v4;
	v4 =	vshra.s32 v60, $0x2  }
0x77: {  	[tilespmem:$0x5D0] =	vst v2;
	v3 =	vand.u32 $0xFFFFC000, v4;
	v4 =	vand.u32 $0x3FFF, v60;
	v7 =	vshra.s32 v6, $0x2  }
0x78: {  	[tilespmem:$0x7C0] =	vst v1;
	v2 =	vand.u32 $0x3FFF, v6;
	v1 =	vor.u32 v4, v3;
	v4 =	vshra.s32 v62, $0x2  }
0x79: {  	[tilespmem:$0x4D0] =	vst v11;
	v6 =	vand.u32 $0x3FFF, v62;
	v3 =	vand.u32 $0xFFFFC000, v7;
	v4 =	vand.u32 $0xFFFFC000, v4  }
0x7a: {  	[tilespmem:$0x7D0] =	vst v1;
	v1 =	vor.u32 v2, v3;
	v3 =	vshra.s32 v63, $0x2;
	v2 =	vor.u32 v6, v4  }
0x7b: {  	[tilespmem:$0x5E0] =	vst v1;
	v1 =	vand.u32 $0xFFFFC000, v3;
	v3 =	vand.u32 $0x3FFF, v63;
	v4 =	vshra.s32 v5, $0x2  }
0x7c: {  	[tilespmem:$0x7E0] =	vst v2;
	v1 =	vor.u32 v3, v1;
	v2 =	vand.u32 $0xFFFFC000, v4;
	v3 =	vand.u32 $0x3FFF, v5  }
0x7d: {  	[tilespmem:$0x5F0] =	vst v1;
	v1 =	vor.u32 v3, v2  }
0x7e: {  	[tilespmem:$0x7F0] =	vst v1  }
0x7f: {  	[tilespmem:s12], [sflag:$0x1] =	stream.indirect.gather [hbm4b:s3+s10], $0x80, s11, s10, $0xb8;
	[tilespmem:$0x10A00] =	vst v63  }
0x80: {  	_ = 	snop  }
0x81: {  	[tilespmem:s14], [sflag:$0x1] =	stream.indirect.gather [hbm4b:s4+s10], $0x80, s13, s10, $0xb8;
	[tilespmem:$0x10A00] =	vst v63  }
0x82: {  	_ = 	snop  }
0x83: {  	[tilespmem:s16], [sflag:$0x1] =	stream.indirect.gather [hbm4b:s3+s10], $0x80, s15, s10, $0xb8;
	[tilespmem:$0x10A00] =	vst v63  }
0x84: {  	_ = 	snop  }
0x85: {  	[tilespmem:s18], [sflag:$0x1] =	stream.indirect.gather [hbm4b:s4+s10], $0x80, s17, s10, $0xb8;
	[tilespmem:$0x10A00] =	vst v63  }
0x86: {  	_ =	swait.ge [sflag:s19], $0x4000  }
0x87: {  	[sflag:s19] =	ssyncset.done $0x0  }
0x88: {  	[sflag:s19] =	ssyncadd.s32 $0xFFFFC000  }
0x89: {  	_ =	swait.ge [sflag:s19], $0x4000  }
0x8a: {  	[sflag:s19] =	ssyncset.done $0x0  }
0x8b: {  	[sflag:s19] =	ssyncadd.s32 $0xFFFFC000  }
0x8c: {  	_ =	swait.ge [sflag:s19], $0x4000  }
0x8d: {  	[sflag:s19] =	ssyncset.done $0x0  }
0x8e: {  	[sflag:s19] =	ssyncadd.s32 $0xFFFFC000  }
0x8f: {  	_ =	swait.ge [sflag:s19], $0x4000  }
0x90: {  	[sflag:s19] =	ssyncset.done $0x0  }
0x91: {  	[sflag:s19] =	ssyncadd.s32 $0xFFFFC000  }
0x92: {  	v4 =	vld [tilespmem:s1+$0x0]  }
0x93: {  	s28 =	simm.s32 $0x10;
	s29 =	simm.s32 $0x0;
	s30 =	simm.s32 $0x0;
	v3 =	vld [tilespmem:s26+$0x0]  }
.LBB2_2:
0x94: {  	p0 =	sne.s32 s28, $0xF0;
	_ =	sdelay $0x2  }
0x95: {  	v1 =	vor.u32 s29, v0;
	s29 =	smov.u32 s28;
	v2 =	vshrl.u32 v4, $0x9  }
0x96: {  	v4 =	vshll.u32 v1, $0x7;
	v2 =	vand.u32 $0x60, v2;
	v3 =	vshrl.u32 v3, $0x9  }
0x97: {  	v5 =	vand.u32 $0x60, v3;
	v3 =	vor.u32 v4, v2  }
0x98: {  	v2 =	vor.u32 v4, v5  }
0x99: {  	v4 =	vor.u32 $0x1, v3  }
0x9a: {  	v5 =	vor.u32 $0x1, v2  }
0x9b: {  	v6 =	vor.u32 $0x2, v3  }
0x9c: {  	v8 =	vor.u32 $0x2, v2;
	v7 =	vld.idx.msk [tilespmem:v3+s12+$0x0], $0xffff  }
0x9d: {  	v10 =	vor.u32 $0x3, v3;
	v9 =	vld.idx.msk [tilespmem:v2+s14+$0x0], $0xffff  }
0x9e: {  	v11 =	vor.u32 $0x3, v2;
	v4 =	vld.idx.msk [tilespmem:v4+s12+$0x0], $0xffff  }
0x9f: {  	v12 =	vor.u32 $0x4, v3;
	v5 =	vld.idx.msk [tilespmem:v5+s14+$0x0], $0xffff  }
0xa0: {  	v13 =	vor.u32 $0x4, v2;
	v6 =	vld.idx.msk [tilespmem:v6+s12+$0x0], $0xffff  }
0xa1: {  	v14 =	vor.u32 $0x5, v3;
	v8 =	vld.idx.msk [tilespmem:v8+s14+$0x0], $0xffff  }
0xa2: {  	v15 =	vor.u32 $0x5, v2;
	v10 =	vld.idx.msk [tilespmem:v10+s12+$0x0], $0xffff  }
0xa3: {  	v7 =	vmul.f32 v9, v7;
	v9 =	vld.idx.msk [tilespmem:v11+s14+$0x0], $0xffff;
	v11 =	vor.u32 $0x6, v3  }
0xa4: {  	v16 =	vor.u32 $0x6, v2;
	v12 =	vld.idx.msk [tilespmem:v12+s12+$0x0], $0xffff  }
0xa5: {  	v7 =	vadd.f32 $0.0e+00, v7;
	v4 =	vmul.f32 v5, v4;
	v5 =	vld.idx.msk [tilespmem:v13+s14+$0x0], $0xffff;
	v13 =	vor.u32 $0x7, v3  }
0xa6: {  	v17 =	vor.u32 $0x7, v2;
	v14 =	vld.idx.msk [tilespmem:v14+s12+$0x0], $0xffff  }
0xa7: {  	v4 =	vadd.f32 v4, v7;
	v6 =	vmul.f32 v8, v6;
	v8 =	vor.u32 $0x8, v3;
	v7 =	vld.idx.msk [tilespmem:v15+s14+$0x0], $0xffff  }
0xa8: {  	v15 =	vor.u32 $0x8, v2;
	v11 =	vld.idx.msk [tilespmem:v11+s12+$0x0], $0xffff  }
0xa9: {  	v4 =	vadd.f32 v6, v4;
	v6 =	vmul.f32 v9, v10;
	v10 =	vor.u32 $0x9, v3;
	v9 =	vld.idx.msk [tilespmem:v16+s14+$0x0], $0xffff  }
0xaa: {  	v16 =	vor.u32 $0x9, v2;
	v13 =	vld.idx.msk [tilespmem:v13+s12+$0x0], $0xffff  }
0xab: {  	v4 =	vadd.f32 v6, v4;
	v5 =	vmul.f32 v5, v12;
	v12 =	vor.u32 $0xA, v3;
	v6 =	vld.idx.msk [tilespmem:v17+s14+$0x0], $0xffff  }
0xac: {  	v17 =	vor.u32 $0xA, v2;
	v8 =	vld.idx.msk [tilespmem:v8+s12+$0x0], $0xffff  }
0xad: {  	v4 =	vadd.f32 v5, v4;
	v5 =	vmul.f32 v7, v14;
	v14 =	vor.u32 $0xB, v3;
	v7 =	vld.idx.msk [tilespmem:v15+s14+$0x0], $0xffff  }
0xae: {  	v15 =	vor.u32 $0xB, v2;
	v10 =	vld.idx.msk [tilespmem:v10+s12+$0x0], $0xffff  }
0xaf: {  	v4 =	vadd.f32 v5, v4;
	v5 =	vmul.f32 v9, v11;
	v11 =	vor.u32 $0xC, v3;
	v9 =	vld.idx.msk [tilespmem:v16+s14+$0x0], $0xffff  }
0xb0: {  	v16 =	vor.u32 $0xC, v2;
	v12 =	vld.idx.msk [tilespmem:v12+s12+$0x0], $0xffff  }
0xb1: {  	v4 =	vadd.f32 v5, v4;
	v5 =	vmul.f32 v6, v13;
	v13 =	vor.u32 $0xD, v3;
	v6 =	vld.idx.msk [tilespmem:v17+s14+$0x0], $0xffff  }
0xb2: {  	v17 =	vor.u32 $0xD, v2;
	v14 =	vld.idx.msk [tilespmem:v14+s12+$0x0], $0xffff  }
0xb3: {  	v4 =	vadd.f32 v5, v4;
	v5 =	vmul.f32 v7, v8;
	v8 =	vor.u32 $0xE, v3;
	v7 =	vld.idx.msk [tilespmem:v15+s14+$0x0], $0xffff  }
0xb4: {  	v15 =	vor.u32 $0xE, v2;
	v11 =	vld.idx.msk [tilespmem:v11+s12+$0x0], $0xffff  }
0xb5: {  	v4 =	vadd.f32 v5, v4;
	v5 =	vmul.f32 v9, v10;
	v10 =	vor.u32 $0xF, v3;
	v9 =	vld.idx.msk [tilespmem:v16+s14+$0x0], $0xffff  }
0xb6: {  	v16 =	vor.u32 $0xF, v2;
	v13 =	vld.idx.msk [tilespmem:v13+s12+$0x0], $0xffff  }
0xb7: {  	v4 =	vadd.f32 v5, v4;
	v5 =	vmul.f32 v6, v12;
	v12 =	vor.u32 $0x10, v3;
	v6 =	vld.idx.msk [tilespmem:v17+s14+$0x0], $0xffff  }
0xb8: {  	v17 =	vor.u32 $0x10, v2;
	v8 =	vld.idx.msk [tilespmem:v8+s12+$0x0], $0xffff  }
0xb9: {  	v4 =	vadd.f32 v5, v4;
	v5 =	vmul.f32 v7, v14;
	v14 =	vor.u32 $0x11, v3;
	v7 =	vld.idx.msk [tilespmem:v15+s14+$0x0], $0xffff  }
0xba: {  	v15 =	vor.u32 $0x11, v2;
	v10 =	vld.idx.msk [tilespmem:v10+s12+$0x0], $0xffff  }
0xbb: {  	v4 =	vadd.f32 v5, v4;
	v5 =	vmul.f32 v9, v11;
	v11 =	vor.u32 $0x12, v3;
	v9 =	vld.idx.msk [tilespmem:v16+s14+$0x0], $0xffff  }
0xbc: {  	v16 =	vor.u32 $0x12, v2;
	v12 =	vld.idx.msk [tilespmem:v12+s12+$0x0], $0xffff  }
0xbd: {  	v4 =	vadd.f32 v5, v4;
	v5 =	vmul.f32 v6, v13;
	v13 =	vor.u32 $0x13, v3;
	v6 =	vld.idx.msk [tilespmem:v17+s14+$0x0], $0xffff  }
0xbe: {  	v17 =	vor.u32 $0x13, v2;
	v14 =	vld.idx.msk [tilespmem:v14+s12+$0x0], $0xffff  }
0xbf: {  	v4 =	vadd.f32 v5, v4;
	v5 =	vmul.f32 v7, v8;
	v8 =	vor.u32 $0x14, v3;
	v7 =	vld.idx.msk [tilespmem:v15+s14+$0x0], $0xffff  }
0xc0: {  	v15 =	vor.u32 $0x14, v2;
	v11 =	vld.idx.msk [tilespmem:v11+s12+$0x0], $0xffff  }
0xc1: {  	v4 =	vadd.f32 v5, v4;
	v5 =	vmul.f32 v9, v10;
	v10 =	vor.u32 $0x15, v3;
	v9 =	vld.idx.msk [tilespmem:v16+s14+$0x0], $0xffff  }
0xc2: {  	v16 =	vor.u32 $0x15, v2;
	v13 =	vld.idx.msk [tilespmem:v13+s12+$0x0], $0xffff  }
0xc3: {  	v4 =	vadd.f32 v5, v4;
	v5 =	vmul.f32 v6, v12;
	v12 =	vor.u32 $0x16, v3;
	v6 =	vld.idx.msk [tilespmem:v17+s14+$0x0], $0xffff  }
0xc4: {  	v17 =	vor.u32 $0x16, v2;
	v8 =	vld.idx.msk [tilespmem:v8+s12+$0x0], $0xffff  }
0xc5: {  	v4 =	vadd.f32 v5, v4;
	v5 =	vmul.f32 v7, v14;
	v14 =	vor.u32 $0x17, v3;
	v7 =	vld.idx.msk [tilespmem:v15+s14+$0x0], $0xffff  }
0xc6: {  	v15 =	vor.u32 $0x17, v2;
	v10 =	vld.idx.msk [tilespmem:v10+s12+$0x0], $0xffff  }
0xc7: {  	v4 =	vadd.f32 v5, v4;
	v5 =	vmul.f32 v9, v11;
	v11 =	vor.u32 $0x18, v3;
	v9 =	vld.idx.msk [tilespmem:v16+s14+$0x0], $0xffff  }
0xc8: {  	v16 =	vor.u32 $0x18, v2;
	v12 =	vld.idx.msk [tilespmem:v12+s12+$0x0], $0xffff  }
0xc9: {  	v4 =	vadd.f32 v5, v4;
	v5 =	vmul.f32 v6, v13;
	v13 =	vor.u32 $0x19, v3;
	v6 =	vld.idx.msk [tilespmem:v17+s14+$0x0], $0xffff  }
0xca: {  	v17 =	vor.u32 $0x19, v2;
	v14 =	vld.idx.msk [tilespmem:v14+s12+$0x0], $0xffff  }
0xcb: {  	v4 =	vadd.f32 v5, v4;
	v5 =	vmul.f32 v7, v8;
	v8 =	vor.u32 $0x1A, v3;
	v7 =	vld.idx.msk [tilespmem:v15+s14+$0x0], $0xffff  }
0xcc: {  	v15 =	vor.u32 $0x1A, v2;
	v11 =	vld.idx.msk [tilespmem:v11+s12+$0x0], $0xffff  }
0xcd: {  	v4 =	vadd.f32 v5, v4;
	v5 =	vmul.f32 v9, v10;
	v10 =	vor.u32 $0x1B, v3;
	v9 =	vld.idx.msk [tilespmem:v16+s14+$0x0], $0xffff  }
0xce: {  	v16 =	vor.u32 $0x1B, v2;
	v13 =	vld.idx.msk [tilespmem:v13+s12+$0x0], $0xffff  }
0xcf: {  	v4 =	vadd.f32 v5, v4;
	v5 =	vmul.f32 v6, v12;
	v12 =	vor.u32 $0x1C, v3;
	v6 =	vld.idx.msk [tilespmem:v17+s14+$0x0], $0xffff  }
0xd0: {  	v17 =	vor.u32 $0x1C, v2;
	v8 =	vld.idx.msk [tilespmem:v8+s12+$0x0], $0xffff  }
0xd1: {  	v4 =	vadd.f32 v5, v4;
	v5 =	vmul.f32 v7, v14;
	v14 =	vor.u32 $0x1D, v3;
	v7 =	vld.idx.msk [tilespmem:v15+s14+$0x0], $0xffff  }
0xd2: {  	v15 =	vor.u32 $0x1D, v2;
	v10 =	vld.idx.msk [tilespmem:v10+s12+$0x0], $0xffff  }
0xd3: {  	v4 =	vadd.f32 v5, v4;
	v5 =	vmul.f32 v9, v11;
	v11 =	vor.u32 $0x1E, v3;
	v9 =	vld.idx.msk [tilespmem:v16+s14+$0x0], $0xffff  }
0xd4: {  	v16 =	vor.u32 $0x1E, v2;
	v12 =	vld.idx.msk [tilespmem:v12+s12+$0x0], $0xffff  }
0xd5: {  	v3 =	vor.u32 $0x1F, v3;
	v4 =	vadd.f32 v5, v4;
	v5 =	vmul.f32 v6, v13;
	v6 =	vld.idx.msk [tilespmem:v17+s14+$0x0], $0xffff  }
0xd6: {  	v2 =	vor.u32 $0x1F, v2;
	v13 =	vld.idx.msk [tilespmem:v14+s12+$0x0], $0xffff  }
0xd7: {  	v4 =	vadd.f32 v5, v4;
	v5 =	vmul.f32 v7, v8;
	v7 =	vld.idx.msk [tilespmem:v15+s14+$0x0], $0xffff  }
0xd8: {  	v8 =	vld.idx.msk [tilespmem:v11+s12+$0x0], $0xffff  }
0xd9: {  	v4 =	vadd.f32 v5, v4;
	v5 =	vmul.f32 v9, v10;
	v9 =	vld.idx.msk [tilespmem:v16+s14+$0x0], $0xffff  }
0xda: {  	v3 =	vld.idx.msk [tilespmem:v3+s12+$0x0], $0xffff  }
0xdb: {  	v4 =	vadd.f32 v5, v4;
	v5 =	vmul.f32 v6, v12;
	v2 =	vld.idx.msk [tilespmem:v2+s14+$0x0], $0xffff;
	_ =	sdelay $0x1  }
0xdc: {  	v4 =	vadd.f32 v5, v4;
	v5 =	vmul.f32 v7, v13;
	_ =	sdelay $0x1  }
0xdd: {  	v4 =	vadd.f32 v5, v4;
	v5 =	vmul.f32 v9, v8;
	_ =	sdelay $0x1  }
0xde: {  	v4 =	vadd.f32 v5, v4;
	v2 =	vmul.f32 v2, v3;
	_ =	sdelay $0x1  }
0xdf: {  	v2 =	vadd.f32 v2, v4;
	_ =	sdelay $0x1  }
0xe0: {  	v2 =	vsub.f32 $0.0e+00, v2;
	_ =	sdelay $0x1  }
0xe1: {  	v2 =	vmul.f32 $1.442695020e+00, v2;
	_ =	sdelay $0x1  }
0xe2: {  	(erf) = vpow2.f32 v2;
	_ =	sdelay $0x8  }
0xe3: {  	v2 =	vpop (erf)  }
0xe4: {  	v2 =	vadd.f32 $1.000000000e+00, v2;
	_ =	sdelay $0x1  }
0xe5: {  	(erf) = vrcp.f32 v2;
	_ =	sdelay $0x3  }
0xe6: {  	v2 =	vor.u32 $0xFFFFFFF8, v0  }
0xe7: {  	v1 =	vand.u32 v2, v1;
	_ =	sdelay $0x2  }
.Ltmp0:
0xe8: {  	(pc) =	sbr.rel @p0 .LBB2_2-.Ltmp0, $4  }
0xe9: {  	v3 =	vpop (erf)  }
0xea: {  	s30 =	sadd.s32 $0x10, s30;
	[tilespmem:v1+s20+$0x0] =	vst.idx.msk $0xffff, v3  }
0xeb: {  	s26 =	sadd.s32 $0x10, s26;
	v4 =	vld [tilespmem:s30+$0x0]  }
0xec: {  	s28 =	sadd.s32 $0x10, s28;
	v3 =	vld [tilespmem:s26+$0x0]  }
0xed: {  	_ =	sdelay $0x2  }
0xee: {  	v1 =	vor.u32 s29, v0;
	v4 =	vshrl.u32 v4, $0x9  }
0xef: {  	v5 =	vshll.u32 v1, $0x7;
	v4 =	vand.u32 $0x60, v4;
	v3 =	vshrl.u32 v3, $0x9  }
0xf0: {  	v3 =	vand.u32 $0x60, v3;
	v4 =	vor.u32 v5, v4  }
0xf1: {  	v3 =	vor.u32 v5, v3  }
0xf2: {  	v5 =	vor.u32 $0x1, v4  }
0xf3: {  	v6 =	vor.u32 $0x1, v3  }
0xf4: {  	v7 =	vor.u32 $0x2, v4  }
0xf5: {  	v9 =	vor.u32 $0x2, v3;
	v8 =	vld.idx.msk [tilespmem:v4+s12+$0x0], $0xffff  }
0xf6: {  	v11 =	vor.u32 $0x3, v4;
	v10 =	vld.idx.msk [tilespmem:v3+s14+$0x0], $0xffff  }
0xf7: {  	v12 =	vor.u32 $0x3, v3;
	v5 =	vld.idx.msk [tilespmem:v5+s12+$0x0], $0xffff  }
0xf8: {  	v13 =	vor.u32 $0x4, v4;
	v6 =	vld.idx.msk [tilespmem:v6+s14+$0x0], $0xffff  }
0xf9: {  	v14 =	vor.u32 $0x4, v3;
	v7 =	vld.idx.msk [tilespmem:v7+s12+$0x0], $0xffff  }
0xfa: {  	v15 =	vor.u32 $0x5, v4;
	v9 =	vld.idx.msk [tilespmem:v9+s14+$0x0], $0xffff  }
0xfb: {  	v16 =	vor.u32 $0x5, v3;
	v11 =	vld.idx.msk [tilespmem:v11+s12+$0x0], $0xffff;
	v8 =	vmul.f32 v10, v8  }
0xfc: {  	v47 =	vor.u32 $0x6, v4;
	v46 =	vld.idx.msk [tilespmem:v12+s14+$0x0], $0xffff  }
0xfd: {  	v17 =	vor.u32 $0x6, v3;
	v13 =	vld.idx.msk [tilespmem:v13+s12+$0x0], $0xffff;
	v5 =	vmul.f32 v6, v5;
	v8 =	vadd.f32 $0.0e+00, v8  }
0xfe: {  	v49 =	vor.u32 $0x7, v4;
	v48 =	vld.idx.msk [tilespmem:v14+s14+$0x0], $0xffff  }
0xff: {  	v18 =	vor.u32 $0x7, v3;
	v15 =	vld.idx.msk [tilespmem:v15+s12+$0x0], $0xffff;
	v7 =	vmul.f32 v9, v7;
	v5 =	vadd.f32 v5, v8  }
0x100: {  	v52 =	vor.u32 $0x8, v3;
	v50 =	vld.idx.msk [tilespmem:v16+s14+$0x0], $0xffff  }
0x101: {  	v51 =	vor.u32 $0x8, v4;
	v12 =	vld.idx.msk [tilespmem:v47+s12+$0x0], $0xffff;
	v53 =	vmul.f32 v46, v11;
	v5 =	vadd.f32 v7, v5  }
0x102: {  	v56 =	vor.u32 $0x9, v3;
	v54 =	vld.idx.msk [tilespmem:v17+s14+$0x0], $0xffff  }
0x103: {  	v55 =	vor.u32 $0x9, v4;
	v14 =	vld.idx.msk [tilespmem:v49+s12+$0x0], $0xffff;
	v6 =	vmul.f32 v48, v13;
	v5 =	vadd.f32 v53, v5  }
0x104: {  	v59 =	vor.u32 $0xA, v3;
	v57 =	vld.idx.msk [tilespmem:v18+s14+$0x0], $0xffff  }
0x105: {  	v58 =	vor.u32 $0xA, v4;
	v61 =	vld.idx.msk [tilespmem:v52+s14+$0x0], $0xffff;
	v60 =	vmul.f32 v50, v15;
	v5 =	vadd.f32 v6, v5  }
0x106: {  	v63 =	vor.u32 $0xB, v3;
	v9 =	vld.idx.msk [tilespmem:v51+s12+$0x0], $0xffff  }
0x107: {  	v62 =	vor.u32 $0xB, v4;
	v21 =	vld.idx.msk [tilespmem:v56+s14+$0x0], $0xffff;
	v20 =	vmul.f32 v54, v12;
	v5 =	vadd.f32 v60, v5  }
0x108: {  	v23 =	vor.u32 $0xC, v3;
	v11 =	vld.idx.msk [tilespmem:v55+s12+$0x0], $0xffff  }
0x109: {  	v22 =	vor.u32 $0xC, v4;
	v25 =	vld.idx.msk [tilespmem:v59+s14+$0x0], $0xffff;
	v24 =	vmul.f32 v57, v14;
	v5 =	vadd.f32 v20, v5  }
0x10a: {  	v27 =	vor.u32 $0xD, v3;
	v13 =	vld.idx.msk [tilespmem:v58+s12+$0x0], $0xffff  }
0x10b: {  	v26 =	vor.u32 $0xD, v4;
	v29 =	vld.idx.msk [tilespmem:v63+s14+$0x0], $0xffff;
	v28 =	vmul.f32 v61, v9;
	v5 =	vadd.f32 v24, v5  }
0x10c: {  	v31 =	vor.u32 $0xE, v3;
	v15 =	vld.idx.msk [tilespmem:v62+s12+$0x0], $0xffff  }
0x10d: {  	v30 =	vor.u32 $0xE, v4;
	v33 =	vld.idx.msk [tilespmem:v23+s14+$0x0], $0xffff;
	v32 =	vmul.f32 v21, v11;
	v5 =	vadd.f32 v28, v5  }
0x10e: {  	v35 =	vor.u32 $0xF, v3;
	v12 =	vld.idx.msk [tilespmem:v22+s12+$0x0], $0xffff  }
0x10f: {  	v34 =	vor.u32 $0xF, v4;
	v37 =	vld.idx.msk [tilespmem:v27+s14+$0x0], $0xffff;
	v36 =	vmul.f32 v25, v13;
	v5 =	vadd.f32 v32, v5  }
0x110: {  	v39 =	vor.u32 $0x10, v3;
	v14 =	vld.idx.msk [tilespmem:v26+s12+$0x0], $0xffff  }
0x111: {  	v38 =	vor.u32 $0x10, v4;
	v41 =	vld.idx.msk [tilespmem:v31+s14+$0x0], $0xffff;
	v40 =	vmul.f32 v29, v15;
	v5 =	vadd.f32 v36, v5  }
0x112: {  	v42 =	vor.u32 $0x11, v4;
	v9 =	vld.idx.msk [tilespmem:v30+s12+$0x0], $0xffff  }
0x113: {  	v43 =	vor.u32 $0x11, v3;
	v45 =	vld.idx.msk [tilespmem:v35+s14+$0x0], $0xffff;
	v44 =	vmul.f32 v33, v12;
	v5 =	vadd.f32 v40, v5  }
0x114: {  	v47 =	vor.u32 $0x12, v3;
	v11 =	vld.idx.msk [tilespmem:v34+s12+$0x0], $0xffff  }
0x115: {  	v49 =	vld.idx.msk [tilespmem:v39+s14+$0x0], $0xffff;
	v46 =	vor.u32 $0x12, v4;
	v48 =	vmul.f32 v37, v14;
	v5 =	vadd.f32 v44, v5  }
0x116: {  	v50 =	vor.u32 $0x13, v4;
	v13 =	vld.idx.msk [tilespmem:v38+s12+$0x0], $0xffff  }
0x117: {  	v51 =	vor.u32 $0x13, v3;
	v15 =	vld.idx.msk [tilespmem:v42+s12+$0x0], $0xffff;
	v52 =	vmul.f32 v41, v9;
	v5 =	vadd.f32 v48, v5  }
0x118: {  	v55 =	vor.u32 $0x14, v3;
	v53 =	vld.idx.msk [tilespmem:v43+s14+$0x0], $0xffff  }
0x119: {  	v54 =	vor.u32 $0x14, v4;
	v57 =	vld.idx.msk [tilespmem:v47+s14+$0x0], $0xffff;
	v56 =	vmul.f32 v45, v11;
	v5 =	vadd.f32 v52, v5  }
0x11a: {  	v59 =	vor.u32 $0x15, v3;
	v12 =	vld.idx.msk [tilespmem:v46+s12+$0x0], $0xffff  }
0x11b: {  	v58 =	vor.u32 $0x15, v4;
	v14 =	vld.idx.msk [tilespmem:v50+s12+$0x0], $0xffff;
	v60 =	vmul.f32 v49, v13;
	v5 =	vadd.f32 v56, v5  }
0x11c: {  	v63 =	vor.u32 $0x16, v3;
	v61 =	vld.idx.msk [tilespmem:v51+s14+$0x0], $0xffff  }
0x11d: {  	v62 =	vor.u32 $0x16, v4;
	v22 =	vld.idx.msk [tilespmem:v55+s14+$0x0], $0xffff;
	v21 =	vmul.f32 v53, v15;
	v5 =	vadd.f32 v60, v5  }
0x11e: {  	v23 =	vor.u32 $0x17, v4;
	v9 =	vld.idx.msk [tilespmem:v54+s12+$0x0], $0xffff  }
0x11f: {  	v26 =	vld.idx.msk [tilespmem:v59+s14+$0x0], $0xffff;
	v25 =	vmul.f32 v57, v12;
	v24 =	vor.u32 $0x17, v3;
	v5 =	vadd.f32 v21, v5  }
0x120: {  	v27 =	vor.u32 $0x18, v4;
	v11 =	vld.idx.msk [tilespmem:v58+s12+$0x0], $0xffff  }
0x121: {  	v30 =	vld.idx.msk [tilespmem:v63+s14+$0x0], $0xffff;
	v29 =	vmul.f32 v61, v14;
	v28 =	vor.u32 $0x18, v3;
	v5 =	vadd.f32 v25, v5  }
0x122: {  	v31 =	vor.u32 $0x19, v4;
	v13 =	vld.idx.msk [tilespmem:v62+s12+$0x0], $0xffff  }
0x123: {  	v15 =	vld.idx.msk [tilespmem:v23+s12+$0x0], $0xffff;
	v33 =	vmul.f32 v22, v9;
	v32 =	vor.u32 $0x19, v3;
	v5 =	vadd.f32 v29, v5  }
0x124: {  	v35 =	vor.u32 $0x1A, v4;
	v34 =	vld.idx.msk [tilespmem:v24+s14+$0x0], $0xffff  }
0x125: {  	v12 =	vld.idx.msk [tilespmem:v27+s12+$0x0], $0xffff;
	v37 =	vmul.f32 v26, v11;
	v36 =	vor.u32 $0x1A, v3;
	v5 =	vadd.f32 v33, v5  }
0x126: {  	v39 =	vor.u32 $0x1B, v4;
	v38 =	vld.idx.msk [tilespmem:v28+s14+$0x0], $0xffff  }
0x127: {  	v14 =	vld.idx.msk [tilespmem:v31+s12+$0x0], $0xffff;
	v41 =	vmul.f32 v30, v13;
	v40 =	vor.u32 $0x1B, v3;
	v5 =	vadd.f32 v37, v5  }
0x128: {  	v43 =	vor.u32 $0x1C, v4;
	v42 =	vld.idx.msk [tilespmem:v32+s14+$0x0], $0xffff  }
0x129: {  	v9 =	vld.idx.msk [tilespmem:v35+s12+$0x0], $0xffff;
	v44 =	vor.u32 $0x1C, v3;
	v45 =	vmul.f32 v34, v15;
	v5 =	vadd.f32 v41, v5  }
0x12a: {  	v47 =	vor.u32 $0x1D, v4;
	v46 =	vld.idx.msk [tilespmem:v36+s14+$0x0], $0xffff  }
0x12b: {  	v11 =	vld.idx.msk [tilespmem:v39+s12+$0x0], $0xffff;
	v48 =	vor.u32 $0x1D, v3;
	v49 =	vmul.f32 v38, v12;
	v5 =	vadd.f32 v45, v5  }
0x12c: {  	v51 =	vor.u32 $0x1E, v4;
	v50 =	vld.idx.msk [tilespmem:v40+s14+$0x0], $0xffff  }
0x12d: {  	v13 =	vld.idx.msk [tilespmem:v43+s12+$0x0], $0xffff;
	v52 =	vor.u32 $0x1E, v3;
	v53 =	vmul.f32 v42, v14;
	v5 =	vadd.f32 v49, v5  }
0x12e: {  	v4 =	vor.u32 $0x1F, v4;
	v54 =	vld.idx.msk [tilespmem:v44+s14+$0x0], $0xffff  }
0x12f: {  	v55 =	vld.idx.msk [tilespmem:v47+s12+$0x0], $0xffff;
	v3 =	vor.u32 $0x1F, v3;
	v56 =	vmul.f32 v46, v9;
	v5 =	vadd.f32 v53, v5  }
0x130: {  	v57 =	vld.idx.msk [tilespmem:v48+s14+$0x0], $0xffff  }
0x131: {  	v58 =	vld.idx.msk [tilespmem:v51+s12+$0x0], $0xffff;
	v59 =	vmul.f32 v50, v11;
	v5 =	vadd.f32 v56, v5  }
0x132: {  	v60 =	vld.idx.msk [tilespmem:v52+s14+$0x0], $0xffff  }
0x133: {  	v4 =	vld.idx.msk [tilespmem:v4+s12+$0x0], $0xffff;
	v61 =	vmul.f32 v54, v13;
	v5 =	vadd.f32 v59, v5  }
0x134: {  	v3 =	vld.idx.msk [tilespmem:v3+s14+$0x0], $0xffff  }
0x135: {  	v62 =	vmul.f32 v57, v55;
	v5 =	vadd.f32 v61, v5;
	_ =	sdelay $0x1  }
0x136: {  	v63 =	vmul.f32 v60, v58;
	v5 =	vadd.f32 v62, v5;
	_ =	sdelay $0x1  }
0x137: {  	v3 =	vmul.f32 v3, v4;
	v5 =	vadd.f32 v63, v5;
	_ =	sdelay $0x1  }
0x138: {  	v3 =	vadd.f32 v3, v5;
	_ =	sdelay $0x1  }
0x139: {  	v3 =	vsub.f32 $0.0e+00, v3;
	_ =	sdelay $0x1  }
0x13a: {  	v3 =	vmul.f32 $1.442695020e+00, v3;
	_ =	sdelay $0x1  }
0x13b: {  	(erf) = vpow2.f32 v3;
	_ =	sdelay $0x8  }
0x13c: {  	v3 =	vpop (erf)  }
0x13d: {  	v3 =	vadd.f32 $1.000000000e+00, v3;
	_ =	sdelay $0x1  }
0x13e: {  	(erf) = vrcp.f32 v3;
	_ =	sdelay $0x4  }
0x13f: {  	v1 =	vand.u32 v2, v1;
	_ =	sdelay $0x3  }
0x140: {  	v2 =	vpop (erf)  }
0x141: {  	[tilespmem:v1+s20+$0x0] =	vst.idx.msk $0xffff, v2  }
0x142: {  	[tilespmem:s12], [sflag:$0x1] =	stream.indirect.gather [hbm4b:s3+s10], $0x80, s21, s10, $0xb8;
	[tilespmem:$0x10A00] =	vst v63  }
0x143: {  	_ = 	snop  }
0x144: {  	[tilespmem:s14], [sflag:$0x1] =	stream.indirect.gather [hbm4b:s4+s10], $0x80, s22, s10, $0xb8;
	[tilespmem:$0x10A00] =	vst v63  }
0x145: {  	_ = 	snop  }
0x146: {  	[tilespmem:s16], [sflag:$0x1] =	stream.indirect.gather [hbm4b:s3+s10], $0x80, s23, s10, $0xb8;
	[tilespmem:$0x10A00] =	vst v63  }
0x147: {  	_ = 	snop  }
0x148: {  	[tilespmem:s18], [sflag:$0x1] =	stream.indirect.gather [hbm4b:s4+s10], $0x80, s24, s10, $0xb8;
	[tilespmem:$0x10A00] =	vst v63  }
0x149: {  	_ =	swait.ge [sflag:s19], $0x4000  }
0x14a: {  	[sflag:s19] =	ssyncset.done $0x0  }
0x14b: {  	[sflag:s19] =	ssyncadd.s32 $0xFFFFC000  }
0x14c: {  	_ =	swait.ge [sflag:s19], $0x4000  }
0x14d: {  	[sflag:s19] =	ssyncset.done $0x0  }
0x14e: {  	[sflag:s19] =	ssyncadd.s32 $0xFFFFC000  }
0x14f: {  	_ =	swait.ge [sflag:s19], $0x4000  }
0x150: {  	[sflag:s19] =	ssyncset.done $0x0  }
0x151: {  	[sflag:s19] =	ssyncadd.s32 $0xFFFFC000  }
0x152: {  	_ =	swait.ge [sflag:s19], $0x4000  }
0x153: {  	[sflag:s19] =	ssyncset.done $0x0  }
0x154: {  	s28 =	simm.s32 $0x100;
	[sflag:s19] =	ssyncadd.s32 $0xFFFFC000  }
0x155: {  	s29 =	simm.s32 $0x300;
	v2 =	vld [tilespmem:s28+$0x0]  }
0x156: {  	s26 =	simm.s32 $0x0;
	s30 =	simm.s32 $0x10;
	v3 =	vld [tilespmem:s29+$0x0]  }
.LBB2_4:
0x157: {  	p0 =	sne.s32 s30, $0xF0;
	_ =	sdelay $0x1  }
0x158: {  	v4 =	vmov s26;
	v1 =	vmul.u32 $0x80, v0  }
0x159: {  	v4 =	vshll.u32 v4, $0x7;
	v2 =	vshrl.u32 v2, $0x9  }
0x15a: {  	v4 =	vor.u32 v1, v4;
	v2 =	vand.u32 $0x60, v2;
	v3 =	vshrl.u32 v3, $0x9  }
0x15b: {  	v5 =	vand.u32 $0x60, v3;
	v3 =	vor.u32 v4, v2  }
0x15c: {  	v2 =	vor.u32 v4, v5  }
0x15d: {  	v4 =	vor.u32 $0x1, v3  }
0x15e: {  	v5 =	vor.u32 $0x1, v2  }
0x15f: {  	v6 =	vor.u32 $0x2, v3  }
0x160: {  	v8 =	vor.u32 $0x2, v2;
	v7 =	vld.idx.msk [tilespmem:v3+s12+$0x0], $0xffff  }
0x161: {  	v10 =	vor.u32 $0x3, v3;
	v9 =	vld.idx.msk [tilespmem:v2+s14+$0x0], $0xffff  }
0x162: {  	v11 =	vor.u32 $0x3, v2;
	v4 =	vld.idx.msk [tilespmem:v4+s12+$0x0], $0xffff  }
0x163: {  	v12 =	vor.u32 $0x4, v3;
	v5 =	vld.idx.msk [tilespmem:v5+s14+$0x0], $0xffff  }
0x164: {  	v13 =	vor.u32 $0x4, v2;
	v6 =	vld.idx.msk [tilespmem:v6+s12+$0x0], $0xffff  }
0x165: {  	v14 =	vor.u32 $0x5, v3;
	v8 =	vld.idx.msk [tilespmem:v8+s14+$0x0], $0xffff  }
0x166: {  	v15 =	vor.u32 $0x5, v2;
	v10 =	vld.idx.msk [tilespmem:v10+s12+$0x0], $0xffff  }
0x167: {  	v7 =	vmul.f32 v9, v7;
	v9 =	vld.idx.msk [tilespmem:v11+s14+$0x0], $0xffff;
	v11 =	vor.u32 $0x6, v3  }
0x168: {  	v16 =	vor.u32 $0x6, v2;
	v12 =	vld.idx.msk [tilespmem:v12+s12+$0x0], $0xffff  }
0x169: {  	v7 =	vadd.f32 $0.0e+00, v7;
	v4 =	vmul.f32 v5, v4;
	v5 =	vld.idx.msk [tilespmem:v13+s14+$0x0], $0xffff;
	v13 =	vor.u32 $0x7, v3  }
0x16a: {  	v17 =	vor.u32 $0x7, v2;
	v14 =	vld.idx.msk [tilespmem:v14+s12+$0x0], $0xffff  }
0x16b: {  	v4 =	vadd.f32 v4, v7;
	v6 =	vmul.f32 v8, v6;
	v8 =	vor.u32 $0x8, v3;
	v7 =	vld.idx.msk [tilespmem:v15+s14+$0x0], $0xffff  }
0x16c: {  	v15 =	vor.u32 $0x8, v2;
	v11 =	vld.idx.msk [tilespmem:v11+s12+$0x0], $0xffff  }
0x16d: {  	v4 =	vadd.f32 v6, v4;
	v6 =	vmul.f32 v9, v10;
	v10 =	vor.u32 $0x9, v3;
	v9 =	vld.idx.msk [tilespmem:v16+s14+$0x0], $0xffff  }
0x16e: {  	v16 =	vor.u32 $0x9, v2;
	v13 =	vld.idx.msk [tilespmem:v13+s12+$0x0], $0xffff  }
0x16f: {  	v4 =	vadd.f32 v6, v4;
	v5 =	vmul.f32 v5, v12;
	v12 =	vor.u32 $0xA, v3;
	v6 =	vld.idx.msk [tilespmem:v17+s14+$0x0], $0xffff  }
0x170: {  	v17 =	vor.u32 $0xA, v2;
	v8 =	vld.idx.msk [tilespmem:v8+s12+$0x0], $0xffff  }
0x171: {  	v4 =	vadd.f32 v5, v4;
	v5 =	vmul.f32 v7, v14;
	v14 =	vor.u32 $0xB, v3;
	v7 =	vld.idx.msk [tilespmem:v15+s14+$0x0], $0xffff  }
0x172: {  	v15 =	vor.u32 $0xB, v2;
	v10 =	vld.idx.msk [tilespmem:v10+s12+$0x0], $0xffff  }
0x173: {  	v4 =	vadd.f32 v5, v4;
	v5 =	vmul.f32 v9, v11;
	v11 =	vor.u32 $0xC, v3;
	v9 =	vld.idx.msk [tilespmem:v16+s14+$0x0], $0xffff  }
0x174: {  	v16 =	vor.u32 $0xC, v2;
	v12 =	vld.idx.msk [tilespmem:v12+s12+$0x0], $0xffff  }
0x175: {  	v4 =	vadd.f32 v5, v4;
	v5 =	vmul.f32 v6, v13;
	v13 =	vor.u32 $0xD, v3;
	v6 =	vld.idx.msk [tilespmem:v17+s14+$0x0], $0xffff  }
0x176: {  	v17 =	vor.u32 $0xD, v2;
	v14 =	vld.idx.msk [tilespmem:v14+s12+$0x0], $0xffff  }
0x177: {  	v4 =	vadd.f32 v5, v4;
	v5 =	vmul.f32 v7, v8;
	v8 =	vor.u32 $0xE, v3;
	v7 =	vld.idx.msk [tilespmem:v15+s14+$0x0], $0xffff  }
0x178: {  	v15 =	vor.u32 $0xE, v2;
	v11 =	vld.idx.msk [tilespmem:v11+s12+$0x0], $0xffff  }
0x179: {  	v4 =	vadd.f32 v5, v4;
	v5 =	vmul.f32 v9, v10;
	v10 =	vor.u32 $0xF, v3;
	v9 =	vld.idx.msk [tilespmem:v16+s14+$0x0], $0xffff  }
0x17a: {  	v16 =	vor.u32 $0xF, v2;
	v13 =	vld.idx.msk [tilespmem:v13+s12+$0x0], $0xffff  }
0x17b: {  	v4 =	vadd.f32 v5, v4;
	v5 =	vmul.f32 v6, v12;
	v12 =	vor.u32 $0x10, v3;
	v6 =	vld.idx.msk [tilespmem:v17+s14+$0x0], $0xffff  }
0x17c: {  	v17 =	vor.u32 $0x10, v2;
	v8 =	vld.idx.msk [tilespmem:v8+s12+$0x0], $0xffff  }
0x17d: {  	v4 =	vadd.f32 v5, v4;
	v5 =	vmul.f32 v7, v14;
	v14 =	vor.u32 $0x11, v3;
	v7 =	vld.idx.msk [tilespmem:v15+s14+$0x0], $0xffff  }
0x17e: {  	v15 =	vor.u32 $0x11, v2;
	v10 =	vld.idx.msk [tilespmem:v10+s12+$0x0], $0xffff  }
0x17f: {  	v4 =	vadd.f32 v5, v4;
	v5 =	vmul.f32 v9, v11;
	v11 =	vor.u32 $0x12, v3;
	v9 =	vld.idx.msk [tilespmem:v16+s14+$0x0], $0xffff  }
0x180: {  	v16 =	vor.u32 $0x12, v2;
	v12 =	vld.idx.msk [tilespmem:v12+s12+$0x0], $0xffff  }
0x181: {  	v4 =	vadd.f32 v5, v4;
	v5 =	vmul.f32 v6, v13;
	v13 =	vor.u32 $0x13, v3;
	v6 =	vld.idx.msk [tilespmem:v17+s14+$0x0], $0xffff  }
0x182: {  	v17 =	vor.u32 $0x13, v2;
	v14 =	vld.idx.msk [tilespmem:v14+s12+$0x0], $0xffff  }
0x183: {  	v4 =	vadd.f32 v5, v4;
	v5 =	vmul.f32 v7, v8;
	v8 =	vor.u32 $0x14, v3;
	v7 =	vld.idx.msk [tilespmem:v15+s14+$0x0], $0xffff  }
0x184: {  	v15 =	vor.u32 $0x14, v2;
	v11 =	vld.idx.msk [tilespmem:v11+s12+$0x0], $0xffff  }
0x185: {  	v4 =	vadd.f32 v5, v4;
	v5 =	vmul.f32 v9, v10;
	v10 =	vor.u32 $0x15, v3;
	v9 =	vld.idx.msk [tilespmem:v16+s14+$0x0], $0xffff  }
0x186: {  	v16 =	vor.u32 $0x15, v2;
	v13 =	vld.idx.msk [tilespmem:v13+s12+$0x0], $0xffff  }
0x187: {  	v4 =	vadd.f32 v5, v4;
	v5 =	vmul.f32 v6, v12;
	v12 =	vor.u32 $0x16, v3;
	v6 =	vld.idx.msk [tilespmem:v17+s14+$0x0], $0xffff  }
0x188: {  	v17 =	vor.u32 $0x16, v2;
	v8 =	vld.idx.msk [tilespmem:v8+s12+$0x0], $0xffff  }
0x189: {  	v4 =	vadd.f32 v5, v4;
	v5 =	vmul.f32 v7, v14;
	v14 =	vor.u32 $0x17, v3;
	v7 =	vld.idx.msk [tilespmem:v15+s14+$0x0], $0xffff  }
0x18a: {  	v15 =	vor.u32 $0x17, v2;
	v10 =	vld.idx.msk [tilespmem:v10+s12+$0x0], $0xffff  }
0x18b: {  	v4 =	vadd.f32 v5, v4;
	v5 =	vmul.f32 v9, v11;
	v11 =	vor.u32 $0x18, v3;
	v9 =	vld.idx.msk [tilespmem:v16+s14+$0x0], $0xffff  }
0x18c: {  	v16 =	vor.u32 $0x18, v2;
	v12 =	vld.idx.msk [tilespmem:v12+s12+$0x0], $0xffff  }
0x18d: {  	v4 =	vadd.f32 v5, v4;
	v5 =	vmul.f32 v6, v13;
	v13 =	vor.u32 $0x19, v3;
	v6 =	vld.idx.msk [tilespmem:v17+s14+$0x0], $0xffff  }
0x18e: {  	v17 =	vor.u32 $0x19, v2;
	v14 =	vld.idx.msk [tilespmem:v14+s12+$0x0], $0xffff  }
0x18f: {  	v4 =	vadd.f32 v5, v4;
	v5 =	vmul.f32 v7, v8;
	v8 =	vor.u32 $0x1A, v3;
	v7 =	vld.idx.msk [tilespmem:v15+s14+$0x0], $0xffff  }
0x190: {  	v15 =	vor.u32 $0x1A, v2;
	v11 =	vld.idx.msk [tilespmem:v11+s12+$0x0], $0xffff  }
0x191: {  	v4 =	vadd.f32 v5, v4;
	v5 =	vmul.f32 v9, v10;
	v10 =	vor.u32 $0x1B, v3;
	v9 =	vld.idx.msk [tilespmem:v16+s14+$0x0], $0xffff  }
0x192: {  	v16 =	vor.u32 $0x1B, v2;
	v13 =	vld.idx.msk [tilespmem:v13+s12+$0x0], $0xffff  }
0x193: {  	v4 =	vadd.f32 v5, v4;
	v5 =	vmul.f32 v6, v12;
	v12 =	vor.u32 $0x1C, v3;
	v6 =	vld.idx.msk [tilespmem:v17+s14+$0x0], $0xffff  }
0x194: {  	v17 =	vor.u32 $0x1C, v2;
	v8 =	vld.idx.msk [tilespmem:v8+s12+$0x0], $0xffff  }
0x195: {  	v4 =	vadd.f32 v5, v4;
	v5 =	vmul.f32 v7, v14;
	v14 =	vor.u32 $0x1D, v3;
	v7 =	vld.idx.msk [tilespmem:v15+s14+$0x0], $0xffff  }
0x196: {  	v15 =	vor.u32 $0x1D, v2;
	v10 =	vld.idx.msk [tilespmem:v10+s12+$0x0], $0xffff  }
0x197: {  	v4 =	vadd.f32 v5, v4;
	v5 =	vmul.f32 v9, v11;
	v11 =	vor.u32 $0x1E, v3;
	v9 =	vld.idx.msk [tilespmem:v16+s14+$0x0], $0xffff  }
0x198: {  	v16 =	vor.u32 $0x1E, v2;
	v12 =	vld.idx.msk [tilespmem:v12+s12+$0x0], $0xffff  }
0x199: {  	v3 =	vor.u32 $0x1F, v3;
	v4 =	vadd.f32 v5, v4;
	v5 =	vmul.f32 v6, v13;
	v6 =	vld.idx.msk [tilespmem:v17+s14+$0x0], $0xffff  }
0x19a: {  	v2 =	vor.u32 $0x1F, v2;
	v13 =	vld.idx.msk [tilespmem:v14+s12+$0x0], $0xffff  }
0x19b: {  	v4 =	vadd.f32 v5, v4;
	v5 =	vmul.f32 v7, v8;
	v7 =	vld.idx.msk [tilespmem:v15+s14+$0x0], $0xffff  }
0x19c: {  	v8 =	vld.idx.msk [tilespmem:v11+s12+$0x0], $0xffff  }
0x19d: {  	v4 =	vadd.f32 v5, v4;
	v5 =	vmul.f32 v9, v10;
	v9 =	vld.idx.msk [tilespmem:v16+s14+$0x0], $0xffff  }
0x19e: {  	v3 =	vld.idx.msk [tilespmem:v3+s12+$0x0], $0xffff  }
0x19f: {  	v4 =	vadd.f32 v5, v4;
	v5 =	vmul.f32 v6, v12;
	v2 =	vld.idx.msk [tilespmem:v2+s14+$0x0], $0xffff;
	_ =	sdelay $0x1  }
0x1a0: {  	v4 =	vadd.f32 v5, v4;
	v5 =	vmul.f32 v7, v13;
	_ =	sdelay $0x1  }
0x1a1: {  	v4 =	vadd.f32 v5, v4;
	v5 =	vmul.f32 v9, v8;
	_ =	sdelay $0x1  }
0x1a2: {  	v4 =	vadd.f32 v5, v4;
	v2 =	vmul.f32 v2, v3;
	_ =	sdelay $0x1  }
0x1a3: {  	v2 =	vadd.f32 v2, v4;
	_ =	sdelay $0x1  }
0x1a4: {  	v2 =	vsub.f32 $0.0e+00, v2;
	_ =	sdelay $0x1  }
0x1a5: {  	v2 =	vmul.f32 $1.442695020e+00, v2;
	_ =	sdelay $0x1  }
0x1a6: {  	(erf) = vpow2.f32 v2;
	_ =	sdelay $0x8  }
0x1a7: {  	v2 =	vpop (erf)  }
0x1a8: {  	v2 =	vadd.f32 $1.000000000e+00, v2;
	_ =	sdelay $0x1  }
0x1a9: {  	(erf) = vrcp.f32 v2;
	_ =	sdelay $0x3  }
0x1aa: {  	s31 =	sadd.s32 $0x100, s26;
	s26 =	smov.u32 s30  }
0x1ab: {  	v2 =	vor.u32 s31, v0;
	_ =	sdelay $0x2  }
.Ltmp1:
0x1ac: {  	(pc) =	sbr.rel @p0 .LBB2_4-.Ltmp1, $4  }
0x1ad: {  	v3 =	vpop (erf)  }
0x1ae: {  	s28 =	sadd.s32 $0x10, s28;
	[tilespmem:v2+s20+$0x0] =	vst.idx.msk $0xffff, v3  }
0x1af: {  	s29 =	sadd.s32 $0x10, s29;
	v2 =	vld [tilespmem:s28+$0x0]  }
0x1b0: {  	s30 =	sadd.s32 $0x10, s30;
	v3 =	vld [tilespmem:s29+$0x0]  }
0x1b1: {  	_ =	sdelay $0x1  }
0x1b2: {  	v4 =	vmov s26  }
0x1b3: {  	v4 =	vshll.u32 v4, $0x7;
	v2 =	vshrl.u32 v2, $0x9  }
0x1b4: {  	v1 =	vor.u32 v1, v4;
	v2 =	vand.u32 $0x60, v2;
	v3 =	vshrl.u32 v3, $0x9  }
0x1b5: {  	v3 =	vand.u32 $0x60, v3;
	v2 =	vor.u32 v1, v2  }
0x1b6: {  	v1 =	vor.u32 v1, v3  }
0x1b7: {  	v3 =	vor.u32 $0x1, v2  }
0x1b8: {  	v47 =	vor.u32 $0x1, v1  }
0x1b9: {  	v5 =	vor.u32 $0x2, v2  }
0x1ba: {  	v7 =	vor.u32 $0x2, v1;
	v6 =	vld.idx.msk [tilespmem:v2+s12+$0x0], $0xffff  }
0x1bb: {  	v9 =	vor.u32 $0x3, v2;
	v8 =	vld.idx.msk [tilespmem:v1+s14+$0x0], $0xffff  }
0x1bc: {  	v10 =	vor.u32 $0x3, v1;
	v3 =	vld.idx.msk [tilespmem:v3+s12+$0x0], $0xffff  }
0x1bd: {  	v11 =	vor.u32 $0x4, v2;
	v4 =	vld.idx.msk [tilespmem:v47+s14+$0x0], $0xffff  }
0x1be: {  	v12 =	vor.u32 $0x4, v1;
	v5 =	vld.idx.msk [tilespmem:v5+s12+$0x0], $0xffff  }
0x1bf: {  	v13 =	vor.u32 $0x5, v2;
	v7 =	vld.idx.msk [tilespmem:v7+s14+$0x0], $0xffff  }
0x1c0: {  	v14 =	vor.u32 $0x5, v1;
	v9 =	vld.idx.msk [tilespmem:v9+s12+$0x0], $0xffff;
	v6 =	vmul.f32 v8, v6  }
0x1c1: {  	v49 =	vor.u32 $0x6, v2;
	v48 =	vld.idx.msk [tilespmem:v10+s14+$0x0], $0xffff  }
0x1c2: {  	v15 =	vor.u32 $0x6, v1;
	v11 =	vld.idx.msk [tilespmem:v11+s12+$0x0], $0xffff;
	v3 =	vmul.f32 v4, v3;
	v6 =	vadd.f32 $0.0e+00, v6  }
0x1c3: {  	v51 =	vor.u32 $0x7, v2;
	v50 =	vld.idx.msk [tilespmem:v12+s14+$0x0], $0xffff  }
0x1c4: {  	v16 =	vor.u32 $0x7, v1;
	v13 =	vld.idx.msk [tilespmem:v13+s12+$0x0], $0xffff;
	v5 =	vmul.f32 v7, v5;
	v3 =	vadd.f32 v3, v6  }
0x1c5: {  	v54 =	vor.u32 $0x8, v1;
	v52 =	vld.idx.msk [tilespmem:v14+s14+$0x0], $0xffff  }
0x1c6: {  	v53 =	vor.u32 $0x8, v2;
	v10 =	vld.idx.msk [tilespmem:v49+s12+$0x0], $0xffff;
	v55 =	vmul.f32 v48, v9;
	v3 =	vadd.f32 v5, v3  }
0x1c7: {  	v58 =	vor.u32 $0x9, v1;
	v56 =	vld.idx.msk [tilespmem:v15+s14+$0x0], $0xffff  }
0x1c8: {  	v57 =	vor.u32 $0x9, v2;
	v12 =	vld.idx.msk [tilespmem:v51+s12+$0x0], $0xffff;
	v4 =	vmul.f32 v50, v11;
	v3 =	vadd.f32 v55, v3  }
0x1c9: {  	v61 =	vor.u32 $0xA, v1;
	v59 =	vld.idx.msk [tilespmem:v16+s14+$0x0], $0xffff  }
0x1ca: {  	v60 =	vor.u32 $0xA, v2;
	v63 =	vld.idx.msk [tilespmem:v54+s14+$0x0], $0xffff;
	v62 =	vmul.f32 v52, v13;
	v3 =	vadd.f32 v4, v3  }
0x1cb: {  	v20 =	vor.u32 $0xB, v1;
	v7 =	vld.idx.msk [tilespmem:v53+s12+$0x0], $0xffff  }
0x1cc: {  	v19 =	vor.u32 $0xB, v2;
	v22 =	vld.idx.msk [tilespmem:v58+s14+$0x0], $0xffff;
	v21 =	vmul.f32 v56, v10;
	v3 =	vadd.f32 v62, v3  }
0x1cd: {  	v24 =	vor.u32 $0xC, v1;
	v9 =	vld.idx.msk [tilespmem:v57+s12+$0x0], $0xffff  }
0x1ce: {  	v23 =	vor.u32 $0xC, v2;
	v26 =	vld.idx.msk [tilespmem:v61+s14+$0x0], $0xffff;
	v25 =	vmul.f32 v59, v12;
	v3 =	vadd.f32 v21, v3  }
0x1cf: {  	v28 =	vor.u32 $0xD, v1;
	v11 =	vld.idx.msk [tilespmem:v60+s12+$0x0], $0xffff  }
0x1d0: {  	v27 =	vor.u32 $0xD, v2;
	v30 =	vld.idx.msk [tilespmem:v20+s14+$0x0], $0xffff;
	v29 =	vmul.f32 v63, v7;
	v3 =	vadd.f32 v25, v3  }
0x1d1: {  	v32 =	vor.u32 $0xE, v1;
	v13 =	vld.idx.msk [tilespmem:v19+s12+$0x0], $0xffff  }
0x1d2: {  	v31 =	vor.u32 $0xE, v2;
	v34 =	vld.idx.msk [tilespmem:v24+s14+$0x0], $0xffff;
	v33 =	vmul.f32 v22, v9;
	v3 =	vadd.f32 v29, v3  }
0x1d3: {  	v36 =	vor.u32 $0xF, v1;
	v10 =	vld.idx.msk [tilespmem:v23+s12+$0x0], $0xffff  }
0x1d4: {  	v35 =	vor.u32 $0xF, v2;
	v38 =	vld.idx.msk [tilespmem:v28+s14+$0x0], $0xffff;
	v37 =	vmul.f32 v26, v11;
	v3 =	vadd.f32 v33, v3  }
0x1d5: {  	v40 =	vor.u32 $0x10, v1;
	v12 =	vld.idx.msk [tilespmem:v27+s12+$0x0], $0xffff  }
0x1d6: {  	v39 =	vor.u32 $0x10, v2;
	v42 =	vld.idx.msk [tilespmem:v32+s14+$0x0], $0xffff;
	v41 =	vmul.f32 v30, v13;
	v3 =	vadd.f32 v37, v3  }
0x1d7: {  	v44 =	vor.u32 $0x11, v1;
	v7 =	vld.idx.msk [tilespmem:v31+s12+$0x0], $0xffff  }
0x1d8: {  	v43 =	vor.u32 $0x11, v2;
	v46 =	vld.idx.msk [tilespmem:v36+s14+$0x0], $0xffff;
	v45 =	vmul.f32 v34, v10;
	v3 =	vadd.f32 v41, v3  }
0x1d9: {  	v47 =	vor.u32 $0x12, v2;
	v9 =	vld.idx.msk [tilespmem:v35+s12+$0x0], $0xffff  }
0x1da: {  	v48 =	vor.u32 $0x12, v1;
	v50 =	vld.idx.msk [tilespmem:v40+s14+$0x0], $0xffff;
	v49 =	vmul.f32 v38, v12;
	v3 =	vadd.f32 v45, v3  }
0x1db: {  	v51 =	vor.u32 $0x13, v2;
	v11 =	vld.idx.msk [tilespmem:v39+s12+$0x0], $0xffff  }
0x1dc: {  	v54 =	vld.idx.msk [tilespmem:v44+s14+$0x0], $0xffff;
	v52 =	vor.u32 $0x13, v1;
	v53 =	vmul.f32 v42, v7;
	v3 =	vadd.f32 v49, v3  }
0x1dd: {  	v56 =	vor.u32 $0x14, v1;
	v13 =	vld.idx.msk [tilespmem:v43+s12+$0x0], $0xffff  }
0x1de: {  	v10 =	vld.idx.msk [tilespmem:v47+s12+$0x0], $0xffff;
	v55 =	vor.u32 $0x14, v2;
	v57 =	vmul.f32 v46, v9;
	v3 =	vadd.f32 v53, v3  }
0x1df: {  	v60 =	vor.u32 $0x15, v1;
	v58 =	vld.idx.msk [tilespmem:v48+s14+$0x0], $0xffff  }
0x1e0: {  	v59 =	vor.u32 $0x15, v2;
	v12 =	vld.idx.msk [tilespmem:v51+s12+$0x0], $0xffff;
	v61 =	vmul.f32 v50, v11;
	v3 =	vadd.f32 v57, v3  }
0x1e1: {  	v20 =	vor.u32 $0x16, v1;
	v62 =	vld.idx.msk [tilespmem:v52+s14+$0x0], $0xffff  }
0x1e2: {  	v63 =	vor.u32 $0x16, v2;
	v22 =	vld.idx.msk [tilespmem:v56+s14+$0x0], $0xffff;
	v21 =	vmul.f32 v54, v13;
	v3 =	vadd.f32 v61, v3  }
0x1e3: {  	v24 =	vor.u32 $0x17, v1;
	v7 =	vld.idx.msk [tilespmem:v55+s12+$0x0], $0xffff  }
0x1e4: {  	v23 =	vor.u32 $0x17, v2;
	v26 =	vld.idx.msk [tilespmem:v60+s14+$0x0], $0xffff;
	v25 =	vmul.f32 v58, v10;
	v3 =	vadd.f32 v21, v3  }
0x1e5: {  	v28 =	vor.u32 $0x18, v1;
	v9 =	vld.idx.msk [tilespmem:v59+s12+$0x0], $0xffff  }
0x1e6: {  	v27 =	vor.u32 $0x18, v2;
	v30 =	vld.idx.msk [tilespmem:v20+s14+$0x0], $0xffff;
	v29 =	vmul.f32 v62, v12;
	v3 =	vadd.f32 v25, v3  }
0x1e7: {  	v32 =	vor.u32 $0x19, v1;
	v11 =	vld.idx.msk [tilespmem:v63+s12+$0x0], $0xffff  }
0x1e8: {  	v31 =	vor.u32 $0x19, v2;
	v34 =	vld.idx.msk [tilespmem:v24+s14+$0x0], $0xffff;
	v33 =	vmul.f32 v22, v7;
	v3 =	vadd.f32 v29, v3  }
0x1e9: {  	v36 =	vor.u32 $0x1A, v1;
	v13 =	vld.idx.msk [tilespmem:v23+s12+$0x0], $0xffff  }
0x1ea: {  	v35 =	vor.u32 $0x1A, v2;
	v38 =	vld.idx.msk [tilespmem:v28+s14+$0x0], $0xffff;
	v37 =	vmul.f32 v26, v9;
	v3 =	vadd.f32 v33, v3  }
0x1eb: {  	v40 =	vor.u32 $0x1B, v1;
	v10 =	vld.idx.msk [tilespmem:v27+s12+$0x0], $0xffff  }
0x1ec: {  	v39 =	vor.u32 $0x1B, v2;
	v42 =	vld.idx.msk [tilespmem:v32+s14+$0x0], $0xffff;
	v41 =	vmul.f32 v30, v11;
	v3 =	vadd.f32 v37, v3  }
0x1ed: {  	v44 =	vor.u32 $0x1C, v1;
	v12 =	vld.idx.msk [tilespmem:v31+s12+$0x0], $0xffff  }
0x1ee: {  	v43 =	vor.u32 $0x1C, v2;
	v46 =	vld.idx.msk [tilespmem:v36+s14+$0x0], $0xffff;
	v45 =	vmul.f32 v34, v13;
	v3 =	vadd.f32 v41, v3  }
0x1ef: {  	v47 =	vor.u32 $0x1D, v2;
	v7 =	vld.idx.msk [tilespmem:v35+s12+$0x0], $0xffff  }
0x1f0: {  	v48 =	vor.u32 $0x1D, v1;
	v50 =	vld.idx.msk [tilespmem:v40+s14+$0x0], $0xffff;
	v49 =	vmul.f32 v38, v10;
	v3 =	vadd.f32 v45, v3  }
0x1f1: {  	v51 =	vor.u32 $0x1E, v2;
	v9 =	vld.idx.msk [tilespmem:v39+s12+$0x0], $0xffff  }
0x1f2: {  	v52 =	vor.u32 $0x1E, v1;
	v54 =	vld.idx.msk [tilespmem:v44+s14+$0x0], $0xffff;
	v53 =	vmul.f32 v42, v12;
	v3 =	vadd.f32 v49, v3  }
0x1f3: {  	v2 =	vor.u32 $0x1F, v2;
	v11 =	vld.idx.msk [tilespmem:v43+s12+$0x0], $0xffff  }
0x1f4: {  	v1 =	vor.u32 $0x1F, v1;
	v55 =	vld.idx.msk [tilespmem:v47+s12+$0x0], $0xffff;
	v56 =	vmul.f32 v46, v7;
	v3 =	vadd.f32 v53, v3  }
0x1f5: {  	v57 =	vld.idx.msk [tilespmem:v48+s14+$0x0], $0xffff  }
0x1f6: {  	v58 =	vld.idx.msk [tilespmem:v51+s12+$0x0], $0xffff;
	v59 =	vmul.f32 v50, v9;
	v3 =	vadd.f32 v56, v3  }
0x1f7: {  	v60 =	vld.idx.msk [tilespmem:v52+s14+$0x0], $0xffff  }
0x1f8: {  	v2 =	vld.idx.msk [tilespmem:v2+s12+$0x0], $0xffff;
	v61 =	vmul.f32 v54, v11;
	v3 =	vadd.f32 v59, v3  }
0x1f9: {  	v1 =	vld.idx.msk [tilespmem:v1+s14+$0x0], $0xffff  }
0x1fa: {  	v62 =	vmul.f32 v57, v55;
	v3 =	vadd.f32 v61, v3;
	_ =	sdelay $0x1  }
0x1fb: {  	v63 =	vmul.f32 v60, v58;
	v3 =	vadd.f32 v62, v3;
	_ =	sdelay $0x1  }
0x1fc: {  	v1 =	vmul.f32 v1, v2;
	v3 =	vadd.f32 v63, v3;
	_ =	sdelay $0x1  }
0x1fd: {  	v1 =	vadd.f32 v1, v3;
	_ =	sdelay $0x1  }
0x1fe: {  	v1 =	vsub.f32 $0.0e+00, v1;
	_ =	sdelay $0x1  }
0x1ff: {  	v1 =	vmul.f32 $1.442695020e+00, v1;
	_ =	sdelay $0x1  }
0x200: {  	(erf) = vpow2.f32 v1;
	_ =	sdelay $0x8  }
0x201: {  	v1 =	vpop (erf)  }
0x202: {  	v1 =	vadd.f32 $1.000000000e+00, v1;
	_ =	sdelay $0x1  }
0x203: {  	(erf) = vrcp.f32 v1;
	_ =	sdelay $0x3  }
0x204: {  	s31 =	sadd.s32 $0x100, s26  }
0x205: {  	v1 =	vor.u32 s31, v0;
	_ =	sdelay $0x2  }
0x206: {  	s25 =	sadd.s32 $0x1, s25  }
0x207: {  	p0 =	sne.s32 s25, s8;
	v2 =	vpop (erf)  }
.Ltmp2:
0x208: {  	[tilespmem:v1+s20+$0x0] =	vst.idx.msk $0xffff, v2;
	(pc) =	sbr.rel @p0 .LBB2_1-.Ltmp2, $4  }
0x209: {  	[hbm4b:s7+s1] =	stream.linear.scatter [tilespmem:s20], [sflag:$0x2], $0x200, $0x38;
	[tilespmem:$0x10A00] =	vst v63  }
0x20a: {  	_ =	swait.ge [sflag:s9], $0x200  }
0x20b: {  	[sflag:s9] =	ssyncset.done $0x0  }
0x20c: {  	[sflag:s9] =	ssyncadd.s32 $0xFFFFFE00  }
0x20d: {  	_ =	sfence.sel $0x180000  }
0x20e: {  	[bflag:$0x0] =	sbarrier.arrive $0xFFFF  }
0x20f: {  	p0 =	sne.s32 s2, $0x0;
	_ =	strace $0x90000047  }
0x210: {  	s0 =	sadd.s32 @!p0 $0x100000, s0;
	[bflag:$0x2] =	sbarrier.arrive $0xFFFF  }
0x211: {  	[sflag:s0] =	ssyncadd.tile.s32 @!p0 $0x1;
	_ =	shalt  }
.Lfunc_end2:
_tile_overlayer_lowered:
.L_overlay_start_2:
0x212: {  	(tag) =	ssettag $0x2  }
0x213: {  	s0 =	rddreg [dreg:$0x0];
	s2 =	stileid.u32  }
0x214: {  	s1 =	rddreg [dreg:$0x1];
	p0 =	sne.s32 s2, $0x0  }
0x215: {  	s3 =	rddreg [dreg:$0x2];
	[bflag:$0x3] =	sbarrier.arrive $0xFFFF;
	s2 =	simm.s32 @!p0 $0x1C02  }
0x216: {  	[timem:s3], [sflag:s2] =	dma.local @!p0 [hbm:s0], s1  }
0x217: {  	s0 =	simm.s32 @!p0 $0x2  }
0x218: {  	_ =	swait.ge @!p0 [sflag:s0], s1  }
0x219: {  	s1 =	ssub.s32 @!p0 $0x0, s1;
	[sflag:s0] =	ssyncset.done @!p0 $0x0  }
0x21a: {  	[sflag:s0] =	ssyncadd.s32 @!p0 s1  }
0x21b: {  	[bflag:$0x3] =	sbarrier.arrive $0xFFFF  }
0x21c: {  	_ =	shalt  }

</sc_bundles>
